<compile_context>
chip_gen: v7x
topology: tpu7x:2x2x1
jax: 0.10.2.dev20260603
libtpu: 0.0.44.dev20260713+nightly
codegen_flags: <defaults>
</compile_context>

<pallas_src>
import functools

import jax
import jax.numpy as jnp
from jax import lax
from jax.experimental import pallas as pl
from jax.experimental.pallas import tpu as pltpu
from jax.experimental.pallas import tpu_sc as plsc

B, N, D, OUT, K = 4, 4096, 128, 128, 20

TILE1 = 512
TILE3 = 256

NC, NS = 2, 16
NW = NC * NS
ROWS = B * N * K
PER_W = ROWS // NW
CH = 128
NCHUNK = PER_W // CH


def _stage1_body(xt_ref, xft_ref, w1a_ref, w1b_ref, b1_ref,
                 a_ref, bn_ref, idx_ref):
    b = pl.program_id(0)
    xr = xt_ref[0]
    xft = xft_ref[0]

    w1bT = w1b_ref[...]
    w1dT = w1a_ref[...] - w1bT
    a_ref[0] = jnp.dot(xr, w1dT, preferred_element_type=jnp.float32) + b1_ref[...]
    bn_ref[0] = jnp.dot(xr, w1bT, preferred_element_type=jnp.float32)

    inner = -2.0 * jnp.dot(xr, xft, preferred_element_type=jnp.float32)
    xx_r = jnp.sum(xr * xr, axis=1, keepdims=True)
    xx_c = jnp.sum(xft * xft, axis=0, keepdims=True)
    dist = -xx_r - inner - xx_c

    NEG = jnp.float32(float("-inf"))
    BIGC = jnp.int32(1 << 20)
    NCH = N // 128
    dcs = [dist[:, c * 128:(c + 1) * 128] for c in range(NCH)]
    JB, JE = 5, 6

    cur = dcs[0]
    for c in range(1, NCH):
        cur = jnp.maximum(cur, dcs[c])
    levels = [cur]
    for _ in range(JB - 1):
        prev = levels[-1]
        cur = jnp.full((TILE1, 128), NEG, jnp.float32)
        for c in range(NCH):
            cur = jnp.maximum(cur, jnp.where(dcs[c] >= prev, NEG, dcs[c]))
        levels.append(cur)
    pool = jnp.concatenate(levels, axis=1)
    for _ in range(K - 1):
        m = jnp.max(pool, axis=1, keepdims=True)
        pool = jnp.where(pool >= m, NEG, pool)
    v20 = jnp.max(pool, axis=1, keepdims=True)

    lane = lax.broadcasted_iota(jnp.int32, (TILE1, 128), 1)
    zero = jnp.zeros((TILE1, 128), jnp.int32)
    lo, hi = zero, zero
    for c in range(16):
        lo = lo | jnp.where(dcs[c] >= v20, jnp.int32(1 << c), 0)
    for c in range(16, NCH):
        hi = hi | jnp.where(dcs[c] >= v20, jnp.int32(1 << (c - 16)), 0)
    cands = []
    for _ in range(JE):
        use_lo = lo != 0
        w = jnp.where(use_lo, lo, hi)
        bit = w & (zero - w)
        e = (lax.bitcast_convert_type(bit.astype(jnp.float32), jnp.int32)
             >> 23) - 127
        ch = jnp.where(use_lo, e, e + 16)
        cands.append(jnp.where(w != 0, ch * 128 + lane, BIGC))
        lo = jnp.where(use_lo, lo ^ bit, lo)
        hi = jnp.where(use_lo, hi, hi ^ bit)
    cc = jnp.concatenate(cands, axis=1)
    cols = []
    for _ in range(K):
        amin = jnp.min(cc, axis=1, keepdims=True)
        cols.append(amin)
        cc = jnp.where(cc == amin, BIGC, cc)
    idx = jnp.concatenate(cols, axis=1)
    idx = jnp.where(idx >= N, 0, idx)
    idx_ref[0] = idx + b * N


def _stage1(x, xft, w1aT, w1bT, b1):
    nb = x.shape[0]
    grid = (nb, N // TILE1)
    return pl.pallas_call(
        _stage1_body,
        grid=grid,
        in_specs=[
            pl.BlockSpec((1, TILE1, D), lambda b, t: (b, t, 0)),
            pl.BlockSpec((1, D, N), lambda b, t: (b, 0, 0)),
            pl.BlockSpec((D, OUT), lambda b, t: (0, 0)),
            pl.BlockSpec((D, OUT), lambda b, t: (0, 0)),
            pl.BlockSpec((1, OUT), lambda b, t: (0, 0)),
        ],
        out_specs=[
            pl.BlockSpec((1, TILE1, OUT), lambda b, t: (b, t, 0)),
            pl.BlockSpec((1, TILE1, OUT), lambda b, t: (b, t, 0)),
            pl.BlockSpec((1, TILE1, K), lambda b, t: (b, t, 0)),
        ],
        out_shape=[
            jax.ShapeDtypeStruct((nb, N, OUT), jnp.float32),
            jax.ShapeDtypeStruct((nb, N, OUT), jnp.float32),
            jax.ShapeDtypeStruct((nb, N, K), jnp.int32),
        ],
    )(x, xft, w1aT, w1bT, b1)


def _sc_gather(table, idx3):
    nchunk = idx3.shape[1]
    rows = NW * nchunk * CH
    mesh = plsc.VectorSubcoreMesh(core_axis_name="c", subcore_axis_name="s")

    @functools.partial(
        pl.kernel, mesh=mesh,
        out_type=jax.ShapeDtypeStruct((rows, OUT), jnp.float32),
        scratch_types=[
            pltpu.VMEM((nchunk, CH), jnp.int32),
            pltpu.VMEM((CH, OUT), jnp.float32),
            pltpu.VMEM((CH, OUT), jnp.float32),
            pltpu.SemaphoreType.DMA,
            pltpu.SemaphoreType.DMA,
        ],
    )
    def gather_kernel(table_hbm, idx_hbm, out_hbm, idx_v, rows0, rows1, sem0,
                      sem1):
        wid = lax.axis_index("s") * NC + lax.axis_index("c")
        pltpu.sync_copy(idx_hbm.at[wid], idx_v)
        pltpu.async_copy(table_hbm.at[idx_v.at[0]], rows0, sem0)

        def body(i, carry):
            j0 = 2 * i
            j1 = j0 + 1
            pltpu.async_copy(table_hbm.at[idx_v.at[j1]], rows1, sem1)
            pltpu.make_async_copy(table_hbm.at[idx_v.at[j0]], rows0,
                                  sem0).wait()
            pltpu.sync_copy(rows0, out_hbm.at[pl.ds((wid * nchunk + j0) * CH,
                                                    CH)])

            @pl.when(j0 + 2 < nchunk)
            def _():
                pltpu.async_copy(table_hbm.at[idx_v.at[j0 + 2]], rows0, sem0)

            pltpu.make_async_copy(table_hbm.at[idx_v.at[j1]], rows1,
                                  sem1).wait()
            pltpu.sync_copy(rows1, out_hbm.at[pl.ds((wid * nchunk + j1) * CH,
                                                    CH)])
            return carry

        lax.fori_loop(0, nchunk // 2, body, 0)

    return gather_kernel(table, idx3)


def _stage3_body(a_ref, g_ref, w2t_ref, b2_ref, o_ref):
    a = a_ref[0]
    g = g_ref[...].reshape(TILE3, K, OUT)
    h = jnp.maximum(g + a[:, None, :], 0.0)
    h2 = jnp.dot(h.reshape(TILE3 * K, OUT), w2t_ref[...],
                 preferred_element_type=jnp.float32)
    o_ref[0] = jnp.max(h2.reshape(TILE3, K, OUT), axis=1) + b2_ref[...]


def _stage3(a, g, w2T, b2):
    nb = a.shape[0]
    nt = N // TILE3
    grid = (nb, nt)
    return pl.pallas_call(
        _stage3_body,
        grid=grid,
        in_specs=[
            pl.BlockSpec((1, TILE3, OUT), lambda b, t: (b, t, 0)),
            pl.BlockSpec((TILE3 * K, OUT), lambda b, t: (b * nt + t, 0)),
            pl.BlockSpec((OUT, OUT), lambda b, t: (0, 0)),
            pl.BlockSpec((1, OUT), lambda b, t: (0, 0)),
        ],
        out_specs=pl.BlockSpec((1, TILE3, OUT), lambda b, t: (b, t, 0)),
        out_shape=jax.ShapeDtypeStruct((nb, N, OUT), jnp.float32),
    )(a, g, w2T, b2)


def kernel(x, W1, b1, W2, b2):
    w1aT = jnp.transpose(W1[:, :D])
    w1bT = jnp.transpose(W1[:, D:])
    xft = jnp.swapaxes(x, 1, 2)
    b1r = b1.reshape(1, OUT)
    b2r = b2.reshape(1, OUT)
    w2T = jnp.transpose(W2)
    outs = []
    NB = 2
    for bi in range(0, B, NB):
        xb = lax.slice_in_dim(x, bi, bi + NB, axis=0)
        xftb = lax.slice_in_dim(xft, bi, bi + NB, axis=0)
        a, bn, idx = _stage1(xb, xftb, w1aT, w1bT, b1r)
        nchunk = NB * N * K // (NW * CH)
        g = _sc_gather(bn.reshape(NB * N, OUT), idx.reshape(NW, nchunk, CH))
        outs.append(_stage3(a, g, w2T, b2r))
    return jnp.concatenate(outs, axis=0)

# --- scband reference (transcript-rebuilt; emitter-appended) ---
"""Pipeline reference for scband-edge-conv-layer-55018531061846 (READ-ONLY COPY).

The authoritative reference and input builder live on the scoring server;
editing this copy changes nothing except your own understanding.
"""

import jax, jax.numpy as jnp
import numpy as np

B, N, D, OUT, K = 4, 4096, 128, 128, 20

def setup_inputs(seed: int = 0) -> dict:
    key = jax.random.key(seed)
    ks = jax.random.split(key, 5)
    x = jax.random.normal(ks[0], (B, N, D), dtype=jnp.float32)
    s1 = 1.0 / np.sqrt(2 * D)
    s2 = 1.0 / np.sqrt(OUT)
    W1 = jax.random.uniform(ks[1], (OUT, 2 * D), minval=-s1, maxval=s1, dtype=jnp.float32)
    b1 = jax.random.uniform(ks[2], (OUT,), minval=-s1, maxval=s1, dtype=jnp.float32)
    W2 = jax.random.uniform(ks[3], (OUT, OUT), minval=-s2, maxval=s2, dtype=jnp.float32)
    b2 = jax.random.uniform(ks[4], (OUT,), minval=-s2, maxval=s2, dtype=jnp.float32)
    return {"x": x, "W1": W1, "b1": b1, "W2": W2, "b2": b2}

def reference(x, W1, b1, W2, b2):
    # knn_graph: pairwise squared distances (negated), topk neighbors
    inner = -2.0 * jnp.matmul(x, jnp.swapaxes(x, -2, -1))
    xx = jnp.sum(x ** 2, axis=-1, keepdims=True)
    pairwise_distance = -xx - inner - jnp.swapaxes(xx, -2, -1)  # (B, N, N)
    _, idx = jax.lax.top_k(pairwise_distance, K)  # (B, N, K) int32
    # gather neighbor features: neighbors[b, n, j] = x[b, idx[b, n, j]]
    neighbors = jnp.take_along_axis(x[:, None, :, :], idx[..., None], axis=2)  # (B, N, K, D)
    central = jnp.broadcast_to(x[:, :, None, :], neighbors.shape)
    edge_features = jnp.concatenate([central, neighbors - central], axis=-1)  # (B, N, K, 2D)
    # MLP: Linear -> ReLU -> Linear (torch convention y = x @ W.T + b)
    h = jnp.maximum(edge_features @ W1.T + b1, 0.0)
    h = h @ W2.T + b2
    # max aggregation over neighbors
    x_new = jnp.max(h, axis=-2)  # (B, N, OUT)
    return x_new

if __name__ == "__main__":
    import jax
    _d = setup_inputs()
    print(jax.jit(kernel)(*tuple(_d.values())))

</pallas_src>

<mosaic_0001>
#map = affine_map<(d0, d1) -> (0, 0)>
#map1 = affine_map<(d0, d1) -> (0, 0, 0)>
module attributes {stable_mosaic.version = 14 : i64} {
  func.func @gather_kernel(%arg0: i32, %arg1: i32, %arg2: memref<8192x128xf32, #tpu.memory_space<hbm>>, %arg3: memref<32x40x128xi32, #tpu.memory_space<hbm>>, %arg4: memref<163840x128xf32, #tpu.memory_space<hbm>>, %arg5: memref<40x128xi32, #tpu.memory_space<vmem>>, %arg6: memref<128x128xf32, #tpu.memory_space<vmem>>, %arg7: memref<128x128xf32, #tpu.memory_space<vmem>>, %arg8: memref<!tpu.dma_semaphore, #tpu.memory_space<semaphore_mem>>, %arg9: memref<!tpu.dma_semaphore, #tpu.memory_space<semaphore_mem>>) attributes {dimension_semantics = [#tpu.dimension_semantics<core_parallel>, #tpu.dimension_semantics<subcore_parallel>], iteration_bounds = array<i64: 2, 16>, scalar_prefetch = 0 : i64, scratch_operands = 5 : i64, tpu.core_type = #tpu.core_type<sc_vector_subcore>, window_params = [{transform_indices = #map}, {transform_indices = #map1}, {transform_indices = #map}]} {
    %mul3A = arith.constant 2 : i32
    %mul3A_0 = arith.muli %arg1, %mul3A : i32
    %add3A = arith.addi %mul3A_0, %arg0 : i32
    "tpu.region"() ({
      %run_scoped3A = tpu.sem_alloc : memref<!tpu.dma_semaphore, #tpu.memory_space<semaphore_mem>>
      %dma_start3A_12 = arith.constant 0 : i32
      %dma_start3A_13 = arith.constant 0 : i32
      %dma_start3A_14 = tpu.memref_slice %arg3[%add3A, %dma_start3A_12, %dma_start3A_13] : memref<32x40x128xi32, #tpu.memory_space<hbm>> -> memref<1x40x128xi32, #tpu.memory_space<hbm>>
      %dma_start3A_15 = tpu.memref_squeeze %dma_start3A_14 : memref<1x40x128xi32, #tpu.memory_space<hbm>> -> memref<40x128xi32, #tpu.memory_space<hbm>>
      %dma_start3A_16 = arith.constant 0 : i32
      %dma_start3A_17 = arith.constant 0 : i32
      %dma_start3A_18 = tpu.memref_slice %arg3[%add3A, %dma_start3A_16, %dma_start3A_17] : memref<32x40x128xi32, #tpu.memory_space<hbm>> -> memref<1x40x128xi32, #tpu.memory_space<hbm>>
      %dma_start3A_19 = tpu.memref_squeeze %dma_start3A_18 : memref<1x40x128xi32, #tpu.memory_space<hbm>> -> memref<40x128xi32, #tpu.memory_space<hbm>>
      tpu.enqueue_dma source(%dma_start3A_19 : memref<40x128xi32, #tpu.memory_space<hbm>>) target(%arg5 : memref<40x128xi32, #tpu.memory_space<vmem>>) target_semaphore(%run_scoped3A : memref<!tpu.dma_semaphore, #tpu.memory_space<semaphore_mem>>)
      %dma_wait3A = arith.constant 0 : i32
      %dma_wait3A_20 = arith.constant 0 : i32
      %dma_wait3A_21 = tpu.memref_slice %arg3[%add3A, %dma_wait3A, %dma_wait3A_20] : memref<32x40x128xi32, #tpu.memory_space<hbm>> -> memref<1x40x128xi32, #tpu.memory_space<hbm>>
      %dma_wait3A_22 = tpu.memref_squeeze %dma_wait3A_21 : memref<1x40x128xi32, #tpu.memory_space<hbm>> -> memref<40x128xi32, #tpu.memory_space<hbm>>
      %dma_wait3A_23 = arith.constant 0 : i32
      %dma_wait3A_24 = arith.constant 0 : i32
      %dma_wait3A_25 = tpu.memref_slice %arg3[%add3A, %dma_wait3A_23, %dma_wait3A_24] : memref<32x40x128xi32, #tpu.memory_space<hbm>> -> memref<1x40x128xi32, #tpu.memory_space<hbm>>
      %dma_wait3A_26 = tpu.memref_squeeze %dma_wait3A_25 : memref<1x40x128xi32, #tpu.memory_space<hbm>> -> memref<40x128xi32, #tpu.memory_space<hbm>>
      tpu.wait_dma2 semaphore(%run_scoped3A : memref<!tpu.dma_semaphore, #tpu.memory_space<semaphore_mem>>) src(%dma_wait3A_26 : memref<40x128xi32, #tpu.memory_space<hbm>>) dst(%arg5 : memref<40x128xi32, #tpu.memory_space<vmem>>)
      tpu.yield
    }) : () -> ()
    %dma_start3A = arith.constant 0 : i32
    %dma_start3A_1 = arith.constant 0 : i32
    %dma_start3A_2 = tpu.memref_slice %arg5[%dma_start3A, %dma_start3A_1] : memref<40x128xi32, #tpu.memory_space<vmem>> -> memref<1x128xi32, #tpu.memory_space<vmem>>
    %dma_start3A_3 = tpu.memref_squeeze %dma_start3A_2 : memref<1x128xi32, #tpu.memory_space<vmem>> -> memref<128xi32, #tpu.memory_space<vmem>>
    %dma_start3A_4 = arith.constant 0 : i32
    %dma_start3A_5 = arith.constant 0 : i32
    %dma_start3A_6 = tpu.memref_slice %arg2[%dma_start3A_4, %dma_start3A_5] : memref<8192x128xf32, #tpu.memory_space<hbm>> -> memref<8192x128xf32, #tpu.memory_space<hbm>>
    tpu.enqueue_indirect_dma source(%dma_start3A_6 : memref<8192x128xf32, #tpu.memory_space<hbm>>) target(%arg6 : memref<128x128xf32, #tpu.memory_space<vmem>>) offsets(%dma_start3A_3 : memref<128xi32, #tpu.memory_space<vmem>>) semaphore(%arg8 : memref<!tpu.dma_semaphore, #tpu.memory_space<semaphore_mem>>)
    %scan3A = arith.constant 0 : i32
    %scan3A_7 = arith.constant 0 : i32
    %scan3A_8 = arith.constant 20 : i32
    %scan3A_9 = arith.addi %scan3A_7, %scan3A_8 : i32
    %scan3A_10 = arith.constant 1 : i32
    scf.for %scan3A_12 = %scan3A_7 to %scan3A_9 step %scan3A_10  : i32 {
      %mul3A_13 = arith.constant 2 : i32
      %mul3A_14 = arith.muli %mul3A_13, %scan3A_12 : i32
      %add3A_15 = arith.constant 1 : i32
      %add3A_16 = arith.addi %mul3A_14, %add3A_15 : i32
      %dma_start3A_17 = arith.constant 0 : i32
      %dma_start3A_18 = tpu.memref_slice %arg5[%add3A_16, %dma_start3A_17] : memref<40x128xi32, #tpu.memory_space<vmem>> -> memref<1x128xi32, #tpu.memory_space<vmem>>
      %dma_start3A_19 = tpu.memref_squeeze %dma_start3A_18 : memref<1x128xi32, #tpu.memory_space<vmem>> -> memref<128xi32, #tpu.memory_space<vmem>>
      %dma_start3A_20 = arith.constant 0 : i32
      %dma_start3A_21 = arith.constant 0 : i32
      %dma_start3A_22 = tpu.memref_slice %arg2[%dma_start3A_20, %dma_start3A_21] : memref<8192x128xf32, #tpu.memory_space<hbm>> -> memref<8192x128xf32, #tpu.memory_space<hbm>>
      tpu.enqueue_indirect_dma source(%dma_start3A_22 : memref<8192x128xf32, #tpu.memory_space<hbm>>) target(%arg7 : memref<128x128xf32, #tpu.memory_space<vmem>>) offsets(%dma_start3A_19 : memref<128xi32, #tpu.memory_space<vmem>>) semaphore(%arg9 : memref<!tpu.dma_semaphore, #tpu.memory_space<semaphore_mem>>)
      %dma_wait3A = arith.constant 0 : i32
      %dma_wait3A_23 = tpu.memref_slice %arg5[%mul3A_14, %dma_wait3A] : memref<40x128xi32, #tpu.memory_space<vmem>> -> memref<1x128xi32, #tpu.memory_space<vmem>>
      %dma_wait3A_24 = tpu.memref_squeeze %dma_wait3A_23 : memref<1x128xi32, #tpu.memory_space<vmem>> -> memref<128xi32, #tpu.memory_space<vmem>>
      %dma_wait3A_25 = arith.constant 0 : i32
      %dma_wait3A_26 = arith.constant 0 : i32
      %dma_wait3A_27 = tpu.memref_slice %arg2[%dma_wait3A_25, %dma_wait3A_26] : memref<8192x128xf32, #tpu.memory_space<hbm>> -> memref<8192x128xf32, #tpu.memory_space<hbm>>
      tpu.wait_indirect_dma semaphore(%arg8 : memref<!tpu.dma_semaphore, #tpu.memory_space<semaphore_mem>>) src(%dma_wait3A_27 : memref<8192x128xf32, #tpu.memory_space<hbm>>) dst(%arg6 : memref<128x128xf32, #tpu.memory_space<vmem>>)
      %mul3A_28 = arith.constant 40 : i32
      %mul3A_29 = arith.muli %add3A, %mul3A_28 : i32
      %add3A_30 = arith.addi %mul3A_29, %mul3A_14 : i32
      %mul3A_31 = arith.constant 128 : i32
      %mul3A_32 = arith.muli %add3A_30, %mul3A_31 : i32
      "tpu.region"() ({
        %run_scoped3A = tpu.sem_alloc : memref<!tpu.dma_semaphore, #tpu.memory_space<semaphore_mem>>
        %dma_start3A_48 = arith.constant 0 : i32
        %dma_start3A_49 = tpu.memref_slice %arg4[%mul3A_32, %dma_start3A_48] : memref<163840x128xf32, #tpu.memory_space<hbm>> -> memref<128x128xf32, #tpu.memory_space<hbm>>
        %dma_start3A_50 = arith.constant 0 : i32
        %dma_start3A_51 = tpu.memref_slice %arg4[%mul3A_32, %dma_start3A_50] : memref<163840x128xf32, #tpu.memory_space<hbm>> -> memref<128x128xf32, #tpu.memory_space<hbm>>
        tpu.enqueue_dma source(%arg6 : memref<128x128xf32, #tpu.memory_space<vmem>>) target(%dma_start3A_51 : memref<128x128xf32, #tpu.memory_space<hbm>>) target_semaphore(%run_scoped3A : memref<!tpu.dma_semaphore, #tpu.memory_space<semaphore_mem>>)
        %dma_wait3A_52 = arith.constant 0 : i32
        %dma_wait3A_53 = tpu.memref_slice %arg4[%mul3A_32, %dma_wait3A_52] : memref<163840x128xf32, #tpu.memory_space<hbm>> -> memref<128x128xf32, #tpu.memory_space<hbm>>
        %dma_wait3A_54 = arith.constant 0 : i32
        %dma_wait3A_55 = tpu.memref_slice %arg4[%mul3A_32, %dma_wait3A_54] : memref<163840x128xf32, #tpu.memory_space<hbm>> -> memref<128x128xf32, #tpu.memory_space<hbm>>
        tpu.wait_dma2 semaphore(%run_scoped3A : memref<!tpu.dma_semaphore, #tpu.memory_space<semaphore_mem>>) src(%arg6 : memref<128x128xf32, #tpu.memory_space<vmem>>) dst(%dma_wait3A_55 : memref<128x128xf32, #tpu.memory_space<hbm>>)
        tpu.yield
      }) : () -> ()
      %add3A_33 = arith.constant 2 : i32
      %add3A_34 = arith.addi %mul3A_14, %add3A_33 : i32
      %lt3A = arith.constant 40 : i32
      %lt3A_35 = arith.cmpi slt, %add3A_34, %lt3A : i32
      %convert_element_type3A = arith.extui %lt3A_35 : i1 to i32
      %cond3A = arith.constant 0 : i32
      %cond3A_36 = arith.cmpi ne, %convert_element_type3A, %cond3A : i32
      scf.if %cond3A_36 {
        %add3A_48 = arith.constant 2 : i32
        %add3A_49 = arith.addi %mul3A_14, %add3A_48 : i32
        %dma_start3A_50 = arith.constant 0 : i32
        %dma_start3A_51 = tpu.memref_slice %arg5[%add3A_49, %dma_start3A_50] : memref<40x128xi32, #tpu.memory_space<vmem>> -> memref<1x128xi32, #tpu.memory_space<vmem>>
        %dma_start3A_52 = tpu.memref_squeeze %dma_start3A_51 : memref<1x128xi32, #tpu.memory_space<vmem>> -> memref<128xi32, #tpu.memory_space<vmem>>
        %dma_start3A_53 = arith.constant 0 : i32
        %dma_start3A_54 = arith.constant 0 : i32
        %dma_start3A_55 = tpu.memref_slice %arg2[%dma_start3A_53, %dma_start3A_54] : memref<8192x128xf32, #tpu.memory_space<hbm>> -> memref<8192x128xf32, #tpu.memory_space<hbm>>
        tpu.enqueue_indirect_dma source(%dma_start3A_55 : memref<8192x128xf32, #tpu.memory_space<hbm>>) target(%arg6 : memref<128x128xf32, #tpu.memory_space<vmem>>) offsets(%dma_start3A_52 : memref<128xi32, #tpu.memory_space<vmem>>) semaphore(%arg8 : memref<!tpu.dma_semaphore, #tpu.memory_space<semaphore_mem>>)
      } else {
      }
      %dma_wait3A_37 = arith.constant 0 : i32
      %dma_wait3A_38 = tpu.memref_slice %arg5[%add3A_16, %dma_wait3A_37] : memref<40x128xi32, #tpu.memory_space<vmem>> -> memref<1x128xi32, #tpu.memory_space<vmem>>
      %dma_wait3A_39 = tpu.memref_squeeze %dma_wait3A_38 : memref<1x128xi32, #tpu.memory_space<vmem>> -> memref<128xi32, #tpu.memory_space<vmem>>
      %dma_wait3A_40 = arith.constant 0 : i32
      %dma_wait3A_41 = arith.constant 0 : i32
      %dma_wait3A_42 = tpu.memref_slice %arg2[%dma_wait3A_40, %dma_wait3A_41] : memref<8192x128xf32, #tpu.memory_space<hbm>> -> memref<8192x128xf32, #tpu.memory_space<hbm>>
      tpu.wait_indirect_dma semaphore(%arg9 : memref<!tpu.dma_semaphore, #tpu.memory_space<semaphore_mem>>) src(%dma_wait3A_42 : memref<8192x128xf32, #tpu.memory_space<hbm>>) dst(%arg7 : memref<128x128xf32, #tpu.memory_space<vmem>>)
      %mul3A_43 = arith.constant 40 : i32
      %mul3A_44 = arith.muli %add3A, %mul3A_43 : i32
      %add3A_45 = arith.addi %mul3A_44, %add3A_16 : i32
      %mul3A_46 = arith.constant 128 : i32
      %mul3A_47 = arith.muli %add3A_45, %mul3A_46 : i32
      "tpu.region"() ({
        %run_scoped3A = tpu.sem_alloc : memref<!tpu.dma_semaphore, #tpu.memory_space<semaphore_mem>>
        %dma_start3A_48 = arith.constant 0 : i32
        %dma_start3A_49 = tpu.memref_slice %arg4[%mul3A_47, %dma_start3A_48] : memref<163840x128xf32, #tpu.memory_space<hbm>> -> memref<128x128xf32, #tpu.memory_space<hbm>>
        %dma_start3A_50 = arith.constant 0 : i32
        %dma_start3A_51 = tpu.memref_slice %arg4[%mul3A_47, %dma_start3A_50] : memref<163840x128xf32, #tpu.memory_space<hbm>> -> memref<128x128xf32, #tpu.memory_space<hbm>>
        tpu.enqueue_dma source(%arg7 : memref<128x128xf32, #tpu.memory_space<vmem>>) target(%dma_start3A_51 : memref<128x128xf32, #tpu.memory_space<hbm>>) target_semaphore(%run_scoped3A : memref<!tpu.dma_semaphore, #tpu.memory_space<semaphore_mem>>)
        %dma_wait3A_52 = arith.constant 0 : i32
        %dma_wait3A_53 = tpu.memref_slice %arg4[%mul3A_47, %dma_wait3A_52] : memref<163840x128xf32, #tpu.memory_space<hbm>> -> memref<128x128xf32, #tpu.memory_space<hbm>>
        %dma_wait3A_54 = arith.constant 0 : i32
        %dma_wait3A_55 = tpu.memref_slice %arg4[%mul3A_47, %dma_wait3A_54] : memref<163840x128xf32, #tpu.memory_space<hbm>> -> memref<128x128xf32, #tpu.memory_space<hbm>>
        tpu.wait_dma2 semaphore(%run_scoped3A : memref<!tpu.dma_semaphore, #tpu.memory_space<semaphore_mem>>) src(%arg7 : memref<128x128xf32, #tpu.memory_space<vmem>>) dst(%dma_wait3A_55 : memref<128x128xf32, #tpu.memory_space<hbm>>)
        tpu.yield
      }) : () -> ()
    }
    %scan3A_11 = arith.constant 20 : i32
    return
  }
}

#map = affine_map<(d0, d1) -> (0, 0)>
#map1 = affine_map<(d0, d1) -> (0, 0, 0)>
module attributes {stable_mosaic.version = 14 : i64} {
  func.func @gather_kernel(%arg0: i32, %arg1: i32, %arg2: memref<8192x128xf32, #tpu.memory_space<hbm>>, %arg3: memref<32x40x128xi32, #tpu.memory_space<hbm>>, %arg4: memref<163840x128xf32, #tpu.memory_space<hbm>>, %arg5: memref<40x128xi32, #tpu.memory_space<vmem>>, %arg6: memref<128x128xf32, #tpu.memory_space<vmem>>, %arg7: memref<128x128xf32, #tpu.memory_space<vmem>>, %arg8: memref<!tpu.dma_semaphore, #tpu.memory_space<semaphore_mem>>, %arg9: memref<!tpu.dma_semaphore, #tpu.memory_space<semaphore_mem>>) attributes {dimension_semantics = [#tpu.dimension_semantics<core_parallel>, #tpu.dimension_semantics<subcore_parallel>], iteration_bounds = array<i64: 2, 16>, scalar_prefetch = 0 : i64, scratch_operands = 5 : i64, tpu.core_type = #tpu.core_type<sc_vector_subcore>, window_params = [{transform_indices = #map}, {transform_indices = #map1}, {transform_indices = #map}]} {
    %mul3A = arith.constant 2 : i32
    %mul3A_0 = arith.muli %arg1, %mul3A : i32
    %add3A = arith.addi %mul3A_0, %arg0 : i32
    "tpu.region"() ({
      %run_scoped3A = tpu.sem_alloc : memref<!tpu.dma_semaphore, #tpu.memory_space<semaphore_mem>>
      %dma_start3A_12 = arith.constant 0 : i32
      %dma_start3A_13 = arith.constant 0 : i32
      %dma_start3A_14 = tpu.memref_slice %arg3[%add3A, %dma_start3A_12, %dma_start3A_13] : memref<32x40x128xi32, #tpu.memory_space<hbm>> -> memref<1x40x128xi32, #tpu.memory_space<hbm>>
      %dma_start3A_15 = tpu.memref_squeeze %dma_start3A_14 : memref<1x40x128xi32, #tpu.memory_space<hbm>> -> memref<40x128xi32, #tpu.memory_space<hbm>>
      %dma_start3A_16 = arith.constant 0 : i32
      %dma_start3A_17 = arith.constant 0 : i32
      %dma_start3A_18 = tpu.memref_slice %arg3[%add3A, %dma_start3A_16, %dma_start3A_17] : memref<32x40x128xi32, #tpu.memory_space<hbm>> -> memref<1x40x128xi32, #tpu.memory_space<hbm>>
      %dma_start3A_19 = tpu.memref_squeeze %dma_start3A_18 : memref<1x40x128xi32, #tpu.memory_space<hbm>> -> memref<40x128xi32, #tpu.memory_space<hbm>>
      tpu.enqueue_dma source(%dma_start3A_19 : memref<40x128xi32, #tpu.memory_space<hbm>>) target(%arg5 : memref<40x128xi32, #tpu.memory_space<vmem>>) target_semaphore(%run_scoped3A : memref<!tpu.dma_semaphore, #tpu.memory_space<semaphore_mem>>)
      %dma_wait3A = arith.constant 0 : i32
      %dma_wait3A_20 = arith.constant 0 : i32
      %dma_wait3A_21 = tpu.memref_slice %arg3[%add3A, %dma_wait3A, %dma_wait3A_20] : memref<32x40x128xi32, #tpu.memory_space<hbm>> -> memref<1x40x128xi32, #tpu.memory_space<hbm>>
      %dma_wait3A_22 = tpu.memref_squeeze %dma_wait3A_21 : memref<1x40x128xi32, #tpu.memory_space<hbm>> -> memref<40x128xi32, #tpu.memory_space<hbm>>
      %dma_wait3A_23 = arith.constant 0 : i32
      %dma_wait3A_24 = arith.constant 0 : i32
      %dma_wait3A_25 = tpu.memref_slice %arg3[%add3A, %dma_wait3A_23, %dma_wait3A_24] : memref<32x40x128xi32, #tpu.memory_space<hbm>> -> memref<1x40x128xi32, #tpu.memory_space<hbm>>
      %dma_wait3A_26 = tpu.memref_squeeze %dma_wait3A_25 : memref<1x40x128xi32, #tpu.memory_space<hbm>> -> memref<40x128xi32, #tpu.memory_space<hbm>>
      tpu.wait_dma2 semaphore(%run_scoped3A : memref<!tpu.dma_semaphore, #tpu.memory_space<semaphore_mem>>) src(%dma_wait3A_26 : memref<40x128xi32, #tpu.memory_space<hbm>>) dst(%arg5 : memref<40x128xi32, #tpu.memory_space<vmem>>)
      tpu.yield
    }) : () -> ()
    %dma_start3A = arith.constant 0 : i32
    %dma_start3A_1 = arith.constant 0 : i32
    %dma_start3A_2 = tpu.memref_slice %arg5[%dma_start3A, %dma_start3A_1] : memref<40x128xi32, #tpu.memory_space<vmem>> -> memref<1x128xi32, #tpu.memory_space<vmem>>
    %dma_start3A_3 = tpu.memref_squeeze %dma_start3A_2 : memref<1x128xi32, #tpu.memory_space<vmem>> -> memref<128xi32, #tpu.memory_space<vmem>>
    %dma_start3A_4 = arith.constant 0 : i32
    %dma_start3A_5 = arith.constant 0 : i32
    %dma_start3A_6 = tpu.memref_slice %arg2[%dma_start3A_4, %dma_start3A_5] : memref<8192x128xf32, #tpu.memory_space<hbm>> -> memref<8192x128xf32, #tpu.memory_space<hbm>>
    tpu.enqueue_indirect_dma source(%dma_start3A_6 : memref<8192x128xf32, #tpu.memory_space<hbm>>) target(%arg6 : memref<128x128xf32, #tpu.memory_space<vmem>>) offsets(%dma_start3A_3 : memref<128xi32, #tpu.memory_space<vmem>>) semaphore(%arg8 : memref<!tpu.dma_semaphore, #tpu.memory_space<semaphore_mem>>)
    %scan3A = arith.constant 0 : i32
    %scan3A_7 = arith.constant 0 : i32
    %scan3A_8 = arith.constant 20 : i32
    %scan3A_9 = arith.addi %scan3A_7, %scan3A_8 : i32
    %scan3A_10 = arith.constant 1 : i32
    scf.for %scan3A_12 = %scan3A_7 to %scan3A_9 step %scan3A_10  : i32 {
      %mul3A_13 = arith.constant 2 : i32
      %mul3A_14 = arith.muli %mul3A_13, %scan3A_12 : i32
      %add3A_15 = arith.constant 1 : i32
      %add3A_16 = arith.addi %mul3A_14, %add3A_15 : i32
      %dma_start3A_17 = arith.constant 0 : i32
      %dma_start3A_18 = tpu.memref_slice %arg5[%add3A_16, %dma_start3A_17] : memref<40x128xi32, #tpu.memory_space<vmem>> -> memref<1x128xi32, #tpu.memory_space<vmem>>
      %dma_start3A_19 = tpu.memref_squeeze %dma_start3A_18 : memref<1x128xi32, #tpu.memory_space<vmem>> -> memref<128xi32, #tpu.memory_space<vmem>>
      %dma_start3A_20 = arith.constant 0 : i32
      %dma_start3A_21 = arith.constant 0 : i32
      %dma_start3A_22 = tpu.memref_slice %arg2[%dma_start3A_20, %dma_start3A_21] : memref<8192x128xf32, #tpu.memory_space<hbm>> -> memref<8192x128xf32, #tpu.memory_space<hbm>>
      tpu.enqueue_indirect_dma source(%dma_start3A_22 : memref<8192x128xf32, #tpu.memory_space<hbm>>) target(%arg7 : memref<128x128xf32, #tpu.memory_space<vmem>>) offsets(%dma_start3A_19 : memref<128xi32, #tpu.memory_space<vmem>>) semaphore(%arg9 : memref<!tpu.dma_semaphore, #tpu.memory_space<semaphore_mem>>)
      %dma_wait3A = arith.constant 0 : i32
      %dma_wait3A_23 = tpu.memref_slice %arg5[%mul3A_14, %dma_wait3A] : memref<40x128xi32, #tpu.memory_space<vmem>> -> memref<1x128xi32, #tpu.memory_space<vmem>>
      %dma_wait3A_24 = tpu.memref_squeeze %dma_wait3A_23 : memref<1x128xi32, #tpu.memory_space<vmem>> -> memref<128xi32, #tpu.memory_space<vmem>>
      %dma_wait3A_25 = arith.constant 0 : i32
      %dma_wait3A_26 = arith.constant 0 : i32
      %dma_wait3A_27 = tpu.memref_slice %arg2[%dma_wait3A_25, %dma_wait3A_26] : memref<8192x128xf32, #tpu.memory_space<hbm>> -> memref<8192x128xf32, #tpu.memory_space<hbm>>
      tpu.wait_indirect_dma semaphore(%arg8 : memref<!tpu.dma_semaphore, #tpu.memory_space<semaphore_mem>>) src(%dma_wait3A_27 : memref<8192x128xf32, #tpu.memory_space<hbm>>) dst(%arg6 : memref<128x128xf32, #tpu.memory_space<vmem>>)
      %mul3A_28 = arith.constant 40 : i32
      %mul3A_29 = arith.muli %add3A, %mul3A_28 : i32
      %add3A_30 = arith.addi %mul3A_29, %mul3A_14 : i32
      %mul3A_31 = arith.constant 128 : i32
      %mul3A_32 = arith.muli %add3A_30, %mul3A_31 : i32
      "tpu.region"() ({
        %run_scoped3A = tpu.sem_alloc : memref<!tpu.dma_semaphore, #tpu.memory_space<semaphore_mem>>
        %dma_start3A_48 = arith.constant 0 : i32
        %dma_start3A_49 = tpu.memref_slice %arg4[%mul3A_32, %dma_start3A_48] : memref<163840x128xf32, #tpu.memory_space<hbm>> -> memref<128x128xf32, #tpu.memory_space<hbm>>
        %dma_start3A_50 = arith.constant 0 : i32
        %dma_start3A_51 = tpu.memref_slice %arg4[%mul3A_32, %dma_start3A_50] : memref<163840x128xf32, #tpu.memory_space<hbm>> -> memref<128x128xf32, #tpu.memory_space<hbm>>
        tpu.enqueue_dma source(%arg6 : memref<128x128xf32, #tpu.memory_space<vmem>>) target(%dma_start3A_51 : memref<128x128xf32, #tpu.memory_space<hbm>>) target_semaphore(%run_scoped3A : memref<!tpu.dma_semaphore, #tpu.memory_space<semaphore_mem>>)
        %dma_wait3A_52 = arith.constant 0 : i32
        %dma_wait3A_53 = tpu.memref_slice %arg4[%mul3A_32, %dma_wait3A_52] : memref<163840x128xf32, #tpu.memory_space<hbm>> -> memref<128x128xf32, #tpu.memory_space<hbm>>
        %dma_wait3A_54 = arith.constant 0 : i32
        %dma_wait3A_55 = tpu.memref_slice %arg4[%mul3A_32, %dma_wait3A_54] : memref<163840x128xf32, #tpu.memory_space<hbm>> -> memref<128x128xf32, #tpu.memory_space<hbm>>
        tpu.wait_dma2 semaphore(%run_scoped3A : memref<!tpu.dma_semaphore, #tpu.memory_space<semaphore_mem>>) src(%arg6 : memref<128x128xf32, #tpu.memory_space<vmem>>) dst(%dma_wait3A_55 : memref<128x128xf32, #tpu.memory_space<hbm>>)
        tpu.yield
      }) : () -> ()
      %add3A_33 = arith.constant 2 : i32
      %add3A_34 = arith.addi %mul3A_14, %add3A_33 : i32
      %lt3A = arith.constant 40 : i32
      %lt3A_35 = arith.cmpi slt, %add3A_34, %lt3A : i32
      %convert_element_type3A = arith.extui %lt3A_35 : i1 to i32
      %cond3A = arith.constant 0 : i32
      %cond3A_36 = arith.cmpi ne, %convert_element_type3A, %cond3A : i32
      scf.if %cond3A_36 {
        %add3A_48 = arith.constant 2 : i32
        %add3A_49 = arith.addi %mul3A_14, %add3A_48 : i32
        %dma_start3A_50 = arith.constant 0 : i32
        %dma_start3A_51 = tpu.memref_slice %arg5[%add3A_49, %dma_start3A_50] : memref<40x128xi32, #tpu.memory_space<vmem>> -> memref<1x128xi32, #tpu.memory_space<vmem>>
        %dma_start3A_52 = tpu.memref_squeeze %dma_start3A_51 : memref<1x128xi32, #tpu.memory_space<vmem>> -> memref<128xi32, #tpu.memory_space<vmem>>
        %dma_start3A_53 = arith.constant 0 : i32
        %dma_start3A_54 = arith.constant 0 : i32
        %dma_start3A_55 = tpu.memref_slice %arg2[%dma_start3A_53, %dma_start3A_54] : memref<8192x128xf32, #tpu.memory_space<hbm>> -> memref<8192x128xf32, #tpu.memory_space<hbm>>
        tpu.enqueue_indirect_dma source(%dma_start3A_55 : memref<8192x128xf32, #tpu.memory_space<hbm>>) target(%arg6 : memref<128x128xf32, #tpu.memory_space<vmem>>) offsets(%dma_start3A_52 : memref<128xi32, #tpu.memory_space<vmem>>) semaphore(%arg8 : memref<!tpu.dma_semaphore, #tpu.memory_space<semaphore_mem>>)
      } else {
      }
      %dma_wait3A_37 = arith.constant 0 : i32
      %dma_wait3A_38 = tpu.memref_slice %arg5[%add3A_16, %dma_wait3A_37] : memref<40x128xi32, #tpu.memory_space<vmem>> -> memref<1x128xi32, #tpu.memory_space<vmem>>
      %dma_wait3A_39 = tpu.memref_squeeze %dma_wait3A_38 : memref<1x128xi32, #tpu.memory_space<vmem>> -> memref<128xi32, #tpu.memory_space<vmem>>
      %dma_wait3A_40 = arith.constant 0 : i32
      %dma_wait3A_41 = arith.constant 0 : i32
      %dma_wait3A_42 = tpu.memref_slice %arg2[%dma_wait3A_40, %dma_wait3A_41] : memref<8192x128xf32, #tpu.memory_space<hbm>> -> memref<8192x128xf32, #tpu.memory_space<hbm>>
      tpu.wait_indirect_dma semaphore(%arg9 : memref<!tpu.dma_semaphore, #tpu.memory_space<semaphore_mem>>) src(%dma_wait3A_42 : memref<8192x128xf32, #tpu.memory_space<hbm>>) dst(%arg7 : memref<128x128xf32, #tpu.memory_space<vmem>>)
      %mul3A_43 = arith.constant 40 : i32
      %mul3A_44 = arith.muli %add3A, %mul3A_43 : i32
      %add3A_45 = arith.addi %mul3A_44, %add3A_16 : i32
      %mul3A_46 = arith.constant 128 : i32
      %mul3A_47 = arith.muli %add3A_45, %mul3A_46 : i32
      "tpu.region"() ({
        %run_scoped3A = tpu.sem_alloc : memref<!tpu.dma_semaphore, #tpu.memory_space<semaphore_mem>>
        %dma_start3A_48 = arith.constant 0 : i32
        %dma_start3A_49 = tpu.memref_slice %arg4[%mul3A_47, %dma_start3A_48] : memref<163840x128xf32, #tpu.memory_space<hbm>> -> memref<128x128xf32, #tpu.memory_space<hbm>>
        %dma_start3A_50 = arith.constant 0 : i32
        %dma_start3A_51 = tpu.memref_slice %arg4[%mul3A_47, %dma_start3A_50] : memref<163840x128xf32, #tpu.memory_space<hbm>> -> memref<128x128xf32, #tpu.memory_space<hbm>>
        tpu.enqueue_dma source(%arg7 : memref<128x128xf32, #tpu.memory_space<vmem>>) target(%dma_start3A_51 : memref<128x128xf32, #tpu.memory_space<hbm>>) target_semaphore(%run_scoped3A : memref<!tpu.dma_semaphore, #tpu.memory_space<semaphore_mem>>)
        %dma_wait3A_52 = arith.constant 0 : i32
        %dma_wait3A_53 = tpu.memref_slice %arg4[%mul3A_47, %dma_wait3A_52] : memref<163840x128xf32, #tpu.memory_space<hbm>> -> memref<128x128xf32, #tpu.memory_space<hbm>>
        %dma_wait3A_54 = arith.constant 0 : i32
        %dma_wait3A_55 = tpu.memref_slice %arg4[%mul3A_47, %dma_wait3A_54] : memref<163840x128xf32, #tpu.memory_space<hbm>> -> memref<128x128xf32, #tpu.memory_space<hbm>>
        tpu.wait_dma2 semaphore(%run_scoped3A : memref<!tpu.dma_semaphore, #tpu.memory_space<semaphore_mem>>) src(%arg7 : memref<128x128xf32, #tpu.memory_space<vmem>>) dst(%dma_wait3A_55 : memref<128x128xf32, #tpu.memory_space<hbm>>)
        tpu.yield
      }) : () -> ()
    }
    %scan3A_11 = arith.constant 20 : i32
    return
  }
}

module attributes {stable_mosaic.version = 14 : i64} {
  func.func @_stage1_body(%arg0: i32, %arg1: i32, %arg2: memref<1x512x128xf32, #tpu.memory_space<vmem>>, %arg3: memref<1x128x4096xf32, #tpu.memory_space<vmem>>, %arg4: memref<128x128xf32, #tpu.memory_space<vmem>>, %arg5: memref<128x128xf32, #tpu.memory_space<vmem>>, %arg6: memref<1x128xf32, #tpu.memory_space<vmem>>, %arg7: memref<1x512x128xf32, #tpu.memory_space<vmem>>, %arg8: memref<1x512x128xf32, #tpu.memory_space<vmem>>, %arg9: memref<1x512x20xi32, #tpu.memory_space<vmem>>) attributes {dimension_semantics = [#tpu.dimension_semantics<arbitrary>, #tpu.dimension_semantics<arbitrary>], iteration_bounds = array<i64: 2, 8>, scalar_prefetch = 0 : i64, scratch_operands = 0 : i64, tpu.core_type = #tpu.core_type<tc>, window_params = [{transform_indices = @transform_0, window_bounds = array<i64: 1, 512, 128>}, {transform_indices = @transform_1, window_bounds = array<i64: 1, 128, 4096>}, {pipeline_mode = #tpu.pipeline_mode<synchronous>, transform_indices = @transform_2, window_bounds = array<i64: 128, 128>}, {pipeline_mode = #tpu.pipeline_mode<synchronous>, transform_indices = @transform_3, window_bounds = array<i64: 128, 128>}, {pipeline_mode = #tpu.pipeline_mode<synchronous>, transform_indices = @transform_4, window_bounds = array<i64: 1, 128>}, {transform_indices = @transform_5, window_bounds = array<i64: 1, 512, 128>}, {transform_indices = @transform_6, window_bounds = array<i64: 1, 512, 128>}, {transform_indices = @transform_7, window_bounds = array<i64: 1, 512, 20>}]} {
    %get3A = arith.constant 0 : index
    %get3A_0 = arith.constant 0 : index
    %get3A_1 = arith.constant 0 : index
    %get3A_2 = vector.load %arg2[%get3A, %get3A_0, %get3A_1] : memref<1x512x128xf32, #tpu.memory_space<vmem>>, vector<1x512x128xf32>
    %get3A_3 = vector.shape_cast %get3A_2 : vector<1x512x128xf32> to vector<512x128xf32>
    %get3A_4 = arith.constant 0 : index
    %get3A_5 = arith.constant 0 : index
    %get3A_6 = arith.constant 0 : index
    %get3A_7 = vector.load %arg3[%get3A_4, %get3A_5, %get3A_6] : memref<1x128x4096xf32, #tpu.memory_space<vmem>>, vector<1x128x4096xf32>
    %get3A_8 = vector.shape_cast %get3A_7 : vector<1x128x4096xf32> to vector<128x4096xf32>
    %get3A_9 = arith.constant 0 : index
    %get3A_10 = arith.constant 0 : index
    %get3A_11 = vector.load %arg5[%get3A_9, %get3A_10] : memref<128x128xf32, #tpu.memory_space<vmem>>, vector<128x128xf32>
    %get3A_12 = arith.constant 0 : index
    %get3A_13 = arith.constant 0 : index
    %get3A_14 = vector.load %arg4[%get3A_12, %get3A_13] : memref<128x128xf32, #tpu.memory_space<vmem>>, vector<128x128xf32>
    %sub3A = arith.subf %get3A_14, %get3A_11 : vector<128x128xf32>
    %dot_general3A = arith.constant dense<0.000000e+00> : vector<512x128xf32>
    %dot_general3A_15 = tpu.matmul %get3A_3, %sub3A, %dot_general3A {dimension_numbers = #tpu.dot_dimension_numbers<[1], [0], [0], [1], [0, 0, 1, 1], [], []>, transpose_lhs_hint = false} : vector<512x128xf32>, vector<128x128xf32>, vector<512x128xf32> -> vector<512x128xf32>
    %get3A_16 = arith.constant 0 : index
    %get3A_17 = arith.constant 0 : index
    %get3A_18 = vector.load %arg6[%get3A_16, %get3A_17] : memref<1x128xf32, #tpu.memory_space<vmem>>, vector<1x128xf32>
    %add3A = vector.broadcast %get3A_18 : vector<1x128xf32> to vector<512x128xf32>
    %add3A_19 = arith.addf %dot_general3A_15, %add3A : vector<512x128xf32>
    %swap3A = arith.constant 0 : index
    %swap3A_20 = arith.constant 0 : index
    %swap3A_21 = arith.constant 0 : index
    %swap3A_22 = vector.load %arg7[%swap3A, %swap3A_20, %swap3A_21] : memref<1x512x128xf32, #tpu.memory_space<vmem>>, vector<1x512x128xf32>
    %swap3A_23 = vector.shape_cast %swap3A_22 : vector<1x512x128xf32> to vector<512x128xf32>
    %swap3A_24 = vector.shape_cast %add3A_19 : vector<512x128xf32> to vector<1x512x128xf32>
    tpu.vector_store %arg7[%swap3A, %swap3A_20, %swap3A_21], %swap3A_24 {strides = array<i32>} : memref<1x512x128xf32, #tpu.memory_space<vmem>>, vector<1x512x128xf32>,
    %dot_general3A_25 = arith.constant dense<0.000000e+00> : vector<512x128xf32>
    %dot_general3A_26 = tpu.matmul %get3A_3, %get3A_11, %dot_general3A_25 {dimension_numbers = #tpu.dot_dimension_numbers<[1], [0], [0], [1], [0, 0, 1, 1], [], []>, transpose_lhs_hint = false} : vector<512x128xf32>, vector<128x128xf32>, vector<512x128xf32> -> vector<512x128xf32>
    %swap3A_27 = arith.constant 0 : index
    %swap3A_28 = arith.constant 0 : index
    %swap3A_29 = arith.constant 0 : index
    %swap3A_30 = vector.load %arg8[%swap3A_27, %swap3A_28, %swap3A_29] : memref<1x512x128xf32, #tpu.memory_space<vmem>>, vector<1x512x128xf32>
    %swap3A_31 = vector.shape_cast %swap3A_30 : vector<1x512x128xf32> to vector<512x128xf32>
    %swap3A_32 = vector.shape_cast %dot_general3A_26 : vector<512x128xf32> to vector<1x512x128xf32>
    tpu.vector_store %arg8[%swap3A_27, %swap3A_28, %swap3A_29], %swap3A_32 {strides = array<i32>} : memref<1x512x128xf32, #tpu.memory_space<vmem>>, vector<1x512x128xf32>,
    %dot_general3A_33 = arith.constant dense<0.000000e+00> : vector<512x4096xf32>
    %dot_general3A_34 = tpu.matmul %get3A_3, %get3A_8, %dot_general3A_33 {dimension_numbers = #tpu.dot_dimension_numbers<[1], [0], [0], [1], [0, 0, 1, 1], [], []>, transpose_lhs_hint = false} : vector<512x128xf32>, vector<128x4096xf32>, vector<512x4096xf32> -> vector<512x4096xf32>
    %mul3A = arith.constant -2.000000e+00 : f32
    %mul3A_35 = vector.broadcast %mul3A : f32 to vector<512x4096xf32>
    %mul3A_36 = arith.mulf %mul3A_35, %dot_general3A_34 : vector<512x4096xf32>
    %mul3A_37 = arith.mulf %get3A_3, %get3A_3 : vector<512x128xf32>
    %reduce_sum3A = arith.constant dense<0.000000e+00> : vector<512xf32>
    %reduce_sum3A_38 = vector.multi_reduction <add>, %mul3A_37, %reduce_sum3A [1] : vector<512x128xf32> to vector<512xf32>
    %broadcast_in_dim3A = vector.shape_cast %reduce_sum3A_38 : vector<512xf32> to vector<512x1xf32>
    %mul3A_39 = arith.mulf %get3A_8, %get3A_8 : vector<128x4096xf32>
    %reduce_sum3A_40 = arith.constant dense<0.000000e+00> : vector<4096xf32>
    %reduce_sum3A_41 = vector.multi_reduction <add>, %mul3A_39, %reduce_sum3A_40 [0] : vector<128x4096xf32> to vector<4096xf32>
    %broadcast_in_dim3A_42 = vector.shape_cast %reduce_sum3A_41 : vector<4096xf32> to vector<1x4096xf32>
    %neg3A = arith.constant 0.000000e+00 : f32
    %neg3A_43 = vector.broadcast %neg3A : f32 to vector<512x1xf32>
    %neg3A_44 = arith.subf %neg3A_43, %broadcast_in_dim3A : vector<512x1xf32>
    %sub3A_45 = vector.broadcast %neg3A_44 : vector<512x1xf32> to vector<512x4096xf32>
    %sub3A_46 = arith.subf %sub3A_45, %mul3A_36 : vector<512x4096xf32>
    %sub3A_47 = vector.broadcast %broadcast_in_dim3A_42 : vector<1x4096xf32> to vector<512x4096xf32>
    %sub3A_48 = arith.subf %sub3A_46, %sub3A_47 : vector<512x4096xf32>
    %slice3A = vector.extract_strided_slice %sub3A_48 {offsets = [0, 0], sizes = [512, 128], strides = [1, 1]} : vector<512x4096xf32> to vector<512x128xf32>
    %slice3A_49 = vector.extract_strided_slice %sub3A_48 {offsets = [0, 128], sizes = [512, 128], strides = [1, 1]} : vector<512x4096xf32> to vector<512x128xf32>
    %slice3A_50 = vector.extract_strided_slice %sub3A_48 {offsets = [0, 256], sizes = [512, 128], strides = [1, 1]} : vector<512x4096xf32> to vector<512x128xf32>
    %slice3A_51 = vector.extract_strided_slice %sub3A_48 {offsets = [0, 384], sizes = [512, 128], strides = [1, 1]} : vector<512x4096xf32> to vector<512x128xf32>
    %slice3A_52 = vector.extract_strided_slice %sub3A_48 {offsets = [0, 512], sizes = [512, 128], strides = [1, 1]} : vector<512x4096xf32> to vector<512x128xf32>
    %slice3A_53 = vector.extract_strided_slice %sub3A_48 {offsets = [0, 640], sizes = [512, 128], strides = [1, 1]} : vector<512x4096xf32> to vector<512x128xf32>
    %slice3A_54 = vector.extract_strided_slice %sub3A_48 {offsets = [0, 768], sizes = [512, 128], strides = [1, 1]} : vector<512x4096xf32> to vector<512x128xf32>
    %slice3A_55 = vector.extract_strided_slice %sub3A_48 {offsets = [0, 896], sizes = [512, 128], strides = [1, 1]} : vector<512x4096xf32> to vector<512x128xf32>
    %slice3A_56 = vector.extract_strided_slice %sub3A_48 {offsets = [0, 1024], sizes = [512, 128], strides = [1, 1]} : vector<512x4096xf32> to vector<512x128xf32>
    %slice3A_57 = vector.extract_strided_slice %sub3A_48 {offsets = [0, 1152], sizes = [512, 128], strides = [1, 1]} : vector<512x4096xf32> to vector<512x128xf32>
    %slice3A_58 = vector.extract_strided_slice %sub3A_48 {offsets = [0, 1280], sizes = [512, 128], strides = [1, 1]} : vector<512x4096xf32> to vector<512x128xf32>
    %slice3A_59 = vector.extract_strided_slice %sub3A_48 {offsets = [0, 1408], sizes = [512, 128], strides = [1, 1]} : vector<512x4096xf32> to vector<512x128xf32>
    %slice3A_60 = vector.extract_strided_slice %sub3A_48 {offsets = [0, 1536], sizes = [512, 128], strides = [1, 1]} : vector<512x4096xf32> to vector<512x128xf32>
    %slice3A_61 = vector.extract_strided_slice %sub3A_48 {offsets = [0, 1664], sizes = [512, 128], strides = [1, 1]} : vector<512x4096xf32> to vector<512x128xf32>
    %slice3A_62 = vector.extract_strided_slice %sub3A_48 {offsets = [0, 1792], sizes = [512, 128], strides = [1, 1]} : vector<512x4096xf32> to vector<512x128xf32>
    %slice3A_63 = vector.extract_strided_slice %sub3A_48 {offsets = [0, 1920], sizes = [512, 128], strides = [1, 1]} : vector<512x4096xf32> to vector<512x128xf32>
    %slice3A_64 = vector.extract_strided_slice %sub3A_48 {offsets = [0, 2048], sizes = [512, 128], strides = [1, 1]} : vector<512x4096xf32> to vector<512x128xf32>
    %slice3A_65 = vector.extract_strided_slice %sub3A_48 {offsets = [0, 2176], sizes = [512, 128], strides = [1, 1]} : vector<512x4096xf32> to vector<512x128xf32>
    %slice3A_66 = vector.extract_strided_slice %sub3A_48 {offsets = [0, 2304], sizes = [512, 128], strides = [1, 1]} : vector<512x4096xf32> to vector<512x128xf32>
    %slice3A_67 = vector.extract_strided_slice %sub3A_48 {offsets = [0, 2432], sizes = [512, 128], strides = [1, 1]} : vector<512x4096xf32> to vector<512x128xf32>
    %slice3A_68 = vector.extract_strided_slice %sub3A_48 {offsets = [0, 2560], sizes = [512, 128], strides = [1, 1]} : vector<512x4096xf32> to vector<512x128xf32>
    %slice3A_69 = vector.extract_strided_slice %sub3A_48 {offsets = [0, 2688], sizes = [512, 128], strides = [1, 1]} : vector<512x4096xf32> to vector<512x128xf32>
    %slice3A_70 = vector.extract_strided_slice %sub3A_48 {offsets = [0, 2816], sizes = [512, 128], strides = [1, 1]} : vector<512x4096xf32> to vector<512x128xf32>
    %slice3A_71 = vector.extract_strided_slice %sub3A_48 {offsets = [0, 2944], sizes = [512, 128], strides = [1, 1]} : vector<512x4096xf32> to vector<512x128xf32>
    %slice3A_72 = vector.extract_strided_slice %sub3A_48 {offsets = [0, 3072], sizes = [512, 128], strides = [1, 1]} : vector<512x4096xf32> to vector<512x128xf32>
    %slice3A_73 = vector.extract_strided_slice %sub3A_48 {offsets = [0, 3200], sizes = [512, 128], strides = [1, 1]} : vector<512x4096xf32> to vector<512x128xf32>
    %slice3A_74 = vector.extract_strided_slice %sub3A_48 {offsets = [0, 3328], sizes = [512, 128], strides = [1, 1]} : vector<512x4096xf32> to vector<512x128xf32>
    %slice3A_75 = vector.extract_strided_slice %sub3A_48 {offsets = [0, 3456], sizes = [512, 128], strides = [1, 1]} : vector<512x4096xf32> to vector<512x128xf32>
    %slice3A_76 = vector.extract_strided_slice %sub3A_48 {offsets = [0, 3584], sizes = [512, 128], strides = [1, 1]} : vector<512x4096xf32> to vector<512x128xf32>
    %slice3A_77 = vector.extract_strided_slice %sub3A_48 {offsets = [0, 3712], sizes = [512, 128], strides = [1, 1]} : vector<512x4096xf32> to vector<512x128xf32>
    %slice3A_78 = vector.extract_strided_slice %sub3A_48 {offsets = [0, 3840], sizes = [512, 128], strides = [1, 1]} : vector<512x4096xf32> to vector<512x128xf32>
    %slice3A_79 = vector.extract_strided_slice %sub3A_48 {offsets = [0, 3968], sizes = [512, 128], strides = [1, 1]} : vector<512x4096xf32> to vector<512x128xf32>
    %max3A = arith.maximumf %slice3A, %slice3A_49 : vector<512x128xf32>
    %max3A_80 = arith.maximumf %max3A, %slice3A_50 : vector<512x128xf32>
    %max3A_81 = arith.maximumf %max3A_80, %slice3A_51 : vector<512x128xf32>
    %max3A_82 = arith.maximumf %max3A_81, %slice3A_52 : vector<512x128xf32>
    %max3A_83 = arith.maximumf %max3A_82, %slice3A_53 : vector<512x128xf32>
    %max3A_84 = arith.maximumf %max3A_83, %slice3A_54 : vector<512x128xf32>
    %max3A_85 = arith.maximumf %max3A_84, %slice3A_55 : vector<512x128xf32>
    %max3A_86 = arith.maximumf %max3A_85, %slice3A_56 : vector<512x128xf32>
    %max3A_87 = arith.maximumf %max3A_86, %slice3A_57 : vector<512x128xf32>
    %max3A_88 = arith.maximumf %max3A_87, %slice3A_58 : vector<512x128xf32>
    %max3A_89 = arith.maximumf %max3A_88, %slice3A_59 : vector<512x128xf32>
    %max3A_90 = arith.maximumf %max3A_89, %slice3A_60 : vector<512x128xf32>
    %max3A_91 = arith.maximumf %max3A_90, %slice3A_61 : vector<512x128xf32>
    %max3A_92 = arith.maximumf %max3A_91, %slice3A_62 : vector<512x128xf32>
    %max3A_93 = arith.maximumf %max3A_92, %slice3A_63 : vector<512x128xf32>
    %max3A_94 = arith.maximumf %max3A_93, %slice3A_64 : vector<512x128xf32>
    %max3A_95 = arith.maximumf %max3A_94, %slice3A_65 : vector<512x128xf32>
    %max3A_96 = arith.maximumf %max3A_95, %slice3A_66 : vector<512x128xf32>
    %max3A_97 = arith.maximumf %max3A_96, %slice3A_67 : vector<512x128xf32>
    %max3A_98 = arith.maximumf %max3A_97, %slice3A_68 : vector<512x128xf32>
    %max3A_99 = arith.maximumf %max3A_98, %slice3A_69 : vector<512x128xf32>
    %max3A_100 = arith.maximumf %max3A_99, %slice3A_70 : vector<512x128xf32>
    %max3A_101 = arith.maximumf %max3A_100, %slice3A_71 : vector<512x128xf32>
    %max3A_102 = arith.maximumf %max3A_101, %slice3A_72 : vector<512x128xf32>
    %max3A_103 = arith.maximumf %max3A_102, %slice3A_73 : vector<512x128xf32>
    %max3A_104 = arith.maximumf %max3A_103, %slice3A_74 : vector<512x128xf32>
    %max3A_105 = arith.maximumf %max3A_104, %slice3A_75 : vector<512x128xf32>
    %max3A_106 = arith.maximumf %max3A_105, %slice3A_76 : vector<512x128xf32>
    %max3A_107 = arith.maximumf %max3A_106, %slice3A_77 : vector<512x128xf32>
    %max3A_108 = arith.maximumf %max3A_107, %slice3A_78 : vector<512x128xf32>
    %max3A_109 = arith.maximumf %max3A_108, %slice3A_79 : vector<512x128xf32>
    %broadcast_in_dim3A_110 = arith.constant 0xFF800000 : f32
    %broadcast_in_dim3A_111 = vector.broadcast %broadcast_in_dim3A_110 : f32 to vector<512x128xf32>
    %ge3A = arith.cmpf oge, %slice3A, %max3A_109 : vector<512x128xf32>
    %jit3A = arith.constant 0xFF800000 : f32
    %broadcast_in_dim3A_112 = vector.broadcast %jit3A : f32 to vector<512x128xf32>
    %select_n3A = arith.select %ge3A, %broadcast_in_dim3A_112, %slice3A : vector<512x128xi1>, vector<512x128xf32>
    %max3A_113 = arith.maximumf %broadcast_in_dim3A_111, %select_n3A : vector<512x128xf32>
    %ge3A_114 = arith.cmpf oge, %slice3A_49, %max3A_109 : vector<512x128xf32>
    %jit3A_115 = arith.constant 0xFF800000 : f32
    %broadcast_in_dim3A_116 = vector.broadcast %jit3A_115 : f32 to vector<512x128xf32>
    %select_n3A_117 = arith.select %ge3A_114, %broadcast_in_dim3A_116, %slice3A_49 : vector<512x128xi1>, vector<512x128xf32>
    %max3A_118 = arith.maximumf %max3A_113, %select_n3A_117 : vector<512x128xf32>
    %ge3A_119 = arith.cmpf oge, %slice3A_50, %max3A_109 : vector<512x128xf32>
    %jit3A_120 = arith.constant 0xFF800000 : f32
    %broadcast_in_dim3A_121 = vector.broadcast %jit3A_120 : f32 to vector<512x128xf32>
    %select_n3A_122 = arith.select %ge3A_119, %broadcast_in_dim3A_121, %slice3A_50 : vector<512x128xi1>, vector<512x128xf32>
    %max3A_123 = arith.maximumf %max3A_118, %select_n3A_122 : vector<512x128xf32>
    %ge3A_124 = arith.cmpf oge, %slice3A_51, %max3A_109 : vector<512x128xf32>
    %jit3A_125 = arith.constant 0xFF800000 : f32
    %broadcast_in_dim3A_126 = vector.broadcast %jit3A_125 : f32 to vector<512x128xf32>
    %select_n3A_127 = arith.select %ge3A_124, %broadcast_in_dim3A_126, %slice3A_51 : vector<512x128xi1>, vector<512x128xf32>
    %max3A_128 = arith.maximumf %max3A_123, %select_n3A_127 : vector<512x128xf32>
    %ge3A_129 = arith.cmpf oge, %slice3A_52, %max3A_109 : vector<512x128xf32>
    %jit3A_130 = arith.constant 0xFF800000 : f32
    %broadcast_in_dim3A_131 = vector.broadcast %jit3A_130 : f32 to vector<512x128xf32>
    %select_n3A_132 = arith.select %ge3A_129, %broadcast_in_dim3A_131, %slice3A_52 : vector<512x128xi1>, vector<512x128xf32>
    %max3A_133 = arith.maximumf %max3A_128, %select_n3A_132 : vector<512x128xf32>
    %ge3A_134 = arith.cmpf oge, %slice3A_53, %max3A_109 : vector<512x128xf32>
    %jit3A_135 = arith.constant 0xFF800000 : f32
    %broadcast_in_dim3A_136 = vector.broadcast %jit3A_135 : f32 to vector<512x128xf32>
    %select_n3A_137 = arith.select %ge3A_134, %broadcast_in_dim3A_136, %slice3A_53 : vector<512x128xi1>, vector<512x128xf32>
    %max3A_138 = arith.maximumf %max3A_133, %select_n3A_137 : vector<512x128xf32>
    %ge3A_139 = arith.cmpf oge, %slice3A_54, %max3A_109 : vector<512x128xf32>
    %jit3A_140 = arith.constant 0xFF800000 : f32
    %broadcast_in_dim3A_141 = vector.broadcast %jit3A_140 : f32 to vector<512x128xf32>
    %select_n3A_142 = arith.select %ge3A_139, %broadcast_in_dim3A_141, %slice3A_54 : vector<512x128xi1>, vector<512x128xf32>
    %max3A_143 = arith.maximumf %max3A_138, %select_n3A_142 : vector<512x128xf32>
    %ge3A_144 = arith.cmpf oge, %slice3A_55, %max3A_109 : vector<512x128xf32>
    %jit3A_145 = arith.constant 0xFF800000 : f32
    %broadcast_in_dim3A_146 = vector.broadcast %jit3A_145 : f32 to vector<512x128xf32>
    %select_n3A_147 = arith.select %ge3A_144, %broadcast_in_dim3A_146, %slice3A_55 : vector<512x128xi1>, vector<512x128xf32>
    %max3A_148 = arith.maximumf %max3A_143, %select_n3A_147 : vector<512x128xf32>
    %ge3A_149 = arith.cmpf oge, %slice3A_56, %max3A_109 : vector<512x128xf32>
    %jit3A_150 = arith.constant 0xFF800000 : f32
    %broadcast_in_dim3A_151 = vector.broadcast %jit3A_150 : f32 to vector<512x128xf32>
    %select_n3A_152 = arith.select %ge3A_149, %broadcast_in_dim3A_151, %slice3A_56 : vector<512x128xi1>, vector<512x128xf32>
    %max3A_153 = arith.maximumf %max3A_148, %select_n3A_152 : vector<512x128xf32>
    %ge3A_154 = arith.cmpf oge, %slice3A_57, %max3A_109 : vector<512x128xf32>
    %jit3A_155 = arith.constant 0xFF800000 : f32
    %broadcast_in_dim3A_156 = vector.broadcast %jit3A_155 : f32 to vector<512x128xf32>
    %select_n3A_157 = arith.select %ge3A_154, %broadcast_in_dim3A_156, %slice3A_57 : vector<512x128xi1>, vector<512x128xf32>
    %max3A_158 = arith.maximumf %max3A_153, %select_n3A_157 : vector<512x128xf32>
    %ge3A_159 = arith.cmpf oge, %slice3A_58, %max3A_109 : vector<512x128xf32>
    %jit3A_160 = arith.constant 0xFF800000 : f32
    %broadcast_in_dim3A_161 = vector.broadcast %jit3A_160 : f32 to vector<512x128xf32>
    %select_n3A_162 = arith.select %ge3A_159, %broadcast_in_dim3A_161, %slice3A_58 : vector<512x128xi1>, vector<512x128xf32>
    %max3A_163 = arith.maximumf %max3A_158, %select_n3A_162 : vector<512x128xf32>
    %ge3A_164 = arith.cmpf oge, %slice3A_59, %max3A_109 : vector<512x128xf32>
    %jit3A_165 = arith.constant 0xFF800000 : f32
    %broadcast_in_dim3A_166 = vector.broadcast %jit3A_165 : f32 to vector<512x128xf32>
    %select_n3A_167 = arith.select %ge3A_164, %broadcast_in_dim3A_166, %slice3A_59 : vector<512x128xi1>, vector<512x128xf32>
    %max3A_168 = arith.maximumf %max3A_163, %select_n3A_167 : vector<512x128xf32>
    %ge3A_169 = arith.cmpf oge, %slice3A_60, %max3A_109 : vector<512x128xf32>
    %jit3A_170 = arith.constant 0xFF800000 : f32
    %broadcast_in_dim3A_171 = vector.broadcast %jit3A_170 : f32 to vector<512x128xf32>
    %select_n3A_172 = arith.select %ge3A_169, %broadcast_in_dim3A_171, %slice3A_60 : vector<512x128xi1>, vector<512x128xf32>
    %max3A_173 = arith.maximumf %max3A_168, %select_n3A_172 : vector<512x128xf32>
    %ge3A_174 = arith.cmpf oge, %slice3A_61, %max3A_109 : vector<512x128xf32>
    %jit3A_175 = arith.constant 0xFF800000 : f32
    %broadcast_in_dim3A_176 = vector.broadcast %jit3A_175 : f32 to vector<512x128xf32>
    %select_n3A_177 = arith.select %ge3A_174, %broadcast_in_dim3A_176, %slice3A_61 : vector<512x128xi1>, vector<512x128xf32>
    %max3A_178 = arith.maximumf %max3A_173, %select_n3A_177 : vector<512x128xf32>
    %ge3A_179 = arith.cmpf oge, %slice3A_62, %max3A_109 : vector<512x128xf32>
    %jit3A_180 = arith.constant 0xFF800000 : f32
    %broadcast_in_dim3A_181 = vector.broadcast %jit3A_180 : f32 to vector<512x128xf32>
    %select_n3A_182 = arith.select %ge3A_179, %broadcast_in_dim3A_181, %slice3A_62 : vector<512x128xi1>, vector<512x128xf32>
    %max3A_183 = arith.maximumf %max3A_178, %select_n3A_182 : vector<512x128xf32>
    %ge3A_184 = arith.cmpf oge, %slice3A_63, %max3A_109 : vector<512x128xf32>
    %jit3A_185 = arith.constant 0xFF800000 : f32
    %broadcast_in_dim3A_186 = vector.broadcast %jit3A_185 : f32 to vector<512x128xf32>
    %select_n3A_187 = arith.select %ge3A_184, %broadcast_in_dim3A_186, %slice3A_63 : vector<512x128xi1>, vector<512x128xf32>
    %max3A_188 = arith.maximumf %max3A_183, %select_n3A_187 : vector<512x128xf32>
    %ge3A_189 = arith.cmpf oge, %slice3A_64, %max3A_109 : vector<512x128xf32>
    %jit3A_190 = arith.constant 0xFF800000 : f32
    %broadcast_in_dim3A_191 = vector.broadcast %jit3A_190 : f32 to vector<512x128xf32>
    %select_n3A_192 = arith.select %ge3A_189, %broadcast_in_dim3A_191, %slice3A_64 : vector<512x128xi1>, vector<512x128xf32>
    %max3A_193 = arith.maximumf %max3A_188, %select_n3A_192 : vector<512x128xf32>
    %ge3A_194 = arith.cmpf oge, %slice3A_65, %max3A_109 : vector<512x128xf32>
    %jit3A_195 = arith.constant 0xFF800000 : f32
    %broadcast_in_dim3A_196 = vector.broadcast %jit3A_195 : f32 to vector<512x128xf32>
    %select_n3A_197 = arith.select %ge3A_194, %broadcast_in_dim3A_196, %slice3A_65 : vector<512x128xi1>, vector<512x128xf32>
    %max3A_198 = arith.maximumf %max3A_193, %select_n3A_197 : vector<512x128xf32>
    %ge3A_199 = arith.cmpf oge, %slice3A_66, %max3A_109 : vector<512x128xf32>
    %jit3A_200 = arith.constant 0xFF800000 : f32
    %broadcast_in_dim3A_201 = vector.broadcast %jit3A_200 : f32 to vector<512x128xf32>
    %select_n3A_202 = arith.select %ge3A_199, %broadcast_in_dim3A_201, %slice3A_66 : vector<512x128xi1>, vector<512x128xf32>
    %max3A_203 = arith.maximumf %max3A_198, %select_n3A_202 : vector<512x128xf32>
    %ge3A_204 = arith.cmpf oge, %slice3A_67, %max3A_109 : vector<512x128xf32>
    %jit3A_205 = arith.constant 0xFF800000 : f32
    %broadcast_in_dim3A_206 = vector.broadcast %jit3A_205 : f32 to vector<512x128xf32>
    %select_n3A_207 = arith.select %ge3A_204, %broadcast_in_dim3A_206, %slice3A_67 : vector<512x128xi1>, vector<512x128xf32>
    %max3A_208 = arith.maximumf %max3A_203, %select_n3A_207 : vector<512x128xf32>
    %ge3A_209 = arith.cmpf oge, %slice3A_68, %max3A_109 : vector<512x128xf32>
    %jit3A_210 = arith.constant 0xFF800000 : f32
    %broadcast_in_dim3A_211 = vector.broadcast %jit3A_210 : f32 to vector<512x128xf32>
    %select_n3A_212 = arith.select %ge3A_209, %broadcast_in_dim3A_211, %slice3A_68 : vector<512x128xi1>, vector<512x128xf32>
    %max3A_213 = arith.maximumf %max3A_208, %select_n3A_212 : vector<512x128xf32>
    %ge3A_214 = arith.cmpf oge, %slice3A_69, %max3A_109 : vector<512x128xf32>
    %jit3A_215 = arith.constant 0xFF800000 : f32
    %broadcast_in_dim3A_216 = vector.broadcast %jit3A_215 : f32 to vector<512x128xf32>
    %select_n3A_217 = arith.select %ge3A_214, %broadcast_in_dim3A_216, %slice3A_69 : vector<512x128xi1>, vector<512x128xf32>
    %max3A_218 = arith.maximumf %max3A_213, %select_n3A_217 : vector<512x128xf32>
    %ge3A_219 = arith.cmpf oge, %slice3A_70, %max3A_109 : vector<512x128xf32>
    %jit3A_220 = arith.constant 0xFF800000 : f32
    %broadcast_in_dim3A_221 = vector.broadcast %jit3A_220 : f32 to vector<512x128xf32>
    %select_n3A_222 = arith.select %ge3A_219, %broadcast_in_dim3A_221, %slice3A_70 : vector<512x128xi1>, vector<512x128xf32>
    %max3A_223 = arith.maximumf %max3A_218, %select_n3A_222 : vector<512x128xf32>
    %ge3A_224 = arith.cmpf oge, %slice3A_71, %max3A_109 : vector<512x128xf32>
    %jit3A_225 = arith.constant 0xFF800000 : f32
    %broadcast_in_dim3A_226 = vector.broadcast %jit3A_225 : f32 to vector<512x128xf32>
    %select_n3A_227 = arith.select %ge3A_224, %broadcast_in_dim3A_226, %slice3A_71 : vector<512x128xi1>, vector<512x128xf32>
    %max3A_228 = arith.maximumf %max3A_223, %select_n3A_227 : vector<512x128xf32>
    %ge3A_229 = arith.cmpf oge, %slice3A_72, %max3A_109 : vector<512x128xf32>
    %jit3A_230 = arith.constant 0xFF800000 : f32
    %broadcast_in_dim3A_231 = vector.broadcast %jit3A_230 : f32 to vector<512x128xf32>
    %select_n3A_232 = arith.select %ge3A_229, %broadcast_in_dim3A_231, %slice3A_72 : vector<512x128xi1>, vector<512x128xf32>
    %max3A_233 = arith.maximumf %max3A_228, %select_n3A_232 : vector<512x128xf32>
    %ge3A_234 = arith.cmpf oge, %slice3A_73, %max3A_109 : vector<512x128xf32>
    %jit3A_235 = arith.constant 0xFF800000 : f32
    %broadcast_in_dim3A_236 = vector.broadcast %jit3A_235 : f32 to vector<512x128xf32>
    %select_n3A_237 = arith.select %ge3A_234, %broadcast_in_dim3A_236, %slice3A_73 : vector<512x128xi1>, vector<512x128xf32>
    %max3A_238 = arith.maximumf %max3A_233, %select_n3A_237 : vector<512x128xf32>
    %ge3A_239 = arith.cmpf oge, %slice3A_74, %max3A_109 : vector<512x128xf32>
    %jit3A_240 = arith.constant 0xFF800000 : f32
    %broadcast_in_dim3A_241 = vector.broadcast %jit3A_240 : f32 to vector<512x128xf32>
    %select_n3A_242 = arith.select %ge3A_239, %broadcast_in_dim3A_241, %slice3A_74 : vector<512x128xi1>, vector<512x128xf32>
    %max3A_243 = arith.maximumf %max3A_238, %select_n3A_242 : vector<512x128xf32>
    %ge3A_244 = arith.cmpf oge, %slice3A_75, %max3A_109 : vector<512x128xf32>
    %jit3A_245 = arith.constant 0xFF800000 : f32
    %broadcast_in_dim3A_246 = vector.broadcast %jit3A_245 : f32 to vector<512x128xf32>
    %select_n3A_247 = arith.select %ge3A_244, %broadcast_in_dim3A_246, %slice3A_75 : vector<512x128xi1>, vector<512x128xf32>
    %max3A_248 = arith.maximumf %max3A_243, %select_n3A_247 : vector<512x128xf32>
    %ge3A_249 = arith.cmpf oge, %slice3A_76, %max3A_109 : vector<512x128xf32>
    %jit3A_250 = arith.constant 0xFF800000 : f32
    %broadcast_in_dim3A_251 = vector.broadcast %jit3A_250 : f32 to vector<512x128xf32>
    %select_n3A_252 = arith.select %ge3A_249, %broadcast_in_dim3A_251, %slice3A_76 : vector<512x128xi1>, vector<512x128xf32>
    %max3A_253 = arith.maximumf %max3A_248, %select_n3A_252 : vector<512x128xf32>
    %ge3A_254 = arith.cmpf oge, %slice3A_77, %max3A_109 : vector<512x128xf32>
    %jit3A_255 = arith.constant 0xFF800000 : f32
    %broadcast_in_dim3A_256 = vector.broadcast %jit3A_255 : f32 to vector<512x128xf32>
    %select_n3A_257 = arith.select %ge3A_254, %broadcast_in_dim3A_256, %slice3A_77 : vector<512x128xi1>, vector<512x128xf32>
    %max3A_258 = arith.maximumf %max3A_253, %select_n3A_257 : vector<512x128xf32>
    %ge3A_259 = arith.cmpf oge, %slice3A_78, %max3A_109 : vector<512x128xf32>
    %jit3A_260 = arith.constant 0xFF800000 : f32
    %broadcast_in_dim3A_261 = vector.broadcast %jit3A_260 : f32 to vector<512x128xf32>
    %select_n3A_262 = arith.select %ge3A_259, %broadcast_in_dim3A_261, %slice3A_78 : vector<512x128xi1>, vector<512x128xf32>
    %max3A_263 = arith.maximumf %max3A_258, %select_n3A_262 : vector<512x128xf32>
    %ge3A_264 = arith.cmpf oge, %slice3A_79, %max3A_109 : vector<512x128xf32>
    %jit3A_265 = arith.constant 0xFF800000 : f32
    %broadcast_in_dim3A_266 = vector.broadcast %jit3A_265 : f32 to vector<512x128xf32>
    %select_n3A_267 = arith.select %ge3A_264, %broadcast_in_dim3A_266, %slice3A_79 : vector<512x128xi1>, vector<512x128xf32>
    %max3A_268 = arith.maximumf %max3A_263, %select_n3A_267 : vector<512x128xf32>
    %broadcast_in_dim3A_269 = arith.constant 0xFF800000 : f32
    %broadcast_in_dim3A_270 = vector.broadcast %broadcast_in_dim3A_269 : f32 to vector<512x128xf32>
    %ge3A_271 = arith.cmpf oge, %slice3A, %max3A_268 : vector<512x128xf32>
    %jit3A_272 = arith.constant 0xFF800000 : f32
    %broadcast_in_dim3A_273 = vector.broadcast %jit3A_272 : f32 to vector<512x128xf32>
    %select_n3A_274 = arith.select %ge3A_271, %broadcast_in_dim3A_273, %slice3A : vector<512x128xi1>, vector<512x128xf32>
    %max3A_275 = arith.maximumf %broadcast_in_dim3A_270, %select_n3A_274 : vector<512x128xf32>
    %ge3A_276 = arith.cmpf oge, %slice3A_49, %max3A_268 : vector<512x128xf32>
    %jit3A_277 = arith.constant 0xFF800000 : f32
    %broadcast_in_dim3A_278 = vector.broadcast %jit3A_277 : f32 to vector<512x128xf32>
    %select_n3A_279 = arith.select %ge3A_276, %broadcast_in_dim3A_278, %slice3A_49 : vector<512x128xi1>, vector<512x128xf32>
    %max3A_280 = arith.maximumf %max3A_275, %select_n3A_279 : vector<512x128xf32>
    %ge3A_281 = arith.cmpf oge, %slice3A_50, %max3A_268 : vector<512x128xf32>
    %jit3A_282 = arith.constant 0xFF800000 : f32
    %broadcast_in_dim3A_283 = vector.broadcast %jit3A_282 : f32 to vector<512x128xf32>
    %select_n3A_284 = arith.select %ge3A_281, %broadcast_in_dim3A_283, %slice3A_50 : vector<512x128xi1>, vector<512x128xf32>
    %max3A_285 = arith.maximumf %max3A_280, %select_n3A_284 : vector<512x128xf32>
    %ge3A_286 = arith.cmpf oge, %slice3A_51, %max3A_268 : vector<512x128xf32>
    %jit3A_287 = arith.constant 0xFF800000 : f32
    %broadcast_in_dim3A_288 = vector.broadcast %jit3A_287 : f32 to vector<512x128xf32>
    %select_n3A_289 = arith.select %ge3A_286, %broadcast_in_dim3A_288, %slice3A_51 : vector<512x128xi1>, vector<512x128xf32>
    %max3A_290 = arith.maximumf %max3A_285, %select_n3A_289 : vector<512x128xf32>
    %ge3A_291 = arith.cmpf oge, %slice3A_52, %max3A_268 : vector<512x128xf32>
    %jit3A_292 = arith.constant 0xFF800000 : f32
    %broadcast_in_dim3A_293 = vector.broadcast %jit3A_292 : f32 to vector<512x128xf32>
    %select_n3A_294 = arith.select %ge3A_291, %broadcast_in_dim3A_293, %slice3A_52 : vector<512x128xi1>, vector<512x128xf32>
    %max3A_295 = arith.maximumf %max3A_290, %select_n3A_294 : vector<512x128xf32>
    %ge3A_296 = arith.cmpf oge, %slice3A_53, %max3A_268 : vector<512x128xf32>
    %jit3A_297 = arith.constant 0xFF800000 : f32
    %broadcast_in_dim3A_298 = vector.broadcast %jit3A_297 : f32 to vector<512x128xf32>
    %select_n3A_299 = arith.select %ge3A_296, %broadcast_in_dim3A_298, %slice3A_53 : vector<512x128xi1>, vector<512x128xf32>
    %max3A_300 = arith.maximumf %max3A_295, %select_n3A_299 : vector<512x128xf32>
    %ge3A_301 = arith.cmpf oge, %slice3A_54, %max3A_268 : vector<512x128xf32>
    %jit3A_302 = arith.constant 0xFF800000 : f32
    %broadcast_in_dim3A_303 = vector.broadcast %jit3A_302 : f32 to vector<512x128xf32>
    %select_n3A_304 = arith.select %ge3A_301, %broadcast_in_dim3A_303, %slice3A_54 : vector<512x128xi1>, vector<512x128xf32>
    %max3A_305 = arith.maximumf %max3A_300, %select_n3A_304 : vector<512x128xf32>
    %ge3A_306 = arith.cmpf oge, %slice3A_55, %max3A_268 : vector<512x128xf32>
    %jit3A_307 = arith.constant 0xFF800000 : f32
    %broadcast_in_dim3A_308 = vector.broadcast %jit3A_307 : f32 to vector<512x128xf32>
    %select_n3A_309 = arith.select %ge3A_306, %broadcast_in_dim3A_308, %slice3A_55 : vector<512x128xi1>, vector<512x128xf32>
    %max3A_310 = arith.maximumf %max3A_305, %select_n3A_309 : vector<512x128xf32>
    %ge3A_311 = arith.cmpf oge, %slice3A_56, %max3A_268 : vector<512x128xf32>
    %jit3A_312 = arith.constant 0xFF800000 : f32
    %broadcast_in_dim3A_313 = vector.broadcast %jit3A_312 : f32 to vector<512x128xf32>
    %select_n3A_314 = arith.select %ge3A_311, %broadcast_in_dim3A_313, %slice3A_56 : vector<512x128xi1>, vector<512x128xf32>
    %max3A_315 = arith.maximumf %max3A_310, %select_n3A_314 : vector<512x128xf32>
    %ge3A_316 = arith.cmpf oge, %slice3A_57, %max3A_268 : vector<512x128xf32>
    %jit3A_317 = arith.constant 0xFF800000 : f32
    %broadcast_in_dim3A_318 = vector.broadcast %jit3A_317 : f32 to vector<512x128xf32>
    %select_n3A_319 = arith.select %ge3A_316, %broadcast_in_dim3A_318, %slice3A_57 : vector<512x128xi1>, vector<512x128xf32>
    %max3A_320 = arith.maximumf %max3A_315, %select_n3A_319 : vector<512x128xf32>
    %ge3A_321 = arith.cmpf oge, %slice3A_58, %max3A_268 : vector<512x128xf32>
    %jit3A_322 = arith.constant 0xFF800000 : f32
    %broadcast_in_dim3A_323 = vector.broadcast %jit3A_322 : f32 to vector<512x128xf32>
    %select_n3A_324 = arith.select %ge3A_321, %broadcast_in_dim3A_323, %slice3A_58 : vector<512x128xi1>, vector<512x128xf32>
    %max3A_325 = arith.maximumf %max3A_320, %select_n3A_324 : vector<512x128xf32>
    %ge3A_326 = arith.cmpf oge, %slice3A_59, %max3A_268 : vector<512x128xf32>
    %jit3A_327 = arith.constant 0xFF800000 : f32
    %broadcast_in_dim3A_328 = vector.broadcast %jit3A_327 : f32 to vector<512x128xf32>
    %select_n3A_329 = arith.select %ge3A_326, %broadcast_in_dim3A_328, %slice3A_59 : vector<512x128xi1>, vector<512x128xf32>
    %max3A_330 = arith.maximumf %max3A_325, %select_n3A_329 : vector<512x128xf32>
    %ge3A_331 = arith.cmpf oge, %slice3A_60, %max3A_268 : vector<512x128xf32>
    %jit3A_332 = arith.constant 0xFF800000 : f32
    %broadcast_in_dim3A_333 = vector.broadcast %jit3A_332 : f32 to vector<512x128xf32>
    %select_n3A_334 = arith.select %ge3A_331, %broadcast_in_dim3A_333, %slice3A_60 : vector<512x128xi1>, vector<512x128xf32>
    %max3A_335 = arith.maximumf %max3A_330, %select_n3A_334 : vector<512x128xf32>
    %ge3A_336 = arith.cmpf oge, %slice3A_61, %max3A_268 : vector<512x128xf32>
    %jit3A_337 = arith.constant 0xFF800000 : f32
    %broadcast_in_dim3A_338 = vector.broadcast %jit3A_337 : f32 to vector<512x128xf32>
    %select_n3A_339 = arith.select %ge3A_336, %broadcast_in_dim3A_338, %slice3A_61 : vector<512x128xi1>, vector<512x128xf32>
    %max3A_340 = arith.maximumf %max3A_335, %select_n3A_339 : vector<512x128xf32>
    %ge3A_341 = arith.cmpf oge, %slice3A_62, %max3A_268 : vector<512x128xf32>
    %jit3A_342 = arith.constant 0xFF800000 : f32
    %broadcast_in_dim3A_343 = vector.broadcast %jit3A_342 : f32 to vector<512x128xf32>
    %select_n3A_344 = arith.select %ge3A_341, %broadcast_in_dim3A_343, %slice3A_62 : vector<512x128xi1>, vector<512x128xf32>
    %max3A_345 = arith.maximumf %max3A_340, %select_n3A_344 : vector<512x128xf32>
    %ge3A_346 = arith.cmpf oge, %slice3A_63, %max3A_268 : vector<512x128xf32>
    %jit3A_347 = arith.constant 0xFF800000 : f32
    %broadcast_in_dim3A_348 = vector.broadcast %jit3A_347 : f32 to vector<512x128xf32>
    %select_n3A_349 = arith.select %ge3A_346, %broadcast_in_dim3A_348, %slice3A_63 : vector<512x128xi1>, vector<512x128xf32>
    %max3A_350 = arith.maximumf %max3A_345, %select_n3A_349 : vector<512x128xf32>
    %ge3A_351 = arith.cmpf oge, %slice3A_64, %max3A_268 : vector<512x128xf32>
    %jit3A_352 = arith.constant 0xFF800000 : f32
    %broadcast_in_dim3A_353 = vector.broadcast %jit3A_352 : f32 to vector<512x128xf32>
    %select_n3A_354 = arith.select %ge3A_351, %broadcast_in_dim3A_353, %slice3A_64 : vector<512x128xi1>, vector<512x128xf32>
    %max3A_355 = arith.maximumf %max3A_350, %select_n3A_354 : vector<512x128xf32>
    %ge3A_356 = arith.cmpf oge, %slice3A_65, %max3A_268 : vector<512x128xf32>
    %jit3A_357 = arith.constant 0xFF800000 : f32
    %broadcast_in_dim3A_358 = vector.broadcast %jit3A_357 : f32 to vector<512x128xf32>
    %select_n3A_359 = arith.select %ge3A_356, %broadcast_in_dim3A_358, %slice3A_65 : vector<512x128xi1>, vector<512x128xf32>
    %max3A_360 = arith.maximumf %max3A_355, %select_n3A_359 : vector<512x128xf32>
    %ge3A_361 = arith.cmpf oge, %slice3A_66, %max3A_268 : vector<512x128xf32>
    %jit3A_362 = arith.constant 0xFF800000 : f32
    %broadcast_in_dim3A_363 = vector.broadcast %jit3A_362 : f32 to vector<512x128xf32>
    %select_n3A_364 = arith.select %ge3A_361, %broadcast_in_dim3A_363, %slice3A_66 : vector<512x128xi1>, vector<512x128xf32>
    %max3A_365 = arith.maximumf %max3A_360, %select_n3A_364 : vector<512x128xf32>
    %ge3A_366 = arith.cmpf oge, %slice3A_67, %max3A_268 : vector<512x128xf32>
    %jit3A_367 = arith.constant 0xFF800000 : f32
    %broadcast_in_dim3A_368 = vector.broadcast %jit3A_367 : f32 to vector<512x128xf32>
    %select_n3A_369 = arith.select %ge3A_366, %broadcast_in_dim3A_368, %slice3A_67 : vector<512x128xi1>, vector<512x128xf32>
    %max3A_370 = arith.maximumf %max3A_365, %select_n3A_369 : vector<512x128xf32>
    %ge3A_371 = arith.cmpf oge, %slice3A_68, %max3A_268 : vector<512x128xf32>
    %jit3A_372 = arith.constant 0xFF800000 : f32
    %broadcast_in_dim3A_373 = vector.broadcast %jit3A_372 : f32 to vector<512x128xf32>
    %select_n3A_374 = arith.select %ge3A_371, %broadcast_in_dim3A_373, %slice3A_68 : vector<512x128xi1>, vector<512x128xf32>
    %max3A_375 = arith.maximumf %max3A_370, %select_n3A_374 : vector<512x128xf32>
    %ge3A_376 = arith.cmpf oge, %slice3A_69, %max3A_268 : vector<512x128xf32>
    %jit3A_377 = arith.constant 0xFF800000 : f32
    %broadcast_in_dim3A_378 = vector.broadcast %jit3A_377 : f32 to vector<512x128xf32>
    %select_n3A_379 = arith.select %ge3A_376, %broadcast_in_dim3A_378, %slice3A_69 : vector<512x128xi1>, vector<512x128xf32>
    %max3A_380 = arith.maximumf %max3A_375, %select_n3A_379 : vector<512x128xf32>
    %ge3A_381 = arith.cmpf oge, %slice3A_70, %max3A_268 : vector<512x128xf32>
    %jit3A_382 = arith.constant 0xFF800000 : f32
    %broadcast_in_dim3A_383 = vector.broadcast %jit3A_382 : f32 to vector<512x128xf32>
    %select_n3A_384 = arith.select %ge3A_381, %broadcast_in_dim3A_383, %slice3A_70 : vector<512x128xi1>, vector<512x128xf32>
    %max3A_385 = arith.maximumf %max3A_380, %select_n3A_384 : vector<512x128xf32>
    %ge3A_386 = arith.cmpf oge, %slice3A_71, %max3A_268 : vector<512x128xf32>
    %jit3A_387 = arith.constant 0xFF800000 : f32
    %broadcast_in_dim3A_388 = vector.broadcast %jit3A_387 : f32 to vector<512x128xf32>
    %select_n3A_389 = arith.select %ge3A_386, %broadcast_in_dim3A_388, %slice3A_71 : vector<512x128xi1>, vector<512x128xf32>
    %max3A_390 = arith.maximumf %max3A_385, %select_n3A_389 : vector<512x128xf32>
    %ge3A_391 = arith.cmpf oge, %slice3A_72, %max3A_268 : vector<512x128xf32>
    %jit3A_392 = arith.constant 0xFF800000 : f32
    %broadcast_in_dim3A_393 = vector.broadcast %jit3A_392 : f32 to vector<512x128xf32>
    %select_n3A_394 = arith.select %ge3A_391, %broadcast_in_dim3A_393, %slice3A_72 : vector<512x128xi1>, vector<512x128xf32>
    %max3A_395 = arith.maximumf %max3A_390, %select_n3A_394 : vector<512x128xf32>
    %ge3A_396 = arith.cmpf oge, %slice3A_73, %max3A_268 : vector<512x128xf32>
    %jit3A_397 = arith.constant 0xFF800000 : f32
    %broadcast_in_dim3A_398 = vector.broadcast %jit3A_397 : f32 to vector<512x128xf32>
    %select_n3A_399 = arith.select %ge3A_396, %broadcast_in_dim3A_398, %slice3A_73 : vector<512x128xi1>, vector<512x128xf32>
    %max3A_400 = arith.maximumf %max3A_395, %select_n3A_399 : vector<512x128xf32>
    %ge3A_401 = arith.cmpf oge, %slice3A_74, %max3A_268 : vector<512x128xf32>
    %jit3A_402 = arith.constant 0xFF800000 : f32
    %broadcast_in_dim3A_403 = vector.broadcast %jit3A_402 : f32 to vector<512x128xf32>
    %select_n3A_404 = arith.select %ge3A_401, %broadcast_in_dim3A_403, %slice3A_74 : vector<512x128xi1>, vector<512x128xf32>
    %max3A_405 = arith.maximumf %max3A_400, %select_n3A_404 : vector<512x128xf32>
    %ge3A_406 = arith.cmpf oge, %slice3A_75, %max3A_268 : vector<512x128xf32>
    %jit3A_407 = arith.constant 0xFF800000 : f32
    %broadcast_in_dim3A_408 = vector.broadcast %jit3A_407 : f32 to vector<512x128xf32>
    %select_n3A_409 = arith.select %ge3A_406, %broadcast_in_dim3A_408, %slice3A_75 : vector<512x128xi1>, vector<512x128xf32>
    %max3A_410 = arith.maximumf %max3A_405, %select_n3A_409 : vector<512x128xf32>
    %ge3A_411 = arith.cmpf oge, %slice3A_76, %max3A_268 : vector<512x128xf32>
    %jit3A_412 = arith.constant 0xFF800000 : f32
    %broadcast_in_dim3A_413 = vector.broadcast %jit3A_412 : f32 to vector<512x128xf32>
    %select_n3A_414 = arith.select %ge3A_411, %broadcast_in_dim3A_413, %slice3A_76 : vector<512x128xi1>, vector<512x128xf32>
    %max3A_415 = arith.maximumf %max3A_410, %select_n3A_414 : vector<512x128xf32>
    %ge3A_416 = arith.cmpf oge, %slice3A_77, %max3A_268 : vector<512x128xf32>
    %jit3A_417 = arith.constant 0xFF800000 : f32
    %broadcast_in_dim3A_418 = vector.broadcast %jit3A_417 : f32 to vector<512x128xf32>
    %select_n3A_419 = arith.select %ge3A_416, %broadcast_in_dim3A_418, %slice3A_77 : vector<512x128xi1>, vector<512x128xf32>
    %max3A_420 = arith.maximumf %max3A_415, %select_n3A_419 : vector<512x128xf32>
    %ge3A_421 = arith.cmpf oge, %slice3A_78, %max3A_268 : vector<512x128xf32>
    %jit3A_422 = arith.constant 0xFF800000 : f32
    %broadcast_in_dim3A_423 = vector.broadcast %jit3A_422 : f32 to vector<512x128xf32>
    %select_n3A_424 = arith.select %ge3A_421, %broadcast_in_dim3A_423, %slice3A_78 : vector<512x128xi1>, vector<512x128xf32>
    %max3A_425 = arith.maximumf %max3A_420, %select_n3A_424 : vector<512x128xf32>
    %ge3A_426 = arith.cmpf oge, %slice3A_79, %max3A_268 : vector<512x128xf32>
    %jit3A_427 = arith.constant 0xFF800000 : f32
    %broadcast_in_dim3A_428 = vector.broadcast %jit3A_427 : f32 to vector<512x128xf32>
    %select_n3A_429 = arith.select %ge3A_426, %broadcast_in_dim3A_428, %slice3A_79 : vector<512x128xi1>, vector<512x128xf32>
    %max3A_430 = arith.maximumf %max3A_425, %select_n3A_429 : vector<512x128xf32>
    %broadcast_in_dim3A_431 = arith.constant 0xFF800000 : f32
    %broadcast_in_dim3A_432 = vector.broadcast %broadcast_in_dim3A_431 : f32 to vector<512x128xf32>
    %ge3A_433 = arith.cmpf oge, %slice3A, %max3A_430 : vector<512x128xf32>
    %jit3A_434 = arith.constant 0xFF800000 : f32
    %broadcast_in_dim3A_435 = vector.broadcast %jit3A_434 : f32 to vector<512x128xf32>
    %select_n3A_436 = arith.select %ge3A_433, %broadcast_in_dim3A_435, %slice3A : vector<512x128xi1>, vector<512x128xf32>
    %max3A_437 = arith.maximumf %broadcast_in_dim3A_432, %select_n3A_436 : vector<512x128xf32>
    %ge3A_438 = arith.cmpf oge, %slice3A_49, %max3A_430 : vector<512x128xf32>
    %jit3A_439 = arith.constant 0xFF800000 : f32
    %broadcast_in_dim3A_440 = vector.broadcast %jit3A_439 : f32 to vector<512x128xf32>
    %select_n3A_441 = arith.select %ge3A_438, %broadcast_in_dim3A_440, %slice3A_49 : vector<512x128xi1>, vector<512x128xf32>
    %max3A_442 = arith.maximumf %max3A_437, %select_n3A_441 : vector<512x128xf32>
    %ge3A_443 = arith.cmpf oge, %slice3A_50, %max3A_430 : vector<512x128xf32>
    %jit3A_444 = arith.constant 0xFF800000 : f32
    %broadcast_in_dim3A_445 = vector.broadcast %jit3A_444 : f32 to vector<512x128xf32>
    %select_n3A_446 = arith.select %ge3A_443, %broadcast_in_dim3A_445, %slice3A_50 : vector<512x128xi1>, vector<512x128xf32>
    %max3A_447 = arith.maximumf %max3A_442, %select_n3A_446 : vector<512x128xf32>
    %ge3A_448 = arith.cmpf oge, %slice3A_51, %max3A_430 : vector<512x128xf32>
    %jit3A_449 = arith.constant 0xFF800000 : f32
    %broadcast_in_dim3A_450 = vector.broadcast %jit3A_449 : f32 to vector<512x128xf32>
    %select_n3A_451 = arith.select %ge3A_448, %broadcast_in_dim3A_450, %slice3A_51 : vector<512x128xi1>, vector<512x128xf32>
    %max3A_452 = arith.maximumf %max3A_447, %select_n3A_451 : vector<512x128xf32>
    %ge3A_453 = arith.cmpf oge, %slice3A_52, %max3A_430 : vector<512x128xf32>
    %jit3A_454 = arith.constant 0xFF800000 : f32
    %broadcast_in_dim3A_455 = vector.broadcast %jit3A_454 : f32 to vector<512x128xf32>
    %select_n3A_456 = arith.select %ge3A_453, %broadcast_in_dim3A_455, %slice3A_52 : vector<512x128xi1>, vector<512x128xf32>
    %max3A_457 = arith.maximumf %max3A_452, %select_n3A_456 : vector<512x128xf32>
    %ge3A_458 = arith.cmpf oge, %slice3A_53, %max3A_430 : vector<512x128xf32>
    %jit3A_459 = arith.constant 0xFF800000 : f32
    %broadcast_in_dim3A_460 = vector.broadcast %jit3A_459 : f32 to vector<512x128xf32>
    %select_n3A_461 = arith.select %ge3A_458, %broadcast_in_dim3A_460, %slice3A_53 : vector<512x128xi1>, vector<512x128xf32>
    %max3A_462 = arith.maximumf %max3A_457, %select_n3A_461 : vector<512x128xf32>
    %ge3A_463 = arith.cmpf oge, %slice3A_54, %max3A_430 : vector<512x128xf32>
    %jit3A_464 = arith.constant 0xFF800000 : f32
    %broadcast_in_dim3A_465 = vector.broadcast %jit3A_464 : f32 to vector<512x128xf32>
    %select_n3A_466 = arith.select %ge3A_463, %broadcast_in_dim3A_465, %slice3A_54 : vector<512x128xi1>, vector<512x128xf32>
    %max3A_467 = arith.maximumf %max3A_462, %select_n3A_466 : vector<512x128xf32>
    %ge3A_468 = arith.cmpf oge, %slice3A_55, %max3A_430 : vector<512x128xf32>
    %jit3A_469 = arith.constant 0xFF800000 : f32
    %broadcast_in_dim3A_470 = vector.broadcast %jit3A_469 : f32 to vector<512x128xf32>
    %select_n3A_471 = arith.select %ge3A_468, %broadcast_in_dim3A_470, %slice3A_55 : vector<512x128xi1>, vector<512x128xf32>
    %max3A_472 = arith.maximumf %max3A_467, %select_n3A_471 : vector<512x128xf32>
    %ge3A_473 = arith.cmpf oge, %slice3A_56, %max3A_430 : vector<512x128xf32>
    %jit3A_474 = arith.constant 0xFF800000 : f32
    %broadcast_in_dim3A_475 = vector.broadcast %jit3A_474 : f32 to vector<512x128xf32>
    %select_n3A_476 = arith.select %ge3A_473, %broadcast_in_dim3A_475, %slice3A_56 : vector<512x128xi1>, vector<512x128xf32>
    %max3A_477 = arith.maximumf %max3A_472, %select_n3A_476 : vector<512x128xf32>
    %ge3A_478 = arith.cmpf oge, %slice3A_57, %max3A_430 : vector<512x128xf32>
    %jit3A_479 = arith.constant 0xFF800000 : f32
    %broadcast_in_dim3A_480 = vector.broadcast %jit3A_479 : f32 to vector<512x128xf32>
    %select_n3A_481 = arith.select %ge3A_478, %broadcast_in_dim3A_480, %slice3A_57 : vector<512x128xi1>, vector<512x128xf32>
    %max3A_482 = arith.maximumf %max3A_477, %select_n3A_481 : vector<512x128xf32>
    %ge3A_483 = arith.cmpf oge, %slice3A_58, %max3A_430 : vector<512x128xf32>
    %jit3A_484 = arith.constant 0xFF800000 : f32
    %broadcast_in_dim3A_485 = vector.broadcast %jit3A_484 : f32 to vector<512x128xf32>
    %select_n3A_486 = arith.select %ge3A_483, %broadcast_in_dim3A_485, %slice3A_58 : vector<512x128xi1>, vector<512x128xf32>
    %max3A_487 = arith.maximumf %max3A_482, %select_n3A_486 : vector<512x128xf32>
    %ge3A_488 = arith.cmpf oge, %slice3A_59, %max3A_430 : vector<512x128xf32>
    %jit3A_489 = arith.constant 0xFF800000 : f32
    %broadcast_in_dim3A_490 = vector.broadcast %jit3A_489 : f32 to vector<512x128xf32>
    %select_n3A_491 = arith.select %ge3A_488, %broadcast_in_dim3A_490, %slice3A_59 : vector<512x128xi1>, vector<512x128xf32>
    %max3A_492 = arith.maximumf %max3A_487, %select_n3A_491 : vector<512x128xf32>
    %ge3A_493 = arith.cmpf oge, %slice3A_60, %max3A_430 : vector<512x128xf32>
    %jit3A_494 = arith.constant 0xFF800000 : f32
    %broadcast_in_dim3A_495 = vector.broadcast %jit3A_494 : f32 to vector<512x128xf32>
    %select_n3A_496 = arith.select %ge3A_493, %broadcast_in_dim3A_495, %slice3A_60 : vector<512x128xi1>, vector<512x128xf32>
    %max3A_497 = arith.maximumf %max3A_492, %select_n3A_496 : vector<512x128xf32>
    %ge3A_498 = arith.cmpf oge, %slice3A_61, %max3A_430 : vector<512x128xf32>
    %jit3A_499 = arith.constant 0xFF800000 : f32
    %broadcast_in_dim3A_500 = vector.broadcast %jit3A_499 : f32 to vector<512x128xf32>
    %select_n3A_501 = arith.select %ge3A_498, %broadcast_in_dim3A_500, %slice3A_61 : vector<512x128xi1>, vector<512x128xf32>
    %max3A_502 = arith.maximumf %max3A_497, %select_n3A_501 : vector<512x128xf32>
    %ge3A_503 = arith.cmpf oge, %slice3A_62, %max3A_430 : vector<512x128xf32>
    %jit3A_504 = arith.constant 0xFF800000 : f32
    %broadcast_in_dim3A_505 = vector.broadcast %jit3A_504 : f32 to vector<512x128xf32>
    %select_n3A_506 = arith.select %ge3A_503, %broadcast_in_dim3A_505, %slice3A_62 : vector<512x128xi1>, vector<512x128xf32>
    %max3A_507 = arith.maximumf %max3A_502, %select_n3A_506 : vector<512x128xf32>
    %ge3A_508 = arith.cmpf oge, %slice3A_63, %max3A_430 : vector<512x128xf32>
    %jit3A_509 = arith.constant 0xFF800000 : f32
    %broadcast_in_dim3A_510 = vector.broadcast %jit3A_509 : f32 to vector<512x128xf32>
    %select_n3A_511 = arith.select %ge3A_508, %broadcast_in_dim3A_510, %slice3A_63 : vector<512x128xi1>, vector<512x128xf32>
    %max3A_512 = arith.maximumf %max3A_507, %select_n3A_511 : vector<512x128xf32>
    %ge3A_513 = arith.cmpf oge, %slice3A_64, %max3A_430 : vector<512x128xf32>
    %jit3A_514 = arith.constant 0xFF800000 : f32
    %broadcast_in_dim3A_515 = vector.broadcast %jit3A_514 : f32 to vector<512x128xf32>
    %select_n3A_516 = arith.select %ge3A_513, %broadcast_in_dim3A_515, %slice3A_64 : vector<512x128xi1>, vector<512x128xf32>
    %max3A_517 = arith.maximumf %max3A_512, %select_n3A_516 : vector<512x128xf32>
    %ge3A_518 = arith.cmpf oge, %slice3A_65, %max3A_430 : vector<512x128xf32>
    %jit3A_519 = arith.constant 0xFF800000 : f32
    %broadcast_in_dim3A_520 = vector.broadcast %jit3A_519 : f32 to vector<512x128xf32>
    %select_n3A_521 = arith.select %ge3A_518, %broadcast_in_dim3A_520, %slice3A_65 : vector<512x128xi1>, vector<512x128xf32>
    %max3A_522 = arith.maximumf %max3A_517, %select_n3A_521 : vector<512x128xf32>
    %ge3A_523 = arith.cmpf oge, %slice3A_66, %max3A_430 : vector<512x128xf32>
    %jit3A_524 = arith.constant 0xFF800000 : f32
    %broadcast_in_dim3A_525 = vector.broadcast %jit3A_524 : f32 to vector<512x128xf32>
    %select_n3A_526 = arith.select %ge3A_523, %broadcast_in_dim3A_525, %slice3A_66 : vector<512x128xi1>, vector<512x128xf32>
    %max3A_527 = arith.maximumf %max3A_522, %select_n3A_526 : vector<512x128xf32>
    %ge3A_528 = arith.cmpf oge, %slice3A_67, %max3A_430 : vector<512x128xf32>
    %jit3A_529 = arith.constant 0xFF800000 : f32
    %broadcast_in_dim3A_530 = vector.broadcast %jit3A_529 : f32 to vector<512x128xf32>
    %select_n3A_531 = arith.select %ge3A_528, %broadcast_in_dim3A_530, %slice3A_67 : vector<512x128xi1>, vector<512x128xf32>
    %max3A_532 = arith.maximumf %max3A_527, %select_n3A_531 : vector<512x128xf32>
    %ge3A_533 = arith.cmpf oge, %slice3A_68, %max3A_430 : vector<512x128xf32>
    %jit3A_534 = arith.constant 0xFF800000 : f32
    %broadcast_in_dim3A_535 = vector.broadcast %jit3A_534 : f32 to vector<512x128xf32>
    %select_n3A_536 = arith.select %ge3A_533, %broadcast_in_dim3A_535, %slice3A_68 : vector<512x128xi1>, vector<512x128xf32>
    %max3A_537 = arith.maximumf %max3A_532, %select_n3A_536 : vector<512x128xf32>
    %ge3A_538 = arith.cmpf oge, %slice3A_69, %max3A_430 : vector<512x128xf32>
    %jit3A_539 = arith.constant 0xFF800000 : f32
    %broadcast_in_dim3A_540 = vector.broadcast %jit3A_539 : f32 to vector<512x128xf32>
    %select_n3A_541 = arith.select %ge3A_538, %broadcast_in_dim3A_540, %slice3A_69 : vector<512x128xi1>, vector<512x128xf32>
    %max3A_542 = arith.maximumf %max3A_537, %select_n3A_541 : vector<512x128xf32>
    %ge3A_543 = arith.cmpf oge, %slice3A_70, %max3A_430 : vector<512x128xf32>
    %jit3A_544 = arith.constant 0xFF800000 : f32
    %broadcast_in_dim3A_545 = vector.broadcast %jit3A_544 : f32 to vector<512x128xf32>
    %select_n3A_546 = arith.select %ge3A_543, %broadcast_in_dim3A_545, %slice3A_70 : vector<512x128xi1>, vector<512x128xf32>
    %max3A_547 = arith.maximumf %max3A_542, %select_n3A_546 : vector<512x128xf32>
    %ge3A_548 = arith.cmpf oge, %slice3A_71, %max3A_430 : vector<512x128xf32>
    %jit3A_549 = arith.constant 0xFF800000 : f32
    %broadcast_in_dim3A_550 = vector.broadcast %jit3A_549 : f32 to vector<512x128xf32>
    %select_n3A_551 = arith.select %ge3A_548, %broadcast_in_dim3A_550, %slice3A_71 : vector<512x128xi1>, vector<512x128xf32>
    %max3A_552 = arith.maximumf %max3A_547, %select_n3A_551 : vector<512x128xf32>
    %ge3A_553 = arith.cmpf oge, %slice3A_72, %max3A_430 : vector<512x128xf32>
    %jit3A_554 = arith.constant 0xFF800000 : f32
    %broadcast_in_dim3A_555 = vector.broadcast %jit3A_554 : f32 to vector<512x128xf32>
    %select_n3A_556 = arith.select %ge3A_553, %broadcast_in_dim3A_555, %slice3A_72 : vector<512x128xi1>, vector<512x128xf32>
    %max3A_557 = arith.maximumf %max3A_552, %select_n3A_556 : vector<512x128xf32>
    %ge3A_558 = arith.cmpf oge, %slice3A_73, %max3A_430 : vector<512x128xf32>
    %jit3A_559 = arith.constant 0xFF800000 : f32
    %broadcast_in_dim3A_560 = vector.broadcast %jit3A_559 : f32 to vector<512x128xf32>
    %select_n3A_561 = arith.select %ge3A_558, %broadcast_in_dim3A_560, %slice3A_73 : vector<512x128xi1>, vector<512x128xf32>
    %max3A_562 = arith.maximumf %max3A_557, %select_n3A_561 : vector<512x128xf32>
    %ge3A_563 = arith.cmpf oge, %slice3A_74, %max3A_430 : vector<512x128xf32>
    %jit3A_564 = arith.constant 0xFF800000 : f32
    %broadcast_in_dim3A_565 = vector.broadcast %jit3A_564 : f32 to vector<512x128xf32>
    %select_n3A_566 = arith.select %ge3A_563, %broadcast_in_dim3A_565, %slice3A_74 : vector<512x128xi1>, vector<512x128xf32>
    %max3A_567 = arith.maximumf %max3A_562, %select_n3A_566 : vector<512x128xf32>
    %ge3A_568 = arith.cmpf oge, %slice3A_75, %max3A_430 : vector<512x128xf32>
    %jit3A_569 = arith.constant 0xFF800000 : f32
    %broadcast_in_dim3A_570 = vector.broadcast %jit3A_569 : f32 to vector<512x128xf32>
    %select_n3A_571 = arith.select %ge3A_568, %broadcast_in_dim3A_570, %slice3A_75 : vector<512x128xi1>, vector<512x128xf32>
    %max3A_572 = arith.maximumf %max3A_567, %select_n3A_571 : vector<512x128xf32>
    %ge3A_573 = arith.cmpf oge, %slice3A_76, %max3A_430 : vector<512x128xf32>
    %jit3A_574 = arith.constant 0xFF800000 : f32
    %broadcast_in_dim3A_575 = vector.broadcast %jit3A_574 : f32 to vector<512x128xf32>
    %select_n3A_576 = arith.select %ge3A_573, %broadcast_in_dim3A_575, %slice3A_76 : vector<512x128xi1>, vector<512x128xf32>
    %max3A_577 = arith.maximumf %max3A_572, %select_n3A_576 : vector<512x128xf32>
    %ge3A_578 = arith.cmpf oge, %slice3A_77, %max3A_430 : vector<512x128xf32>
    %jit3A_579 = arith.constant 0xFF800000 : f32
    %broadcast_in_dim3A_580 = vector.broadcast %jit3A_579 : f32 to vector<512x128xf32>
    %select_n3A_581 = arith.select %ge3A_578, %broadcast_in_dim3A_580, %slice3A_77 : vector<512x128xi1>, vector<512x128xf32>
    %max3A_582 = arith.maximumf %max3A_577, %select_n3A_581 : vector<512x128xf32>
    %ge3A_583 = arith.cmpf oge, %slice3A_78, %max3A_430 : vector<512x128xf32>
    %jit3A_584 = arith.constant 0xFF800000 : f32
    %broadcast_in_dim3A_585 = vector.broadcast %jit3A_584 : f32 to vector<512x128xf32>
    %select_n3A_586 = arith.select %ge3A_583, %broadcast_in_dim3A_585, %slice3A_78 : vector<512x128xi1>, vector<512x128xf32>
    %max3A_587 = arith.maximumf %max3A_582, %select_n3A_586 : vector<512x128xf32>
    %ge3A_588 = arith.cmpf oge, %slice3A_79, %max3A_430 : vector<512x128xf32>
    %jit3A_589 = arith.constant 0xFF800000 : f32
    %broadcast_in_dim3A_590 = vector.broadcast %jit3A_589 : f32 to vector<512x128xf32>
    %select_n3A_591 = arith.select %ge3A_588, %broadcast_in_dim3A_590, %slice3A_79 : vector<512x128xi1>, vector<512x128xf32>
    %max3A_592 = arith.maximumf %max3A_587, %select_n3A_591 : vector<512x128xf32>
    %broadcast_in_dim3A_593 = arith.constant 0xFF800000 : f32
    %broadcast_in_dim3A_594 = vector.broadcast %broadcast_in_dim3A_593 : f32 to vector<512x128xf32>
    %ge3A_595 = arith.cmpf oge, %slice3A, %max3A_592 : vector<512x128xf32>
    %jit3A_596 = arith.constant 0xFF800000 : f32
    %broadcast_in_dim3A_597 = vector.broadcast %jit3A_596 : f32 to vector<512x128xf32>
    %select_n3A_598 = arith.select %ge3A_595, %broadcast_in_dim3A_597, %slice3A : vector<512x128xi1>, vector<512x128xf32>
    %max3A_599 = arith.maximumf %broadcast_in_dim3A_594, %select_n3A_598 : vector<512x128xf32>
    %ge3A_600 = arith.cmpf oge, %slice3A_49, %max3A_592 : vector<512x128xf32>
    %jit3A_601 = arith.constant 0xFF800000 : f32
    %broadcast_in_dim3A_602 = vector.broadcast %jit3A_601 : f32 to vector<512x128xf32>
    %select_n3A_603 = arith.select %ge3A_600, %broadcast_in_dim3A_602, %slice3A_49 : vector<512x128xi1>, vector<512x128xf32>
    %max3A_604 = arith.maximumf %max3A_599, %select_n3A_603 : vector<512x128xf32>
    %ge3A_605 = arith.cmpf oge, %slice3A_50, %max3A_592 : vector<512x128xf32>
    %jit3A_606 = arith.constant 0xFF800000 : f32
    %broadcast_in_dim3A_607 = vector.broadcast %jit3A_606 : f32 to vector<512x128xf32>
    %select_n3A_608 = arith.select %ge3A_605, %broadcast_in_dim3A_607, %slice3A_50 : vector<512x128xi1>, vector<512x128xf32>
    %max3A_609 = arith.maximumf %max3A_604, %select_n3A_608 : vector<512x128xf32>
    %ge3A_610 = arith.cmpf oge, %slice3A_51, %max3A_592 : vector<512x128xf32>
    %jit3A_611 = arith.constant 0xFF800000 : f32
    %broadcast_in_dim3A_612 = vector.broadcast %jit3A_611 : f32 to vector<512x128xf32>
    %select_n3A_613 = arith.select %ge3A_610, %broadcast_in_dim3A_612, %slice3A_51 : vector<512x128xi1>, vector<512x128xf32>
    %max3A_614 = arith.maximumf %max3A_609, %select_n3A_613 : vector<512x128xf32>
    %ge3A_615 = arith.cmpf oge, %slice3A_52, %max3A_592 : vector<512x128xf32>
    %jit3A_616 = arith.constant 0xFF800000 : f32
    %broadcast_in_dim3A_617 = vector.broadcast %jit3A_616 : f32 to vector<512x128xf32>
    %select_n3A_618 = arith.select %ge3A_615, %broadcast_in_dim3A_617, %slice3A_52 : vector<512x128xi1>, vector<512x128xf32>
    %max3A_619 = arith.maximumf %max3A_614, %select_n3A_618 : vector<512x128xf32>
    %ge3A_620 = arith.cmpf oge, %slice3A_53, %max3A_592 : vector<512x128xf32>
    %jit3A_621 = arith.constant 0xFF800000 : f32
    %broadcast_in_dim3A_622 = vector.broadcast %jit3A_621 : f32 to vector<512x128xf32>
    %select_n3A_623 = arith.select %ge3A_620, %broadcast_in_dim3A_622, %slice3A_53 : vector<512x128xi1>, vector<512x128xf32>
    %max3A_624 = arith.maximumf %max3A_619, %select_n3A_623 : vector<512x128xf32>
    %ge3A_625 = arith.cmpf oge, %slice3A_54, %max3A_592 : vector<512x128xf32>
    %jit3A_626 = arith.constant 0xFF800000 : f32
    %broadcast_in_dim3A_627 = vector.broadcast %jit3A_626 : f32 to vector<512x128xf32>
    %select_n3A_628 = arith.select %ge3A_625, %broadcast_in_dim3A_627, %slice3A_54 : vector<512x128xi1>, vector<512x128xf32>
    %max3A_629 = arith.maximumf %max3A_624, %select_n3A_628 : vector<512x128xf32>
    %ge3A_630 = arith.cmpf oge, %slice3A_55, %max3A_592 : vector<512x128xf32>
    %jit3A_631 = arith.constant 0xFF800000 : f32
    %broadcast_in_dim3A_632 = vector.broadcast %jit3A_631 : f32 to vector<512x128xf32>
    %select_n3A_633 = arith.select %ge3A_630, %broadcast_in_dim3A_632, %slice3A_55 : vector<512x128xi1>, vector<512x128xf32>
    %max3A_634 = arith.maximumf %max3A_629, %select_n3A_633 : vector<512x128xf32>
    %ge3A_635 = arith.cmpf oge, %slice3A_56, %max3A_592 : vector<512x128xf32>
    %jit3A_636 = arith.constant 0xFF800000 : f32
    %broadcast_in_dim3A_637 = vector.broadcast %jit3A_636 : f32 to vector<512x128xf32>
    %select_n3A_638 = arith.select %ge3A_635, %broadcast_in_dim3A_637, %slice3A_56 : vector<512x128xi1>, vector<512x128xf32>
    %max3A_639 = arith.maximumf %max3A_634, %select_n3A_638 : vector<512x128xf32>
    %ge3A_640 = arith.cmpf oge, %slice3A_57, %max3A_592 : vector<512x128xf32>
    %jit3A_641 = arith.constant 0xFF800000 : f32
    %broadcast_in_dim3A_642 = vector.broadcast %jit3A_641 : f32 to vector<512x128xf32>
    %select_n3A_643 = arith.select %ge3A_640, %broadcast_in_dim3A_642, %slice3A_57 : vector<512x128xi1>, vector<512x128xf32>
    %max3A_644 = arith.maximumf %max3A_639, %select_n3A_643 : vector<512x128xf32>
    %ge3A_645 = arith.cmpf oge, %slice3A_58, %max3A_592 : vector<512x128xf32>
    %jit3A_646 = arith.constant 0xFF800000 : f32
    %broadcast_in_dim3A_647 = vector.broadcast %jit3A_646 : f32 to vector<512x128xf32>
    %select_n3A_648 = arith.select %ge3A_645, %broadcast_in_dim3A_647, %slice3A_58 : vector<512x128xi1>, vector<512x128xf32>
    %max3A_649 = arith.maximumf %max3A_644, %select_n3A_648 : vector<512x128xf32>
    %ge3A_650 = arith.cmpf oge, %slice3A_59, %max3A_592 : vector<512x128xf32>
    %jit3A_651 = arith.constant 0xFF800000 : f32
    %broadcast_in_dim3A_652 = vector.broadcast %jit3A_651 : f32 to vector<512x128xf32>
    %select_n3A_653 = arith.select %ge3A_650, %broadcast_in_dim3A_652, %slice3A_59 : vector<512x128xi1>, vector<512x128xf32>
    %max3A_654 = arith.maximumf %max3A_649, %select_n3A_653 : vector<512x128xf32>
    %ge3A_655 = arith.cmpf oge, %slice3A_60, %max3A_592 : vector<512x128xf32>
    %jit3A_656 = arith.constant 0xFF800000 : f32
    %broadcast_in_dim3A_657 = vector.broadcast %jit3A_656 : f32 to vector<512x128xf32>
    %select_n3A_658 = arith.select %ge3A_655, %broadcast_in_dim3A_657, %slice3A_60 : vector<512x128xi1>, vector<512x128xf32>
    %max3A_659 = arith.maximumf %max3A_654, %select_n3A_658 : vector<512x128xf32>
    %ge3A_660 = arith.cmpf oge, %slice3A_61, %max3A_592 : vector<512x128xf32>
    %jit3A_661 = arith.constant 0xFF800000 : f32
    %broadcast_in_dim3A_662 = vector.broadcast %jit3A_661 : f32 to vector<512x128xf32>
    %select_n3A_663 = arith.select %ge3A_660, %broadcast_in_dim3A_662, %slice3A_61 : vector<512x128xi1>, vector<512x128xf32>
    %max3A_664 = arith.maximumf %max3A_659, %select_n3A_663 : vector<512x128xf32>
    %ge3A_665 = arith.cmpf oge, %slice3A_62, %max3A_592 : vector<512x128xf32>
    %jit3A_666 = arith.constant 0xFF800000 : f32
    %broadcast_in_dim3A_667 = vector.broadcast %jit3A_666 : f32 to vector<512x128xf32>
    %select_n3A_668 = arith.select %ge3A_665, %broadcast_in_dim3A_667, %slice3A_62 : vector<512x128xi1>, vector<512x128xf32>
    %max3A_669 = arith.maximumf %max3A_664, %select_n3A_668 : vector<512x128xf32>
    %ge3A_670 = arith.cmpf oge, %slice3A_63, %max3A_592 : vector<512x128xf32>
    %jit3A_671 = arith.constant 0xFF800000 : f32
    %broadcast_in_dim3A_672 = vector.broadcast %jit3A_671 : f32 to vector<512x128xf32>
    %select_n3A_673 = arith.select %ge3A_670, %broadcast_in_dim3A_672, %slice3A_63 : vector<512x128xi1>, vector<512x128xf32>
    %max3A_674 = arith.maximumf %max3A_669, %select_n3A_673 : vector<512x128xf32>
    %ge3A_675 = arith.cmpf oge, %slice3A_64, %max3A_592 : vector<512x128xf32>
    %jit3A_676 = arith.constant 0xFF800000 : f32
    %broadcast_in_dim3A_677 = vector.broadcast %jit3A_676 : f32 to vector<512x128xf32>
    %select_n3A_678 = arith.select %ge3A_675, %broadcast_in_dim3A_677, %slice3A_64 : vector<512x128xi1>, vector<512x128xf32>
    %max3A_679 = arith.maximumf %max3A_674, %select_n3A_678 : vector<512x128xf32>
    %ge3A_680 = arith.cmpf oge, %slice3A_65, %max3A_592 : vector<512x128xf32>
    %jit3A_681 = arith.constant 0xFF800000 : f32
    %broadcast_in_dim3A_682 = vector.broadcast %jit3A_681 : f32 to vector<512x128xf32>
    %select_n3A_683 = arith.select %ge3A_680, %broadcast_in_dim3A_682, %slice3A_65 : vector<512x128xi1>, vector<512x128xf32>
    %max3A_684 = arith.maximumf %max3A_679, %select_n3A_683 : vector<512x128xf32>
    %ge3A_685 = arith.cmpf oge, %slice3A_66, %max3A_592 : vector<512x128xf32>
    %jit3A_686 = arith.constant 0xFF800000 : f32
    %broadcast_in_dim3A_687 = vector.broadcast %jit3A_686 : f32 to vector<512x128xf32>
    %select_n3A_688 = arith.select %ge3A_685, %broadcast_in_dim3A_687, %slice3A_66 : vector<512x128xi1>, vector<512x128xf32>
    %max3A_689 = arith.maximumf %max3A_684, %select_n3A_688 : vector<512x128xf32>
    %ge3A_690 = arith.cmpf oge, %slice3A_67, %max3A_592 : vector<512x128xf32>
    %jit3A_691 = arith.constant 0xFF800000 : f32
    %broadcast_in_dim3A_692 = vector.broadcast %jit3A_691 : f32 to vector<512x128xf32>
    %select_n3A_693 = arith.select %ge3A_690, %broadcast_in_dim3A_692, %slice3A_67 : vector<512x128xi1>, vector<512x128xf32>
    %max3A_694 = arith.maximumf %max3A_689, %select_n3A_693 : vector<512x128xf32>
    %ge3A_695 = arith.cmpf oge, %slice3A_68, %max3A_592 : vector<512x128xf32>
    %jit3A_696 = arith.constant 0xFF800000 : f32
    %broadcast_in_dim3A_697 = vector.broadcast %jit3A_696 : f32 to vector<512x128xf32>
    %select_n3A_698 = arith.select %ge3A_695, %broadcast_in_dim3A_697, %slice3A_68 : vector<512x128xi1>, vector<512x128xf32>
    %max3A_699 = arith.maximumf %max3A_694, %select_n3A_698 : vector<512x128xf32>
    %ge3A_700 = arith.cmpf oge, %slice3A_69, %max3A_592 : vector<512x128xf32>
    %jit3A_701 = arith.constant 0xFF800000 : f32
    %broadcast_in_dim3A_702 = vector.broadcast %jit3A_701 : f32 to vector<512x128xf32>
    %select_n3A_703 = arith.select %ge3A_700, %broadcast_in_dim3A_702, %slice3A_69 : vector<512x128xi1>, vector<512x128xf32>
    %max3A_704 = arith.maximumf %max3A_699, %select_n3A_703 : vector<512x128xf32>
    %ge3A_705 = arith.cmpf oge, %slice3A_70, %max3A_592 : vector<512x128xf32>
    %jit3A_706 = arith.constant 0xFF800000 : f32
    %broadcast_in_dim3A_707 = vector.broadcast %jit3A_706 : f32 to vector<512x128xf32>
    %select_n3A_708 = arith.select %ge3A_705, %broadcast_in_dim3A_707, %slice3A_70 : vector<512x128xi1>, vector<512x128xf32>
    %max3A_709 = arith.maximumf %max3A_704, %select_n3A_708 : vector<512x128xf32>
    %ge3A_710 = arith.cmpf oge, %slice3A_71, %max3A_592 : vector<512x128xf32>
    %jit3A_711 = arith.constant 0xFF800000 : f32
    %broadcast_in_dim3A_712 = vector.broadcast %jit3A_711 : f32 to vector<512x128xf32>
    %select_n3A_713 = arith.select %ge3A_710, %broadcast_in_dim3A_712, %slice3A_71 : vector<512x128xi1>, vector<512x128xf32>
    %max3A_714 = arith.maximumf %max3A_709, %select_n3A_713 : vector<512x128xf32>
    %ge3A_715 = arith.cmpf oge, %slice3A_72, %max3A_592 : vector<512x128xf32>
    %jit3A_716 = arith.constant 0xFF800000 : f32
    %broadcast_in_dim3A_717 = vector.broadcast %jit3A_716 : f32 to vector<512x128xf32>
    %select_n3A_718 = arith.select %ge3A_715, %broadcast_in_dim3A_717, %slice3A_72 : vector<512x128xi1>, vector<512x128xf32>
    %max3A_719 = arith.maximumf %max3A_714, %select_n3A_718 : vector<512x128xf32>
    %ge3A_720 = arith.cmpf oge, %slice3A_73, %max3A_592 : vector<512x128xf32>
    %jit3A_721 = arith.constant 0xFF800000 : f32
    %broadcast_in_dim3A_722 = vector.broadcast %jit3A_721 : f32 to vector<512x128xf32>
    %select_n3A_723 = arith.select %ge3A_720, %broadcast_in_dim3A_722, %slice3A_73 : vector<512x128xi1>, vector<512x128xf32>
    %max3A_724 = arith.maximumf %max3A_719, %select_n3A_723 : vector<512x128xf32>
    %ge3A_725 = arith.cmpf oge, %slice3A_74, %max3A_592 : vector<512x128xf32>
    %jit3A_726 = arith.constant 0xFF800000 : f32
    %broadcast_in_dim3A_727 = vector.broadcast %jit3A_726 : f32 to vector<512x128xf32>
    %select_n3A_728 = arith.select %ge3A_725, %broadcast_in_dim3A_727, %slice3A_74 : vector<512x128xi1>, vector<512x128xf32>
    %max3A_729 = arith.maximumf %max3A_724, %select_n3A_728 : vector<512x128xf32>
    %ge3A_730 = arith.cmpf oge, %slice3A_75, %max3A_592 : vector<512x128xf32>
    %jit3A_731 = arith.constant 0xFF800000 : f32
    %broadcast_in_dim3A_732 = vector.broadcast %jit3A_731 : f32 to vector<512x128xf32>
    %select_n3A_733 = arith.select %ge3A_730, %broadcast_in_dim3A_732, %slice3A_75 : vector<512x128xi1>, vector<512x128xf32>
    %max3A_734 = arith.maximumf %max3A_729, %select_n3A_733 : vector<512x128xf32>
    %ge3A_735 = arith.cmpf oge, %slice3A_76, %max3A_592 : vector<512x128xf32>
    %jit3A_736 = arith.constant 0xFF800000 : f32
    %broadcast_in_dim3A_737 = vector.broadcast %jit3A_736 : f32 to vector<512x128xf32>
    %select_n3A_738 = arith.select %ge3A_735, %broadcast_in_dim3A_737, %slice3A_76 : vector<512x128xi1>, vector<512x128xf32>
    %max3A_739 = arith.maximumf %max3A_734, %select_n3A_738 : vector<512x128xf32>
    %ge3A_740 = arith.cmpf oge, %slice3A_77, %max3A_592 : vector<512x128xf32>
    %jit3A_741 = arith.constant 0xFF800000 : f32
    %broadcast_in_dim3A_742 = vector.broadcast %jit3A_741 : f32 to vector<512x128xf32>
    %select_n3A_743 = arith.select %ge3A_740, %broadcast_in_dim3A_742, %slice3A_77 : vector<512x128xi1>, vector<512x128xf32>
    %max3A_744 = arith.maximumf %max3A_739, %select_n3A_743 : vector<512x128xf32>
    %ge3A_745 = arith.cmpf oge, %slice3A_78, %max3A_592 : vector<512x128xf32>
    %jit3A_746 = arith.constant 0xFF800000 : f32
    %broadcast_in_dim3A_747 = vector.broadcast %jit3A_746 : f32 to vector<512x128xf32>
    %select_n3A_748 = arith.select %ge3A_745, %broadcast_in_dim3A_747, %slice3A_78 : vector<512x128xi1>, vector<512x128xf32>
    %max3A_749 = arith.maximumf %max3A_744, %select_n3A_748 : vector<512x128xf32>
    %ge3A_750 = arith.cmpf oge, %slice3A_79, %max3A_592 : vector<512x128xf32>
    %jit3A_751 = arith.constant 0xFF800000 : f32
    %broadcast_in_dim3A_752 = vector.broadcast %jit3A_751 : f32 to vector<512x128xf32>
    %select_n3A_753 = arith.select %ge3A_750, %broadcast_in_dim3A_752, %slice3A_79 : vector<512x128xi1>, vector<512x128xf32>
    %max3A_754 = arith.maximumf %max3A_749, %select_n3A_753 : vector<512x128xf32>
    %concatenate3A = tpu.concatenate %max3A_109, %max3A_268, %max3A_430, %max3A_592, %max3A_754 in 1 : vector<512x128xf32>, vector<512x128xf32>, vector<512x128xf32>, vector<512x128xf32>, vector<512x128xf32> -> vector<512x640xf32>
    %reduce_max3A = arith.constant dense<0xFF800000> : vector<512xf32>
    %reduce_max3A_755 = vector.multi_reduction <maximumf>, %concatenate3A, %reduce_max3A [1] : vector<512x640xf32> to vector<512xf32>
    %broadcast_in_dim3A_756 = vector.shape_cast %reduce_max3A_755 : vector<512xf32> to vector<512x1xf32>
    %ge3A_757 = vector.broadcast %broadcast_in_dim3A_756 : vector<512x1xf32> to vector<512x640xf32>
    %ge3A_758 = arith.cmpf oge, %concatenate3A, %ge3A_757 : vector<512x640xf32>
    %jit3A_759 = arith.constant 0xFF800000 : f32
    %broadcast_in_dim3A_760 = vector.broadcast %jit3A_759 : f32 to vector<512x640xf32>
    %select_n3A_761 = arith.select %ge3A_758, %broadcast_in_dim3A_760, %concatenate3A : vector<512x640xi1>, vector<512x640xf32>
    %reduce_max3A_762 = arith.constant dense<0xFF800000> : vector<512xf32>
    %reduce_max3A_763 = vector.multi_reduction <maximumf>, %select_n3A_761, %reduce_max3A_762 [1] : vector<512x640xf32> to vector<512xf32>
    %broadcast_in_dim3A_764 = vector.shape_cast %reduce_max3A_763 : vector<512xf32> to vector<512x1xf32>
    %ge3A_765 = vector.broadcast %broadcast_in_dim3A_764 : vector<512x1xf32> to vector<512x640xf32>
    %ge3A_766 = arith.cmpf oge, %select_n3A_761, %ge3A_765 : vector<512x640xf32>
    %jit3A_767 = arith.constant 0xFF800000 : f32
    %broadcast_in_dim3A_768 = vector.broadcast %jit3A_767 : f32 to vector<512x640xf32>
    %select_n3A_769 = arith.select %ge3A_766, %broadcast_in_dim3A_768, %select_n3A_761 : vector<512x640xi1>, vector<512x640xf32>
    %reduce_max3A_770 = arith.constant dense<0xFF800000> : vector<512xf32>
    %reduce_max3A_771 = vector.multi_reduction <maximumf>, %select_n3A_769, %reduce_max3A_770 [1] : vector<512x640xf32> to vector<512xf32>
    %broadcast_in_dim3A_772 = vector.shape_cast %reduce_max3A_771 : vector<512xf32> to vector<512x1xf32>
    %ge3A_773 = vector.broadcast %broadcast_in_dim3A_772 : vector<512x1xf32> to vector<512x640xf32>
    %ge3A_774 = arith.cmpf oge, %select_n3A_769, %ge3A_773 : vector<512x640xf32>
    %jit3A_775 = arith.constant 0xFF800000 : f32
    %broadcast_in_dim3A_776 = vector.broadcast %jit3A_775 : f32 to vector<512x640xf32>
    %select_n3A_777 = arith.select %ge3A_774, %broadcast_in_dim3A_776, %select_n3A_769 : vector<512x640xi1>, vector<512x640xf32>
    %reduce_max3A_778 = arith.constant dense<0xFF800000> : vector<512xf32>
    %reduce_max3A_779 = vector.multi_reduction <maximumf>, %select_n3A_777, %reduce_max3A_778 [1] : vector<512x640xf32> to vector<512xf32>
    %broadcast_in_dim3A_780 = vector.shape_cast %reduce_max3A_779 : vector<512xf32> to vector<512x1xf32>
    %ge3A_781 = vector.broadcast %broadcast_in_dim3A_780 : vector<512x1xf32> to vector<512x640xf32>
    %ge3A_782 = arith.cmpf oge, %select_n3A_777, %ge3A_781 : vector<512x640xf32>
    %jit3A_783 = arith.constant 0xFF800000 : f32
    %broadcast_in_dim3A_784 = vector.broadcast %jit3A_783 : f32 to vector<512x640xf32>
    %select_n3A_785 = arith.select %ge3A_782, %broadcast_in_dim3A_784, %select_n3A_777 : vector<512x640xi1>, vector<512x640xf32>
    %reduce_max3A_786 = arith.constant dense<0xFF800000> : vector<512xf32>
    %reduce_max3A_787 = vector.multi_reduction <maximumf>, %select_n3A_785, %reduce_max3A_786 [1] : vector<512x640xf32> to vector<512xf32>
    %broadcast_in_dim3A_788 = vector.shape_cast %reduce_max3A_787 : vector<512xf32> to vector<512x1xf32>
    %ge3A_789 = vector.broadcast %broadcast_in_dim3A_788 : vector<512x1xf32> to vector<512x640xf32>
    %ge3A_790 = arith.cmpf oge, %select_n3A_785, %ge3A_789 : vector<512x640xf32>
    %jit3A_791 = arith.constant 0xFF800000 : f32
    %broadcast_in_dim3A_792 = vector.broadcast %jit3A_791 : f32 to vector<512x640xf32>
    %select_n3A_793 = arith.select %ge3A_790, %broadcast_in_dim3A_792, %select_n3A_785 : vector<512x640xi1>, vector<512x640xf32>
    %reduce_max3A_794 = arith.constant dense<0xFF800000> : vector<512xf32>
    %reduce_max3A_795 = vector.multi_reduction <maximumf>, %select_n3A_793, %reduce_max3A_794 [1] : vector<512x640xf32> to vector<512xf32>
    %broadcast_in_dim3A_796 = vector.shape_cast %reduce_max3A_795 : vector<512xf32> to vector<512x1xf32>
    %ge3A_797 = vector.broadcast %broadcast_in_dim3A_796 : vector<512x1xf32> to vector<512x640xf32>
    %ge3A_798 = arith.cmpf oge, %select_n3A_793, %ge3A_797 : vector<512x640xf32>
    %jit3A_799 = arith.constant 0xFF800000 : f32
    %broadcast_in_dim3A_800 = vector.broadcast %jit3A_799 : f32 to vector<512x640xf32>
    %select_n3A_801 = arith.select %ge3A_798, %broadcast_in_dim3A_800, %select_n3A_793 : vector<512x640xi1>, vector<512x640xf32>
    %reduce_max3A_802 = arith.constant dense<0xFF800000> : vector<512xf32>
    %reduce_max3A_803 = vector.multi_reduction <maximumf>, %select_n3A_801, %reduce_max3A_802 [1] : vector<512x640xf32> to vector<512xf32>
    %broadcast_in_dim3A_804 = vector.shape_cast %reduce_max3A_803 : vector<512xf32> to vector<512x1xf32>
    %ge3A_805 = vector.broadcast %broadcast_in_dim3A_804 : vector<512x1xf32> to vector<512x640xf32>
    %ge3A_806 = arith.cmpf oge, %select_n3A_801, %ge3A_805 : vector<512x640xf32>
    %jit3A_807 = arith.constant 0xFF800000 : f32
    %broadcast_in_dim3A_808 = vector.broadcast %jit3A_807 : f32 to vector<512x640xf32>
    %select_n3A_809 = arith.select %ge3A_806, %broadcast_in_dim3A_808, %select_n3A_801 : vector<512x640xi1>, vector<512x640xf32>
    %reduce_max3A_810 = arith.constant dense<0xFF800000> : vector<512xf32>
    %reduce_max3A_811 = vector.multi_reduction <maximumf>, %select_n3A_809, %reduce_max3A_810 [1] : vector<512x640xf32> to vector<512xf32>
    %broadcast_in_dim3A_812 = vector.shape_cast %reduce_max3A_811 : vector<512xf32> to vector<512x1xf32>
    %ge3A_813 = vector.broadcast %broadcast_in_dim3A_812 : vector<512x1xf32> to vector<512x640xf32>
    %ge3A_814 = arith.cmpf oge, %select_n3A_809, %ge3A_813 : vector<512x640xf32>
    %jit3A_815 = arith.constant 0xFF800000 : f32
    %broadcast_in_dim3A_816 = vector.broadcast %jit3A_815 : f32 to vector<512x640xf32>
    %select_n3A_817 = arith.select %ge3A_814, %broadcast_in_dim3A_816, %select_n3A_809 : vector<512x640xi1>, vector<512x640xf32>
    %reduce_max3A_818 = arith.constant dense<0xFF800000> : vector<512xf32>
    %reduce_max3A_819 = vector.multi_reduction <maximumf>, %select_n3A_817, %reduce_max3A_818 [1] : vector<512x640xf32> to vector<512xf32>
    %broadcast_in_dim3A_820 = vector.shape_cast %reduce_max3A_819 : vector<512xf32> to vector<512x1xf32>
    %ge3A_821 = vector.broadcast %broadcast_in_dim3A_820 : vector<512x1xf32> to vector<512x640xf32>
    %ge3A_822 = arith.cmpf oge, %select_n3A_817, %ge3A_821 : vector<512x640xf32>
    %jit3A_823 = arith.constant 0xFF800000 : f32
    %broadcast_in_dim3A_824 = vector.broadcast %jit3A_823 : f32 to vector<512x640xf32>
    %select_n3A_825 = arith.select %ge3A_822, %broadcast_in_dim3A_824, %select_n3A_817 : vector<512x640xi1>, vector<512x640xf32>
    %reduce_max3A_826 = arith.constant dense<0xFF800000> : vector<512xf32>
    %reduce_max3A_827 = vector.multi_reduction <maximumf>, %select_n3A_825, %reduce_max3A_826 [1] : vector<512x640xf32> to vector<512xf32>
    %broadcast_in_dim3A_828 = vector.shape_cast %reduce_max3A_827 : vector<512xf32> to vector<512x1xf32>
    %ge3A_829 = vector.broadcast %broadcast_in_dim3A_828 : vector<512x1xf32> to vector<512x640xf32>
    %ge3A_830 = arith.cmpf oge, %select_n3A_825, %ge3A_829 : vector<512x640xf32>
    %jit3A_831 = arith.constant 0xFF800000 : f32
    %broadcast_in_dim3A_832 = vector.broadcast %jit3A_831 : f32 to vector<512x640xf32>
    %select_n3A_833 = arith.select %ge3A_830, %broadcast_in_dim3A_832, %select_n3A_825 : vector<512x640xi1>, vector<512x640xf32>
    %reduce_max3A_834 = arith.constant dense<0xFF800000> : vector<512xf32>
    %reduce_max3A_835 = vector.multi_reduction <maximumf>, %select_n3A_833, %reduce_max3A_834 [1] : vector<512x640xf32> to vector<512xf32>
    %broadcast_in_dim3A_836 = vector.shape_cast %reduce_max3A_835 : vector<512xf32> to vector<512x1xf32>
    %ge3A_837 = vector.broadcast %broadcast_in_dim3A_836 : vector<512x1xf32> to vector<512x640xf32>
    %ge3A_838 = arith.cmpf oge, %select_n3A_833, %ge3A_837 : vector<512x640xf32>
    %jit3A_839 = arith.constant 0xFF800000 : f32
    %broadcast_in_dim3A_840 = vector.broadcast %jit3A_839 : f32 to vector<512x640xf32>
    %select_n3A_841 = arith.select %ge3A_838, %broadcast_in_dim3A_840, %select_n3A_833 : vector<512x640xi1>, vector<512x640xf32>
    %reduce_max3A_842 = arith.constant dense<0xFF800000> : vector<512xf32>
    %reduce_max3A_843 = vector.multi_reduction <maximumf>, %select_n3A_841, %reduce_max3A_842 [1] : vector<512x640xf32> to vector<512xf32>
    %broadcast_in_dim3A_844 = vector.shape_cast %reduce_max3A_843 : vector<512xf32> to vector<512x1xf32>
    %ge3A_845 = vector.broadcast %broadcast_in_dim3A_844 : vector<512x1xf32> to vector<512x640xf32>
    %ge3A_846 = arith.cmpf oge, %select_n3A_841, %ge3A_845 : vector<512x640xf32>
    %jit3A_847 = arith.constant 0xFF800000 : f32
    %broadcast_in_dim3A_848 = vector.broadcast %jit3A_847 : f32 to vector<512x640xf32>
    %select_n3A_849 = arith.select %ge3A_846, %broadcast_in_dim3A_848, %select_n3A_841 : vector<512x640xi1>, vector<512x640xf32>
    %reduce_max3A_850 = arith.constant dense<0xFF800000> : vector<512xf32>
    %reduce_max3A_851 = vector.multi_reduction <maximumf>, %select_n3A_849, %reduce_max3A_850 [1] : vector<512x640xf32> to vector<512xf32>
    %broadcast_in_dim3A_852 = vector.shape_cast %reduce_max3A_851 : vector<512xf32> to vector<512x1xf32>
    %ge3A_853 = vector.broadcast %broadcast_in_dim3A_852 : vector<512x1xf32> to vector<512x640xf32>
    %ge3A_854 = arith.cmpf oge, %select_n3A_849, %ge3A_853 : vector<512x640xf32>
    %jit3A_855 = arith.constant 0xFF800000 : f32
    %broadcast_in_dim3A_856 = vector.broadcast %jit3A_855 : f32 to vector<512x640xf32>
    %select_n3A_857 = arith.select %ge3A_854, %broadcast_in_dim3A_856, %select_n3A_849 : vector<512x640xi1>, vector<512x640xf32>
    %reduce_max3A_858 = arith.constant dense<0xFF800000> : vector<512xf32>
    %reduce_max3A_859 = vector.multi_reduction <maximumf>, %select_n3A_857, %reduce_max3A_858 [1] : vector<512x640xf32> to vector<512xf32>
    %broadcast_in_dim3A_860 = vector.shape_cast %reduce_max3A_859 : vector<512xf32> to vector<512x1xf32>
    %ge3A_861 = vector.broadcast %broadcast_in_dim3A_860 : vector<512x1xf32> to vector<512x640xf32>
    %ge3A_862 = arith.cmpf oge, %select_n3A_857, %ge3A_861 : vector<512x640xf32>
    %jit3A_863 = arith.constant 0xFF800000 : f32
    %broadcast_in_dim3A_864 = vector.broadcast %jit3A_863 : f32 to vector<512x640xf32>
    %select_n3A_865 = arith.select %ge3A_862, %broadcast_in_dim3A_864, %select_n3A_857 : vector<512x640xi1>, vector<512x640xf32>
    %reduce_max3A_866 = arith.constant dense<0xFF800000> : vector<512xf32>
    %reduce_max3A_867 = vector.multi_reduction <maximumf>, %select_n3A_865, %reduce_max3A_866 [1] : vector<512x640xf32> to vector<512xf32>
    %broadcast_in_dim3A_868 = vector.shape_cast %reduce_max3A_867 : vector<512xf32> to vector<512x1xf32>
    %ge3A_869 = vector.broadcast %broadcast_in_dim3A_868 : vector<512x1xf32> to vector<512x640xf32>
    %ge3A_870 = arith.cmpf oge, %select_n3A_865, %ge3A_869 : vector<512x640xf32>
    %jit3A_871 = arith.constant 0xFF800000 : f32
    %broadcast_in_dim3A_872 = vector.broadcast %jit3A_871 : f32 to vector<512x640xf32>
    %select_n3A_873 = arith.select %ge3A_870, %broadcast_in_dim3A_872, %select_n3A_865 : vector<512x640xi1>, vector<512x640xf32>
    %reduce_max3A_874 = arith.constant dense<0xFF800000> : vector<512xf32>
    %reduce_max3A_875 = vector.multi_reduction <maximumf>, %select_n3A_873, %reduce_max3A_874 [1] : vector<512x640xf32> to vector<512xf32>
    %broadcast_in_dim3A_876 = vector.shape_cast %reduce_max3A_875 : vector<512xf32> to vector<512x1xf32>
    %ge3A_877 = vector.broadcast %broadcast_in_dim3A_876 : vector<512x1xf32> to vector<512x640xf32>
    %ge3A_878 = arith.cmpf oge, %select_n3A_873, %ge3A_877 : vector<512x640xf32>
    %jit3A_879 = arith.constant 0xFF800000 : f32
    %broadcast_in_dim3A_880 = vector.broadcast %jit3A_879 : f32 to vector<512x640xf32>
    %select_n3A_881 = arith.select %ge3A_878, %broadcast_in_dim3A_880, %select_n3A_873 : vector<512x640xi1>, vector<512x640xf32>
    %reduce_max3A_882 = arith.constant dense<0xFF800000> : vector<512xf32>
    %reduce_max3A_883 = vector.multi_reduction <maximumf>, %select_n3A_881, %reduce_max3A_882 [1] : vector<512x640xf32> to vector<512xf32>
    %broadcast_in_dim3A_884 = vector.shape_cast %reduce_max3A_883 : vector<512xf32> to vector<512x1xf32>
    %ge3A_885 = vector.broadcast %broadcast_in_dim3A_884 : vector<512x1xf32> to vector<512x640xf32>
    %ge3A_886 = arith.cmpf oge, %select_n3A_881, %ge3A_885 : vector<512x640xf32>
    %jit3A_887 = arith.constant 0xFF800000 : f32
    %broadcast_in_dim3A_888 = vector.broadcast %jit3A_887 : f32 to vector<512x640xf32>
    %select_n3A_889 = arith.select %ge3A_886, %broadcast_in_dim3A_888, %select_n3A_881 : vector<512x640xi1>, vector<512x640xf32>
    %reduce_max3A_890 = arith.constant dense<0xFF800000> : vector<512xf32>
    %reduce_max3A_891 = vector.multi_reduction <maximumf>, %select_n3A_889, %reduce_max3A_890 [1] : vector<512x640xf32> to vector<512xf32>
    %broadcast_in_dim3A_892 = vector.shape_cast %reduce_max3A_891 : vector<512xf32> to vector<512x1xf32>
    %ge3A_893 = vector.broadcast %broadcast_in_dim3A_892 : vector<512x1xf32> to vector<512x640xf32>
    %ge3A_894 = arith.cmpf oge, %select_n3A_889, %ge3A_893 : vector<512x640xf32>
    %jit3A_895 = arith.constant 0xFF800000 : f32
    %broadcast_in_dim3A_896 = vector.broadcast %jit3A_895 : f32 to vector<512x640xf32>
    %select_n3A_897 = arith.select %ge3A_894, %broadcast_in_dim3A_896, %select_n3A_889 : vector<512x640xi1>, vector<512x640xf32>
    %reduce_max3A_898 = arith.constant dense<0xFF800000> : vector<512xf32>
    %reduce_max3A_899 = vector.multi_reduction <maximumf>, %select_n3A_897, %reduce_max3A_898 [1] : vector<512x640xf32> to vector<512xf32>
    %broadcast_in_dim3A_900 = vector.shape_cast %reduce_max3A_899 : vector<512xf32> to vector<512x1xf32>
    %ge3A_901 = vector.broadcast %broadcast_in_dim3A_900 : vector<512x1xf32> to vector<512x640xf32>
    %ge3A_902 = arith.cmpf oge, %select_n3A_897, %ge3A_901 : vector<512x640xf32>
    %jit3A_903 = arith.constant 0xFF800000 : f32
    %broadcast_in_dim3A_904 = vector.broadcast %jit3A_903 : f32 to vector<512x640xf32>
    %select_n3A_905 = arith.select %ge3A_902, %broadcast_in_dim3A_904, %select_n3A_897 : vector<512x640xi1>, vector<512x640xf32>
    %reduce_max3A_906 = arith.constant dense<0xFF800000> : vector<512xf32>
    %reduce_max3A_907 = vector.multi_reduction <maximumf>, %select_n3A_905, %reduce_max3A_906 [1] : vector<512x640xf32> to vector<512xf32>
    %broadcast_in_dim3A_908 = vector.shape_cast %reduce_max3A_907 : vector<512xf32> to vector<512x1xf32>
    %iota3A = tpu.iota {dimensions = array<i32: 1>} : vector<512x128xi32>
    %broadcast_in_dim3A_909 = arith.constant 0 : i32
    %broadcast_in_dim3A_910 = vector.broadcast %broadcast_in_dim3A_909 : i32 to vector<512x128xi32>
    %ge3A_911 = vector.broadcast %broadcast_in_dim3A_908 : vector<512x1xf32> to vector<512x128xf32>
    %ge3A_912 = arith.cmpf oge, %slice3A, %ge3A_911 : vector<512x128xf32>
    %jit3A_913 = arith.constant 1 : i32
    %jit3A_914 = arith.constant 0 : i32
    %broadcast_in_dim3A_915 = vector.broadcast %jit3A_913 : i32 to vector<512x128xi32>
    %broadcast_in_dim3A_916 = vector.broadcast %jit3A_914 : i32 to vector<512x128xi32>
    %select_n3A_917 = arith.select %ge3A_912, %broadcast_in_dim3A_915, %broadcast_in_dim3A_916 : vector<512x128xi1>, vector<512x128xi32>
    %or3A = arith.ori %broadcast_in_dim3A_910, %select_n3A_917 : vector<512x128xi32>
    %ge3A_918 = vector.broadcast %broadcast_in_dim3A_908 : vector<512x1xf32> to vector<512x128xf32>
    %ge3A_919 = arith.cmpf oge, %slice3A_49, %ge3A_918 : vector<512x128xf32>
    %jit3A_920 = arith.constant 2 : i32
    %jit3A_921 = arith.constant 0 : i32
    %broadcast_in_dim3A_922 = vector.broadcast %jit3A_920 : i32 to vector<512x128xi32>
    %broadcast_in_dim3A_923 = vector.broadcast %jit3A_921 : i32 to vector<512x128xi32>
    %select_n3A_924 = arith.select %ge3A_919, %broadcast_in_dim3A_922, %broadcast_in_dim3A_923 : vector<512x128xi1>, vector<512x128xi32>
    %or3A_925 = arith.ori %or3A, %select_n3A_924 : vector<512x128xi32>
    %ge3A_926 = vector.broadcast %broadcast_in_dim3A_908 : vector<512x1xf32> to vector<512x128xf32>
    %ge3A_927 = arith.cmpf oge, %slice3A_50, %ge3A_926 : vector<512x128xf32>
    %jit3A_928 = arith.constant 4 : i32
    %jit3A_929 = arith.constant 0 : i32
    %broadcast_in_dim3A_930 = vector.broadcast %jit3A_928 : i32 to vector<512x128xi32>
    %broadcast_in_dim3A_931 = vector.broadcast %jit3A_929 : i32 to vector<512x128xi32>
    %select_n3A_932 = arith.select %ge3A_927, %broadcast_in_dim3A_930, %broadcast_in_dim3A_931 : vector<512x128xi1>, vector<512x128xi32>
    %or3A_933 = arith.ori %or3A_925, %select_n3A_932 : vector<512x128xi32>
    %ge3A_934 = vector.broadcast %broadcast_in_dim3A_908 : vector<512x1xf32> to vector<512x128xf32>
    %ge3A_935 = arith.cmpf oge, %slice3A_51, %ge3A_934 : vector<512x128xf32>
    %jit3A_936 = arith.constant 8 : i32
    %jit3A_937 = arith.constant 0 : i32
    %broadcast_in_dim3A_938 = vector.broadcast %jit3A_936 : i32 to vector<512x128xi32>
    %broadcast_in_dim3A_939 = vector.broadcast %jit3A_937 : i32 to vector<512x128xi32>
    %select_n3A_940 = arith.select %ge3A_935, %broadcast_in_dim3A_938, %broadcast_in_dim3A_939 : vector<512x128xi1>, vector<512x128xi32>
    %or3A_941 = arith.ori %or3A_933, %select_n3A_940 : vector<512x128xi32>
    %ge3A_942 = vector.broadcast %broadcast_in_dim3A_908 : vector<512x1xf32> to vector<512x128xf32>
    %ge3A_943 = arith.cmpf oge, %slice3A_52, %ge3A_942 : vector<512x128xf32>
    %jit3A_944 = arith.constant 16 : i32
    %jit3A_945 = arith.constant 0 : i32
    %broadcast_in_dim3A_946 = vector.broadcast %jit3A_944 : i32 to vector<512x128xi32>
    %broadcast_in_dim3A_947 = vector.broadcast %jit3A_945 : i32 to vector<512x128xi32>
    %select_n3A_948 = arith.select %ge3A_943, %broadcast_in_dim3A_946, %broadcast_in_dim3A_947 : vector<512x128xi1>, vector<512x128xi32>
    %or3A_949 = arith.ori %or3A_941, %select_n3A_948 : vector<512x128xi32>
    %ge3A_950 = vector.broadcast %broadcast_in_dim3A_908 : vector<512x1xf32> to vector<512x128xf32>
    %ge3A_951 = arith.cmpf oge, %slice3A_53, %ge3A_950 : vector<512x128xf32>
    %jit3A_952 = arith.constant 32 : i32
    %jit3A_953 = arith.constant 0 : i32
    %broadcast_in_dim3A_954 = vector.broadcast %jit3A_952 : i32 to vector<512x128xi32>
    %broadcast_in_dim3A_955 = vector.broadcast %jit3A_953 : i32 to vector<512x128xi32>
    %select_n3A_956 = arith.select %ge3A_951, %broadcast_in_dim3A_954, %broadcast_in_dim3A_955 : vector<512x128xi1>, vector<512x128xi32>
    %or3A_957 = arith.ori %or3A_949, %select_n3A_956 : vector<512x128xi32>
    %ge3A_958 = vector.broadcast %broadcast_in_dim3A_908 : vector<512x1xf32> to vector<512x128xf32>
    %ge3A_959 = arith.cmpf oge, %slice3A_54, %ge3A_958 : vector<512x128xf32>
    %jit3A_960 = arith.constant 64 : i32
    %jit3A_961 = arith.constant 0 : i32
    %broadcast_in_dim3A_962 = vector.broadcast %jit3A_960 : i32 to vector<512x128xi32>
    %broadcast_in_dim3A_963 = vector.broadcast %jit3A_961 : i32 to vector<512x128xi32>
    %select_n3A_964 = arith.select %ge3A_959, %broadcast_in_dim3A_962, %broadcast_in_dim3A_963 : vector<512x128xi1>, vector<512x128xi32>
    %or3A_965 = arith.ori %or3A_957, %select_n3A_964 : vector<512x128xi32>
    %ge3A_966 = vector.broadcast %broadcast_in_dim3A_908 : vector<512x1xf32> to vector<512x128xf32>
    %ge3A_967 = arith.cmpf oge, %slice3A_55, %ge3A_966 : vector<512x128xf32>
    %jit3A_968 = arith.constant 128 : i32
    %jit3A_969 = arith.constant 0 : i32
    %broadcast_in_dim3A_970 = vector.broadcast %jit3A_968 : i32 to vector<512x128xi32>
    %broadcast_in_dim3A_971 = vector.broadcast %jit3A_969 : i32 to vector<512x128xi32>
    %select_n3A_972 = arith.select %ge3A_967, %broadcast_in_dim3A_970, %broadcast_in_dim3A_971 : vector<512x128xi1>, vector<512x128xi32>
    %or3A_973 = arith.ori %or3A_965, %select_n3A_972 : vector<512x128xi32>
    %ge3A_974 = vector.broadcast %broadcast_in_dim3A_908 : vector<512x1xf32> to vector<512x128xf32>
    %ge3A_975 = arith.cmpf oge, %slice3A_56, %ge3A_974 : vector<512x128xf32>
    %jit3A_976 = arith.constant 256 : i32
    %jit3A_977 = arith.constant 0 : i32
    %broadcast_in_dim3A_978 = vector.broadcast %jit3A_976 : i32 to vector<512x128xi32>
    %broadcast_in_dim3A_979 = vector.broadcast %jit3A_977 : i32 to vector<512x128xi32>
    %select_n3A_980 = arith.select %ge3A_975, %broadcast_in_dim3A_978, %broadcast_in_dim3A_979 : vector<512x128xi1>, vector<512x128xi32>
    %or3A_981 = arith.ori %or3A_973, %select_n3A_980 : vector<512x128xi32>
    %ge3A_982 = vector.broadcast %broadcast_in_dim3A_908 : vector<512x1xf32> to vector<512x128xf32>
    %ge3A_983 = arith.cmpf oge, %slice3A_57, %ge3A_982 : vector<512x128xf32>
    %jit3A_984 = arith.constant 512 : i32
    %jit3A_985 = arith.constant 0 : i32
    %broadcast_in_dim3A_986 = vector.broadcast %jit3A_984 : i32 to vector<512x128xi32>
    %broadcast_in_dim3A_987 = vector.broadcast %jit3A_985 : i32 to vector<512x128xi32>
    %select_n3A_988 = arith.select %ge3A_983, %broadcast_in_dim3A_986, %broadcast_in_dim3A_987 : vector<512x128xi1>, vector<512x128xi32>
    %or3A_989 = arith.ori %or3A_981, %select_n3A_988 : vector<512x128xi32>
    %ge3A_990 = vector.broadcast %broadcast_in_dim3A_908 : vector<512x1xf32> to vector<512x128xf32>
    %ge3A_991 = arith.cmpf oge, %slice3A_58, %ge3A_990 : vector<512x128xf32>
    %jit3A_992 = arith.constant 1024 : i32
    %jit3A_993 = arith.constant 0 : i32
    %broadcast_in_dim3A_994 = vector.broadcast %jit3A_992 : i32 to vector<512x128xi32>
    %broadcast_in_dim3A_995 = vector.broadcast %jit3A_993 : i32 to vector<512x128xi32>
    %select_n3A_996 = arith.select %ge3A_991, %broadcast_in_dim3A_994, %broadcast_in_dim3A_995 : vector<512x128xi1>, vector<512x128xi32>
    %or3A_997 = arith.ori %or3A_989, %select_n3A_996 : vector<512x128xi32>
    %ge3A_998 = vector.broadcast %broadcast_in_dim3A_908 : vector<512x1xf32> to vector<512x128xf32>
    %ge3A_999 = arith.cmpf oge, %slice3A_59, %ge3A_998 : vector<512x128xf32>
    %jit3A_1000 = arith.constant 2048 : i32
    %jit3A_1001 = arith.constant 0 : i32
    %broadcast_in_dim3A_1002 = vector.broadcast %jit3A_1000 : i32 to vector<512x128xi32>
    %broadcast_in_dim3A_1003 = vector.broadcast %jit3A_1001 : i32 to vector<512x128xi32>
    %select_n3A_1004 = arith.select %ge3A_999, %broadcast_in_dim3A_1002, %broadcast_in_dim3A_1003 : vector<512x128xi1>, vector<512x128xi32>
    %or3A_1005 = arith.ori %or3A_997, %select_n3A_1004 : vector<512x128xi32>
    %ge3A_1006 = vector.broadcast %broadcast_in_dim3A_908 : vector<512x1xf32> to vector<512x128xf32>
    %ge3A_1007 = arith.cmpf oge, %slice3A_60, %ge3A_1006 : vector<512x128xf32>
    %jit3A_1008 = arith.constant 4096 : i32
    %jit3A_1009 = arith.constant 0 : i32
    %broadcast_in_dim3A_1010 = vector.broadcast %jit3A_1008 : i32 to vector<512x128xi32>
    %broadcast_in_dim3A_1011 = vector.broadcast %jit3A_1009 : i32 to vector<512x128xi32>
    %select_n3A_1012 = arith.select %ge3A_1007, %broadcast_in_dim3A_1010, %broadcast_in_dim3A_1011 : vector<512x128xi1>, vector<512x128xi32>
    %or3A_1013 = arith.ori %or3A_1005, %select_n3A_1012 : vector<512x128xi32>
    %ge3A_1014 = vector.broadcast %broadcast_in_dim3A_908 : vector<512x1xf32> to vector<512x128xf32>
    %ge3A_1015 = arith.cmpf oge, %slice3A_61, %ge3A_1014 : vector<512x128xf32>
    %jit3A_1016 = arith.constant 8192 : i32
    %jit3A_1017 = arith.constant 0 : i32
    %broadcast_in_dim3A_1018 = vector.broadcast %jit3A_1016 : i32 to vector<512x128xi32>
    %broadcast_in_dim3A_1019 = vector.broadcast %jit3A_1017 : i32 to vector<512x128xi32>
    %select_n3A_1020 = arith.select %ge3A_1015, %broadcast_in_dim3A_1018, %broadcast_in_dim3A_1019 : vector<512x128xi1>, vector<512x128xi32>
    %or3A_1021 = arith.ori %or3A_1013, %select_n3A_1020 : vector<512x128xi32>
    %ge3A_1022 = vector.broadcast %broadcast_in_dim3A_908 : vector<512x1xf32> to vector<512x128xf32>
    %ge3A_1023 = arith.cmpf oge, %slice3A_62, %ge3A_1022 : vector<512x128xf32>
    %jit3A_1024 = arith.constant 16384 : i32
    %jit3A_1025 = arith.constant 0 : i32
    %broadcast_in_dim3A_1026 = vector.broadcast %jit3A_1024 : i32 to vector<512x128xi32>
    %broadcast_in_dim3A_1027 = vector.broadcast %jit3A_1025 : i32 to vector<512x128xi32>
    %select_n3A_1028 = arith.select %ge3A_1023, %broadcast_in_dim3A_1026, %broadcast_in_dim3A_1027 : vector<512x128xi1>, vector<512x128xi32>
    %or3A_1029 = arith.ori %or3A_1021, %select_n3A_1028 : vector<512x128xi32>
    %ge3A_1030 = vector.broadcast %broadcast_in_dim3A_908 : vector<512x1xf32> to vector<512x128xf32>
    %ge3A_1031 = arith.cmpf oge, %slice3A_63, %ge3A_1030 : vector<512x128xf32>
    %jit3A_1032 = arith.constant 32768 : i32
    %jit3A_1033 = arith.constant 0 : i32
    %broadcast_in_dim3A_1034 = vector.broadcast %jit3A_1032 : i32 to vector<512x128xi32>
    %broadcast_in_dim3A_1035 = vector.broadcast %jit3A_1033 : i32 to vector<512x128xi32>
    %select_n3A_1036 = arith.select %ge3A_1031, %broadcast_in_dim3A_1034, %broadcast_in_dim3A_1035 : vector<512x128xi1>, vector<512x128xi32>
    %or3A_1037 = arith.ori %or3A_1029, %select_n3A_1036 : vector<512x128xi32>
    %ge3A_1038 = vector.broadcast %broadcast_in_dim3A_908 : vector<512x1xf32> to vector<512x128xf32>
    %ge3A_1039 = arith.cmpf oge, %slice3A_64, %ge3A_1038 : vector<512x128xf32>
    %jit3A_1040 = arith.constant 1 : i32
    %jit3A_1041 = arith.constant 0 : i32
    %broadcast_in_dim3A_1042 = vector.broadcast %jit3A_1040 : i32 to vector<512x128xi32>
    %broadcast_in_dim3A_1043 = vector.broadcast %jit3A_1041 : i32 to vector<512x128xi32>
    %select_n3A_1044 = arith.select %ge3A_1039, %broadcast_in_dim3A_1042, %broadcast_in_dim3A_1043 : vector<512x128xi1>, vector<512x128xi32>
    %or3A_1045 = arith.ori %broadcast_in_dim3A_910, %select_n3A_1044 : vector<512x128xi32>
    %ge3A_1046 = vector.broadcast %broadcast_in_dim3A_908 : vector<512x1xf32> to vector<512x128xf32>
    %ge3A_1047 = arith.cmpf oge, %slice3A_65, %ge3A_1046 : vector<512x128xf32>
    %jit3A_1048 = arith.constant 2 : i32
    %jit3A_1049 = arith.constant 0 : i32
    %broadcast_in_dim3A_1050 = vector.broadcast %jit3A_1048 : i32 to vector<512x128xi32>
    %broadcast_in_dim3A_1051 = vector.broadcast %jit3A_1049 : i32 to vector<512x128xi32>
    %select_n3A_1052 = arith.select %ge3A_1047, %broadcast_in_dim3A_1050, %broadcast_in_dim3A_1051 : vector<512x128xi1>, vector<512x128xi32>
    %or3A_1053 = arith.ori %or3A_1045, %select_n3A_1052 : vector<512x128xi32>
    %ge3A_1054 = vector.broadcast %broadcast_in_dim3A_908 : vector<512x1xf32> to vector<512x128xf32>
    %ge3A_1055 = arith.cmpf oge, %slice3A_66, %ge3A_1054 : vector<512x128xf32>
    %jit3A_1056 = arith.constant 4 : i32
    %jit3A_1057 = arith.constant 0 : i32
    %broadcast_in_dim3A_1058 = vector.broadcast %jit3A_1056 : i32 to vector<512x128xi32>
    %broadcast_in_dim3A_1059 = vector.broadcast %jit3A_1057 : i32 to vector<512x128xi32>
    %select_n3A_1060 = arith.select %ge3A_1055, %broadcast_in_dim3A_1058, %broadcast_in_dim3A_1059 : vector<512x128xi1>, vector<512x128xi32>
    %or3A_1061 = arith.ori %or3A_1053, %select_n3A_1060 : vector<512x128xi32>
    %ge3A_1062 = vector.broadcast %broadcast_in_dim3A_908 : vector<512x1xf32> to vector<512x128xf32>
    %ge3A_1063 = arith.cmpf oge, %slice3A_67, %ge3A_1062 : vector<512x128xf32>
    %jit3A_1064 = arith.constant 8 : i32
    %jit3A_1065 = arith.constant 0 : i32
    %broadcast_in_dim3A_1066 = vector.broadcast %jit3A_1064 : i32 to vector<512x128xi32>
    %broadcast_in_dim3A_1067 = vector.broadcast %jit3A_1065 : i32 to vector<512x128xi32>
    %select_n3A_1068 = arith.select %ge3A_1063, %broadcast_in_dim3A_1066, %broadcast_in_dim3A_1067 : vector<512x128xi1>, vector<512x128xi32>
    %or3A_1069 = arith.ori %or3A_1061, %select_n3A_1068 : vector<512x128xi32>
    %ge3A_1070 = vector.broadcast %broadcast_in_dim3A_908 : vector<512x1xf32> to vector<512x128xf32>
    %ge3A_1071 = arith.cmpf oge, %slice3A_68, %ge3A_1070 : vector<512x128xf32>
    %jit3A_1072 = arith.constant 16 : i32
    %jit3A_1073 = arith.constant 0 : i32
    %broadcast_in_dim3A_1074 = vector.broadcast %jit3A_1072 : i32 to vector<512x128xi32>
    %broadcast_in_dim3A_1075 = vector.broadcast %jit3A_1073 : i32 to vector<512x128xi32>
    %select_n3A_1076 = arith.select %ge3A_1071, %broadcast_in_dim3A_1074, %broadcast_in_dim3A_1075 : vector<512x128xi1>, vector<512x128xi32>
    %or3A_1077 = arith.ori %or3A_1069, %select_n3A_1076 : vector<512x128xi32>
    %ge3A_1078 = vector.broadcast %broadcast_in_dim3A_908 : vector<512x1xf32> to vector<512x128xf32>
    %ge3A_1079 = arith.cmpf oge, %slice3A_69, %ge3A_1078 : vector<512x128xf32>
    %jit3A_1080 = arith.constant 32 : i32
    %jit3A_1081 = arith.constant 0 : i32
    %broadcast_in_dim3A_1082 = vector.broadcast %jit3A_1080 : i32 to vector<512x128xi32>
    %broadcast_in_dim3A_1083 = vector.broadcast %jit3A_1081 : i32 to vector<512x128xi32>
    %select_n3A_1084 = arith.select %ge3A_1079, %broadcast_in_dim3A_1082, %broadcast_in_dim3A_1083 : vector<512x128xi1>, vector<512x128xi32>
    %or3A_1085 = arith.ori %or3A_1077, %select_n3A_1084 : vector<512x128xi32>
    %ge3A_1086 = vector.broadcast %broadcast_in_dim3A_908 : vector<512x1xf32> to vector<512x128xf32>
    %ge3A_1087 = arith.cmpf oge, %slice3A_70, %ge3A_1086 : vector<512x128xf32>
    %jit3A_1088 = arith.constant 64 : i32
    %jit3A_1089 = arith.constant 0 : i32
    %broadcast_in_dim3A_1090 = vector.broadcast %jit3A_1088 : i32 to vector<512x128xi32>
    %broadcast_in_dim3A_1091 = vector.broadcast %jit3A_1089 : i32 to vector<512x128xi32>
    %select_n3A_1092 = arith.select %ge3A_1087, %broadcast_in_dim3A_1090, %broadcast_in_dim3A_1091 : vector<512x128xi1>, vector<512x128xi32>
    %or3A_1093 = arith.ori %or3A_1085, %select_n3A_1092 : vector<512x128xi32>
    %ge3A_1094 = vector.broadcast %broadcast_in_dim3A_908 : vector<512x1xf32> to vector<512x128xf32>
    %ge3A_1095 = arith.cmpf oge, %slice3A_71, %ge3A_1094 : vector<512x128xf32>
    %jit3A_1096 = arith.constant 128 : i32
    %jit3A_1097 = arith.constant 0 : i32
    %broadcast_in_dim3A_1098 = vector.broadcast %jit3A_1096 : i32 to vector<512x128xi32>
    %broadcast_in_dim3A_1099 = vector.broadcast %jit3A_1097 : i32 to vector<512x128xi32>
    %select_n3A_1100 = arith.select %ge3A_1095, %broadcast_in_dim3A_1098, %broadcast_in_dim3A_1099 : vector<512x128xi1>, vector<512x128xi32>
    %or3A_1101 = arith.ori %or3A_1093, %select_n3A_1100 : vector<512x128xi32>
    %ge3A_1102 = vector.broadcast %broadcast_in_dim3A_908 : vector<512x1xf32> to vector<512x128xf32>
    %ge3A_1103 = arith.cmpf oge, %slice3A_72, %ge3A_1102 : vector<512x128xf32>
    %jit3A_1104 = arith.constant 256 : i32
    %jit3A_1105 = arith.constant 0 : i32
    %broadcast_in_dim3A_1106 = vector.broadcast %jit3A_1104 : i32 to vector<512x128xi32>
    %broadcast_in_dim3A_1107 = vector.broadcast %jit3A_1105 : i32 to vector<512x128xi32>
    %select_n3A_1108 = arith.select %ge3A_1103, %broadcast_in_dim3A_1106, %broadcast_in_dim3A_1107 : vector<512x128xi1>, vector<512x128xi32>
    %or3A_1109 = arith.ori %or3A_1101, %select_n3A_1108 : vector<512x128xi32>
    %ge3A_1110 = vector.broadcast %broadcast_in_dim3A_908 : vector<512x1xf32> to vector<512x128xf32>
    %ge3A_1111 = arith.cmpf oge, %slice3A_73, %ge3A_1110 : vector<512x128xf32>
    %jit3A_1112 = arith.constant 512 : i32
    %jit3A_1113 = arith.constant 0 : i32
    %broadcast_in_dim3A_1114 = vector.broadcast %jit3A_1112 : i32 to vector<512x128xi32>
    %broadcast_in_dim3A_1115 = vector.broadcast %jit3A_1113 : i32 to vector<512x128xi32>
    %select_n3A_1116 = arith.select %ge3A_1111, %broadcast_in_dim3A_1114, %broadcast_in_dim3A_1115 : vector<512x128xi1>, vector<512x128xi32>
    %or3A_1117 = arith.ori %or3A_1109, %select_n3A_1116 : vector<512x128xi32>
    %ge3A_1118 = vector.broadcast %broadcast_in_dim3A_908 : vector<512x1xf32> to vector<512x128xf32>
    %ge3A_1119 = arith.cmpf oge, %slice3A_74, %ge3A_1118 : vector<512x128xf32>
    %jit3A_1120 = arith.constant 1024 : i32
    %jit3A_1121 = arith.constant 0 : i32
    %broadcast_in_dim3A_1122 = vector.broadcast %jit3A_1120 : i32 to vector<512x128xi32>
    %broadcast_in_dim3A_1123 = vector.broadcast %jit3A_1121 : i32 to vector<512x128xi32>
    %select_n3A_1124 = arith.select %ge3A_1119, %broadcast_in_dim3A_1122, %broadcast_in_dim3A_1123 : vector<512x128xi1>, vector<512x128xi32>
    %or3A_1125 = arith.ori %or3A_1117, %select_n3A_1124 : vector<512x128xi32>
    %ge3A_1126 = vector.broadcast %broadcast_in_dim3A_908 : vector<512x1xf32> to vector<512x128xf32>
    %ge3A_1127 = arith.cmpf oge, %slice3A_75, %ge3A_1126 : vector<512x128xf32>
    %jit3A_1128 = arith.constant 2048 : i32
    %jit3A_1129 = arith.constant 0 : i32
    %broadcast_in_dim3A_1130 = vector.broadcast %jit3A_1128 : i32 to vector<512x128xi32>
    %broadcast_in_dim3A_1131 = vector.broadcast %jit3A_1129 : i32 to vector<512x128xi32>
    %select_n3A_1132 = arith.select %ge3A_1127, %broadcast_in_dim3A_1130, %broadcast_in_dim3A_1131 : vector<512x128xi1>, vector<512x128xi32>
    %or3A_1133 = arith.ori %or3A_1125, %select_n3A_1132 : vector<512x128xi32>
    %ge3A_1134 = vector.broadcast %broadcast_in_dim3A_908 : vector<512x1xf32> to vector<512x128xf32>
    %ge3A_1135 = arith.cmpf oge, %slice3A_76, %ge3A_1134 : vector<512x128xf32>
    %jit3A_1136 = arith.constant 4096 : i32
    %jit3A_1137 = arith.constant 0 : i32
    %broadcast_in_dim3A_1138 = vector.broadcast %jit3A_1136 : i32 to vector<512x128xi32>
    %broadcast_in_dim3A_1139 = vector.broadcast %jit3A_1137 : i32 to vector<512x128xi32>
    %select_n3A_1140 = arith.select %ge3A_1135, %broadcast_in_dim3A_1138, %broadcast_in_dim3A_1139 : vector<512x128xi1>, vector<512x128xi32>
    %or3A_1141 = arith.ori %or3A_1133, %select_n3A_1140 : vector<512x128xi32>
    %ge3A_1142 = vector.broadcast %broadcast_in_dim3A_908 : vector<512x1xf32> to vector<512x128xf32>
    %ge3A_1143 = arith.cmpf oge, %slice3A_77, %ge3A_1142 : vector<512x128xf32>
    %jit3A_1144 = arith.constant 8192 : i32
    %jit3A_1145 = arith.constant 0 : i32
    %broadcast_in_dim3A_1146 = vector.broadcast %jit3A_1144 : i32 to vector<512x128xi32>
    %broadcast_in_dim3A_1147 = vector.broadcast %jit3A_1145 : i32 to vector<512x128xi32>
    %select_n3A_1148 = arith.select %ge3A_1143, %broadcast_in_dim3A_1146, %broadcast_in_dim3A_1147 : vector<512x128xi1>, vector<512x128xi32>
    %or3A_1149 = arith.ori %or3A_1141, %select_n3A_1148 : vector<512x128xi32>
    %ge3A_1150 = vector.broadcast %broadcast_in_dim3A_908 : vector<512x1xf32> to vector<512x128xf32>
    %ge3A_1151 = arith.cmpf oge, %slice3A_78, %ge3A_1150 : vector<512x128xf32>
    %jit3A_1152 = arith.constant 16384 : i32
    %jit3A_1153 = arith.constant 0 : i32
    %broadcast_in_dim3A_1154 = vector.broadcast %jit3A_1152 : i32 to vector<512x128xi32>
    %broadcast_in_dim3A_1155 = vector.broadcast %jit3A_1153 : i32 to vector<512x128xi32>
    %select_n3A_1156 = arith.select %ge3A_1151, %broadcast_in_dim3A_1154, %broadcast_in_dim3A_1155 : vector<512x128xi1>, vector<512x128xi32>
    %or3A_1157 = arith.ori %or3A_1149, %select_n3A_1156 : vector<512x128xi32>
    %ge3A_1158 = vector.broadcast %broadcast_in_dim3A_908 : vector<512x1xf32> to vector<512x128xf32>
    %ge3A_1159 = arith.cmpf oge, %slice3A_79, %ge3A_1158 : vector<512x128xf32>
    %jit3A_1160 = arith.constant 32768 : i32
    %jit3A_1161 = arith.constant 0 : i32
    %broadcast_in_dim3A_1162 = vector.broadcast %jit3A_1160 : i32 to vector<512x128xi32>
    %broadcast_in_dim3A_1163 = vector.broadcast %jit3A_1161 : i32 to vector<512x128xi32>
    %select_n3A_1164 = arith.select %ge3A_1159, %broadcast_in_dim3A_1162, %broadcast_in_dim3A_1163 : vector<512x128xi1>, vector<512x128xi32>
    %or3A_1165 = arith.ori %or3A_1157, %select_n3A_1164 : vector<512x128xi32>
    %ne3A = arith.constant 0 : i32
    %ne3A_1166 = vector.broadcast %ne3A : i32 to vector<512x128xi32>
    %ne3A_1167 = arith.cmpi ne, %or3A_1037, %ne3A_1166 : vector<512x128xi32>
    %select_n3A_1168 = arith.select %ne3A_1167, %or3A_1037, %or3A_1165 : vector<512x128xi1>, vector<512x128xi32>
    %sub3A_1169 = arith.subi %broadcast_in_dim3A_910, %select_n3A_1168 : vector<512x128xi32>
    %and3A = arith.andi %select_n3A_1168, %sub3A_1169 : vector<512x128xi32>
    %convert_element_type3A = arith.sitofp %and3A : vector<512x128xi32> to vector<512x128xf32>
    %bitcast_convert_type3A = tpu.bitcast %convert_element_type3A : vector<512x128xf32> -> vector<512x128xi32>
    %shift_right_arithmetic3A = arith.constant 23 : i32
    %shift_right_arithmetic3A_1170 = vector.broadcast %shift_right_arithmetic3A : i32 to vector<512x128xi32>
    %shift_right_arithmetic3A_1171 = arith.shrsi %bitcast_convert_type3A, %shift_right_arithmetic3A_1170 : vector<512x128xi32>
    %sub3A_1172 = arith.constant 127 : i32
    %sub3A_1173 = vector.broadcast %sub3A_1172 : i32 to vector<512x128xi32>
    %sub3A_1174 = arith.subi %shift_right_arithmetic3A_1171, %sub3A_1173 : vector<512x128xi32>
    %add3A_1175 = arith.constant 16 : i32
    %add3A_1176 = vector.broadcast %add3A_1175 : i32 to vector<512x128xi32>
    %add3A_1177 = arith.addi %sub3A_1174, %add3A_1176 : vector<512x128xi32>
    %select_n3A_1178 = arith.select %ne3A_1167, %sub3A_1174, %add3A_1177 : vector<512x128xi1>, vector<512x128xi32>
    %ne3A_1179 = arith.constant 0 : i32
    %ne3A_1180 = vector.broadcast %ne3A_1179 : i32 to vector<512x128xi32>
    %ne3A_1181 = arith.cmpi ne, %select_n3A_1168, %ne3A_1180 : vector<512x128xi32>
    %mul3A_1182 = arith.constant 128 : i32
    %mul3A_1183 = vector.broadcast %mul3A_1182 : i32 to vector<512x128xi32>
    %mul3A_1184 = arith.muli %select_n3A_1178, %mul3A_1183 : vector<512x128xi32>
    %add3A_1185 = arith.addi %mul3A_1184, %iota3A : vector<512x128xi32>
    %jit3A_1186 = arith.constant 1048576 : i32
    %broadcast_in_dim3A_1187 = vector.broadcast %jit3A_1186 : i32 to vector<512x128xi32>
    %select_n3A_1188 = arith.select %ne3A_1181, %add3A_1185, %broadcast_in_dim3A_1187 : vector<512x128xi1>, vector<512x128xi32>
    %xor3A = arith.xori %or3A_1037, %and3A : vector<512x128xi32>
    %select_n3A_1189 = arith.select %ne3A_1167, %xor3A, %or3A_1037 : vector<512x128xi1>, vector<512x128xi32>
    %xor3A_1190 = arith.xori %or3A_1165, %and3A : vector<512x128xi32>
    %select_n3A_1191 = arith.select %ne3A_1167, %or3A_1165, %xor3A_1190 : vector<512x128xi1>, vector<512x128xi32>
    %ne3A_1192 = arith.constant 0 : i32
    %ne3A_1193 = vector.broadcast %ne3A_1192 : i32 to vector<512x128xi32>
    %ne3A_1194 = arith.cmpi ne, %select_n3A_1189, %ne3A_1193 : vector<512x128xi32>
    %select_n3A_1195 = arith.select %ne3A_1194, %select_n3A_1189, %select_n3A_1191 : vector<512x128xi1>, vector<512x128xi32>
    %sub3A_1196 = arith.subi %broadcast_in_dim3A_910, %select_n3A_1195 : vector<512x128xi32>
    %and3A_1197 = arith.andi %select_n3A_1195, %sub3A_1196 : vector<512x128xi32>
    %convert_element_type3A_1198 = arith.sitofp %and3A_1197 : vector<512x128xi32> to vector<512x128xf32>
    %bitcast_convert_type3A_1199 = tpu.bitcast %convert_element_type3A_1198 : vector<512x128xf32> -> vector<512x128xi32>
    %shift_right_arithmetic3A_1200 = arith.constant 23 : i32
    %shift_right_arithmetic3A_1201 = vector.broadcast %shift_right_arithmetic3A_1200 : i32 to vector<512x128xi32>
    %shift_right_arithmetic3A_1202 = arith.shrsi %bitcast_convert_type3A_1199, %shift_right_arithmetic3A_1201 : vector<512x128xi32>
    %sub3A_1203 = arith.constant 127 : i32
    %sub3A_1204 = vector.broadcast %sub3A_1203 : i32 to vector<512x128xi32>
    %sub3A_1205 = arith.subi %shift_right_arithmetic3A_1202, %sub3A_1204 : vector<512x128xi32>
    %add3A_1206 = arith.constant 16 : i32
    %add3A_1207 = vector.broadcast %add3A_1206 : i32 to vector<512x128xi32>
    %add3A_1208 = arith.addi %sub3A_1205, %add3A_1207 : vector<512x128xi32>
    %select_n3A_1209 = arith.select %ne3A_1194, %sub3A_1205, %add3A_1208 : vector<512x128xi1>, vector<512x128xi32>
    %ne3A_1210 = arith.constant 0 : i32
    %ne3A_1211 = vector.broadcast %ne3A_1210 : i32 to vector<512x128xi32>
    %ne3A_1212 = arith.cmpi ne, %select_n3A_1195, %ne3A_1211 : vector<512x128xi32>
    %mul3A_1213 = arith.constant 128 : i32
    %mul3A_1214 = vector.broadcast %mul3A_1213 : i32 to vector<512x128xi32>
    %mul3A_1215 = arith.muli %select_n3A_1209, %mul3A_1214 : vector<512x128xi32>
    %add3A_1216 = arith.addi %mul3A_1215, %iota3A : vector<512x128xi32>
    %jit3A_1217 = arith.constant 1048576 : i32
    %broadcast_in_dim3A_1218 = vector.broadcast %jit3A_1217 : i32 to vector<512x128xi32>
    %select_n3A_1219 = arith.select %ne3A_1212, %add3A_1216, %broadcast_in_dim3A_1218 : vector<512x128xi1>, vector<512x128xi32>
    %xor3A_1220 = arith.xori %select_n3A_1189, %and3A_1197 : vector<512x128xi32>
    %select_n3A_1221 = arith.select %ne3A_1194, %xor3A_1220, %select_n3A_1189 : vector<512x128xi1>, vector<512x128xi32>
    %xor3A_1222 = arith.xori %select_n3A_1191, %and3A_1197 : vector<512x128xi32>
    %select_n3A_1223 = arith.select %ne3A_1194, %select_n3A_1191, %xor3A_1222 : vector<512x128xi1>, vector<512x128xi32>
    %ne3A_1224 = arith.constant 0 : i32
    %ne3A_1225 = vector.broadcast %ne3A_1224 : i32 to vector<512x128xi32>
    %ne3A_1226 = arith.cmpi ne, %select_n3A_1221, %ne3A_1225 : vector<512x128xi32>
    %select_n3A_1227 = arith.select %ne3A_1226, %select_n3A_1221, %select_n3A_1223 : vector<512x128xi1>, vector<512x128xi32>
    %sub3A_1228 = arith.subi %broadcast_in_dim3A_910, %select_n3A_1227 : vector<512x128xi32>
    %and3A_1229 = arith.andi %select_n3A_1227, %sub3A_1228 : vector<512x128xi32>
    %convert_element_type3A_1230 = arith.sitofp %and3A_1229 : vector<512x128xi32> to vector<512x128xf32>
    %bitcast_convert_type3A_1231 = tpu.bitcast %convert_element_type3A_1230 : vector<512x128xf32> -> vector<512x128xi32>
    %shift_right_arithmetic3A_1232 = arith.constant 23 : i32
    %shift_right_arithmetic3A_1233 = vector.broadcast %shift_right_arithmetic3A_1232 : i32 to vector<512x128xi32>
    %shift_right_arithmetic3A_1234 = arith.shrsi %bitcast_convert_type3A_1231, %shift_right_arithmetic3A_1233 : vector<512x128xi32>
    %sub3A_1235 = arith.constant 127 : i32
    %sub3A_1236 = vector.broadcast %sub3A_1235 : i32 to vector<512x128xi32>
    %sub3A_1237 = arith.subi %shift_right_arithmetic3A_1234, %sub3A_1236 : vector<512x128xi32>
    %add3A_1238 = arith.constant 16 : i32
    %add3A_1239 = vector.broadcast %add3A_1238 : i32 to vector<512x128xi32>
    %add3A_1240 = arith.addi %sub3A_1237, %add3A_1239 : vector<512x128xi32>
    %select_n3A_1241 = arith.select %ne3A_1226, %sub3A_1237, %add3A_1240 : vector<512x128xi1>, vector<512x128xi32>
    %ne3A_1242 = arith.constant 0 : i32
    %ne3A_1243 = vector.broadcast %ne3A_1242 : i32 to vector<512x128xi32>
    %ne3A_1244 = arith.cmpi ne, %select_n3A_1227, %ne3A_1243 : vector<512x128xi32>
    %mul3A_1245 = arith.constant 128 : i32
    %mul3A_1246 = vector.broadcast %mul3A_1245 : i32 to vector<512x128xi32>
    %mul3A_1247 = arith.muli %select_n3A_1241, %mul3A_1246 : vector<512x128xi32>
    %add3A_1248 = arith.addi %mul3A_1247, %iota3A : vector<512x128xi32>
    %jit3A_1249 = arith.constant 1048576 : i32
    %broadcast_in_dim3A_1250 = vector.broadcast %jit3A_1249 : i32 to vector<512x128xi32>
    %select_n3A_1251 = arith.select %ne3A_1244, %add3A_1248, %broadcast_in_dim3A_1250 : vector<512x128xi1>, vector<512x128xi32>
    %xor3A_1252 = arith.xori %select_n3A_1221, %and3A_1229 : vector<512x128xi32>
    %select_n3A_1253 = arith.select %ne3A_1226, %xor3A_1252, %select_n3A_1221 : vector<512x128xi1>, vector<512x128xi32>
    %xor3A_1254 = arith.xori %select_n3A_1223, %and3A_1229 : vector<512x128xi32>
    %select_n3A_1255 = arith.select %ne3A_1226, %select_n3A_1223, %xor3A_1254 : vector<512x128xi1>, vector<512x128xi32>
    %ne3A_1256 = arith.constant 0 : i32
    %ne3A_1257 = vector.broadcast %ne3A_1256 : i32 to vector<512x128xi32>
    %ne3A_1258 = arith.cmpi ne, %select_n3A_1253, %ne3A_1257 : vector<512x128xi32>
    %select_n3A_1259 = arith.select %ne3A_1258, %select_n3A_1253, %select_n3A_1255 : vector<512x128xi1>, vector<512x128xi32>
    %sub3A_1260 = arith.subi %broadcast_in_dim3A_910, %select_n3A_1259 : vector<512x128xi32>
    %and3A_1261 = arith.andi %select_n3A_1259, %sub3A_1260 : vector<512x128xi32>
    %convert_element_type3A_1262 = arith.sitofp %and3A_1261 : vector<512x128xi32> to vector<512x128xf32>
    %bitcast_convert_type3A_1263 = tpu.bitcast %convert_element_type3A_1262 : vector<512x128xf32> -> vector<512x128xi32>
    %shift_right_arithmetic3A_1264 = arith.constant 23 : i32
    %shift_right_arithmetic3A_1265 = vector.broadcast %shift_right_arithmetic3A_1264 : i32 to vector<512x128xi32>
    %shift_right_arithmetic3A_1266 = arith.shrsi %bitcast_convert_type3A_1263, %shift_right_arithmetic3A_1265 : vector<512x128xi32>
    %sub3A_1267 = arith.constant 127 : i32
    %sub3A_1268 = vector.broadcast %sub3A_1267 : i32 to vector<512x128xi32>
    %sub3A_1269 = arith.subi %shift_right_arithmetic3A_1266, %sub3A_1268 : vector<512x128xi32>
    %add3A_1270 = arith.constant 16 : i32
    %add3A_1271 = vector.broadcast %add3A_1270 : i32 to vector<512x128xi32>
    %add3A_1272 = arith.addi %sub3A_1269, %add3A_1271 : vector<512x128xi32>
    %select_n3A_1273 = arith.select %ne3A_1258, %sub3A_1269, %add3A_1272 : vector<512x128xi1>, vector<512x128xi32>
    %ne3A_1274 = arith.constant 0 : i32
    %ne3A_1275 = vector.broadcast %ne3A_1274 : i32 to vector<512x128xi32>
    %ne3A_1276 = arith.cmpi ne, %select_n3A_1259, %ne3A_1275 : vector<512x128xi32>
    %mul3A_1277 = arith.constant 128 : i32
    %mul3A_1278 = vector.broadcast %mul3A_1277 : i32 to vector<512x128xi32>
    %mul3A_1279 = arith.muli %select_n3A_1273, %mul3A_1278 : vector<512x128xi32>
    %add3A_1280 = arith.addi %mul3A_1279, %iota3A : vector<512x128xi32>
    %jit3A_1281 = arith.constant 1048576 : i32
    %broadcast_in_dim3A_1282 = vector.broadcast %jit3A_1281 : i32 to vector<512x128xi32>
    %select_n3A_1283 = arith.select %ne3A_1276, %add3A_1280, %broadcast_in_dim3A_1282 : vector<512x128xi1>, vector<512x128xi32>
    %xor3A_1284 = arith.xori %select_n3A_1253, %and3A_1261 : vector<512x128xi32>
    %select_n3A_1285 = arith.select %ne3A_1258, %xor3A_1284, %select_n3A_1253 : vector<512x128xi1>, vector<512x128xi32>
    %xor3A_1286 = arith.xori %select_n3A_1255, %and3A_1261 : vector<512x128xi32>
    %select_n3A_1287 = arith.select %ne3A_1258, %select_n3A_1255, %xor3A_1286 : vector<512x128xi1>, vector<512x128xi32>
    %ne3A_1288 = arith.constant 0 : i32
    %ne3A_1289 = vector.broadcast %ne3A_1288 : i32 to vector<512x128xi32>
    %ne3A_1290 = arith.cmpi ne, %select_n3A_1285, %ne3A_1289 : vector<512x128xi32>
    %select_n3A_1291 = arith.select %ne3A_1290, %select_n3A_1285, %select_n3A_1287 : vector<512x128xi1>, vector<512x128xi32>
    %sub3A_1292 = arith.subi %broadcast_in_dim3A_910, %select_n3A_1291 : vector<512x128xi32>
    %and3A_1293 = arith.andi %select_n3A_1291, %sub3A_1292 : vector<512x128xi32>
    %convert_element_type3A_1294 = arith.sitofp %and3A_1293 : vector<512x128xi32> to vector<512x128xf32>
    %bitcast_convert_type3A_1295 = tpu.bitcast %convert_element_type3A_1294 : vector<512x128xf32> -> vector<512x128xi32>
    %shift_right_arithmetic3A_1296 = arith.constant 23 : i32
    %shift_right_arithmetic3A_1297 = vector.broadcast %shift_right_arithmetic3A_1296 : i32 to vector<512x128xi32>
    %shift_right_arithmetic3A_1298 = arith.shrsi %bitcast_convert_type3A_1295, %shift_right_arithmetic3A_1297 : vector<512x128xi32>
    %sub3A_1299 = arith.constant 127 : i32
    %sub3A_1300 = vector.broadcast %sub3A_1299 : i32 to vector<512x128xi32>
    %sub3A_1301 = arith.subi %shift_right_arithmetic3A_1298, %sub3A_1300 : vector<512x128xi32>
    %add3A_1302 = arith.constant 16 : i32
    %add3A_1303 = vector.broadcast %add3A_1302 : i32 to vector<512x128xi32>
    %add3A_1304 = arith.addi %sub3A_1301, %add3A_1303 : vector<512x128xi32>
    %select_n3A_1305 = arith.select %ne3A_1290, %sub3A_1301, %add3A_1304 : vector<512x128xi1>, vector<512x128xi32>
    %ne3A_1306 = arith.constant 0 : i32
    %ne3A_1307 = vector.broadcast %ne3A_1306 : i32 to vector<512x128xi32>
    %ne3A_1308 = arith.cmpi ne, %select_n3A_1291, %ne3A_1307 : vector<512x128xi32>
    %mul3A_1309 = arith.constant 128 : i32
    %mul3A_1310 = vector.broadcast %mul3A_1309 : i32 to vector<512x128xi32>
    %mul3A_1311 = arith.muli %select_n3A_1305, %mul3A_1310 : vector<512x128xi32>
    %add3A_1312 = arith.addi %mul3A_1311, %iota3A : vector<512x128xi32>
    %jit3A_1313 = arith.constant 1048576 : i32
    %broadcast_in_dim3A_1314 = vector.broadcast %jit3A_1313 : i32 to vector<512x128xi32>
    %select_n3A_1315 = arith.select %ne3A_1308, %add3A_1312, %broadcast_in_dim3A_1314 : vector<512x128xi1>, vector<512x128xi32>
    %xor3A_1316 = arith.xori %select_n3A_1285, %and3A_1293 : vector<512x128xi32>
    %select_n3A_1317 = arith.select %ne3A_1290, %xor3A_1316, %select_n3A_1285 : vector<512x128xi1>, vector<512x128xi32>
    %xor3A_1318 = arith.xori %select_n3A_1287, %and3A_1293 : vector<512x128xi32>
    %select_n3A_1319 = arith.select %ne3A_1290, %select_n3A_1287, %xor3A_1318 : vector<512x128xi1>, vector<512x128xi32>
    %ne3A_1320 = arith.constant 0 : i32
    %ne3A_1321 = vector.broadcast %ne3A_1320 : i32 to vector<512x128xi32>
    %ne3A_1322 = arith.cmpi ne, %select_n3A_1317, %ne3A_1321 : vector<512x128xi32>
    %select_n3A_1323 = arith.select %ne3A_1322, %select_n3A_1317, %select_n3A_1319 : vector<512x128xi1>, vector<512x128xi32>
    %sub3A_1324 = arith.subi %broadcast_in_dim3A_910, %select_n3A_1323 : vector<512x128xi32>
    %and3A_1325 = arith.andi %select_n3A_1323, %sub3A_1324 : vector<512x128xi32>
    %convert_element_type3A_1326 = arith.sitofp %and3A_1325 : vector<512x128xi32> to vector<512x128xf32>
    %bitcast_convert_type3A_1327 = tpu.bitcast %convert_element_type3A_1326 : vector<512x128xf32> -> vector<512x128xi32>
    %shift_right_arithmetic3A_1328 = arith.constant 23 : i32
    %shift_right_arithmetic3A_1329 = vector.broadcast %shift_right_arithmetic3A_1328 : i32 to vector<512x128xi32>
    %shift_right_arithmetic3A_1330 = arith.shrsi %bitcast_convert_type3A_1327, %shift_right_arithmetic3A_1329 : vector<512x128xi32>
    %sub3A_1331 = arith.constant 127 : i32
    %sub3A_1332 = vector.broadcast %sub3A_1331 : i32 to vector<512x128xi32>
    %sub3A_1333 = arith.subi %shift_right_arithmetic3A_1330, %sub3A_1332 : vector<512x128xi32>
    %add3A_1334 = arith.constant 16 : i32
    %add3A_1335 = vector.broadcast %add3A_1334 : i32 to vector<512x128xi32>
    %add3A_1336 = arith.addi %sub3A_1333, %add3A_1335 : vector<512x128xi32>
    %select_n3A_1337 = arith.select %ne3A_1322, %sub3A_1333, %add3A_1336 : vector<512x128xi1>, vector<512x128xi32>
    %ne3A_1338 = arith.constant 0 : i32
    %ne3A_1339 = vector.broadcast %ne3A_1338 : i32 to vector<512x128xi32>
    %ne3A_1340 = arith.cmpi ne, %select_n3A_1323, %ne3A_1339 : vector<512x128xi32>
    %mul3A_1341 = arith.constant 128 : i32
    %mul3A_1342 = vector.broadcast %mul3A_1341 : i32 to vector<512x128xi32>
    %mul3A_1343 = arith.muli %select_n3A_1337, %mul3A_1342 : vector<512x128xi32>
    %add3A_1344 = arith.addi %mul3A_1343, %iota3A : vector<512x128xi32>
    %jit3A_1345 = arith.constant 1048576 : i32
    %broadcast_in_dim3A_1346 = vector.broadcast %jit3A_1345 : i32 to vector<512x128xi32>
    %select_n3A_1347 = arith.select %ne3A_1340, %add3A_1344, %broadcast_in_dim3A_1346 : vector<512x128xi1>, vector<512x128xi32>
    %concatenate3A_1348 = tpu.concatenate %select_n3A_1188, %select_n3A_1219, %select_n3A_1251, %select_n3A_1283, %select_n3A_1315, %select_n3A_1347 in 1 : vector<512x128xi32>, vector<512x128xi32>, vector<512x128xi32>, vector<512x128xi32>, vector<512x128xi32>, vector<512x128xi32> -> vector<512x768xi32>
    %reduce_min3A = arith.constant dense<2147483647> : vector<512xi32>
    %reduce_min3A_1349 = vector.multi_reduction <minsi>, %concatenate3A_1348, %reduce_min3A [1] : vector<512x768xi32> to vector<512xi32>
    %broadcast_in_dim3A_1350 = vector.shape_cast %reduce_min3A_1349 : vector<512xi32> to vector<512x1xi32>
    %eq3A = vector.broadcast %broadcast_in_dim3A_1350 : vector<512x1xi32> to vector<512x768xi32>
    %eq3A_1351 = arith.cmpi eq, %concatenate3A_1348, %eq3A : vector<512x768xi32>
    %jit3A_1352 = arith.constant 1048576 : i32
    %broadcast_in_dim3A_1353 = vector.broadcast %jit3A_1352 : i32 to vector<512x768xi32>
    %select_n3A_1354 = arith.select %eq3A_1351, %broadcast_in_dim3A_1353, %concatenate3A_1348 : vector<512x768xi1>, vector<512x768xi32>
    %reduce_min3A_1355 = arith.constant dense<2147483647> : vector<512xi32>
    %reduce_min3A_1356 = vector.multi_reduction <minsi>, %select_n3A_1354, %reduce_min3A_1355 [1] : vector<512x768xi32> to vector<512xi32>
    %broadcast_in_dim3A_1357 = vector.shape_cast %reduce_min3A_1356 : vector<512xi32> to vector<512x1xi32>
    %eq3A_1358 = vector.broadcast %broadcast_in_dim3A_1357 : vector<512x1xi32> to vector<512x768xi32>
    %eq3A_1359 = arith.cmpi eq, %select_n3A_1354, %eq3A_1358 : vector<512x768xi32>
    %jit3A_1360 = arith.constant 1048576 : i32
    %broadcast_in_dim3A_1361 = vector.broadcast %jit3A_1360 : i32 to vector<512x768xi32>
    %select_n3A_1362 = arith.select %eq3A_1359, %broadcast_in_dim3A_1361, %select_n3A_1354 : vector<512x768xi1>, vector<512x768xi32>
    %reduce_min3A_1363 = arith.constant dense<2147483647> : vector<512xi32>
    %reduce_min3A_1364 = vector.multi_reduction <minsi>, %select_n3A_1362, %reduce_min3A_1363 [1] : vector<512x768xi32> to vector<512xi32>
    %broadcast_in_dim3A_1365 = vector.shape_cast %reduce_min3A_1364 : vector<512xi32> to vector<512x1xi32>
    %eq3A_1366 = vector.broadcast %broadcast_in_dim3A_1365 : vector<512x1xi32> to vector<512x768xi32>
    %eq3A_1367 = arith.cmpi eq, %select_n3A_1362, %eq3A_1366 : vector<512x768xi32>
    %jit3A_1368 = arith.constant 1048576 : i32
    %broadcast_in_dim3A_1369 = vector.broadcast %jit3A_1368 : i32 to vector<512x768xi32>
    %select_n3A_1370 = arith.select %eq3A_1367, %broadcast_in_dim3A_1369, %select_n3A_1362 : vector<512x768xi1>, vector<512x768xi32>
    %reduce_min3A_1371 = arith.constant dense<2147483647> : vector<512xi32>
    %reduce_min3A_1372 = vector.multi_reduction <minsi>, %select_n3A_1370, %reduce_min3A_1371 [1] : vector<512x768xi32> to vector<512xi32>
    %broadcast_in_dim3A_1373 = vector.shape_cast %reduce_min3A_1372 : vector<512xi32> to vector<512x1xi32>
    %eq3A_1374 = vector.broadcast %broadcast_in_dim3A_1373 : vector<512x1xi32> to vector<512x768xi32>
    %eq3A_1375 = arith.cmpi eq, %select_n3A_1370, %eq3A_1374 : vector<512x768xi32>
    %jit3A_1376 = arith.constant 1048576 : i32
    %broadcast_in_dim3A_1377 = vector.broadcast %jit3A_1376 : i32 to vector<512x768xi32>
    %select_n3A_1378 = arith.select %eq3A_1375, %broadcast_in_dim3A_1377, %select_n3A_1370 : vector<512x768xi1>, vector<512x768xi32>
    %reduce_min3A_1379 = arith.constant dense<2147483647> : vector<512xi32>
    %reduce_min3A_1380 = vector.multi_reduction <minsi>, %select_n3A_1378, %reduce_min3A_1379 [1] : vector<512x768xi32> to vector<512xi32>
    %broadcast_in_dim3A_1381 = vector.shape_cast %reduce_min3A_1380 : vector<512xi32> to vector<512x1xi32>
    %eq3A_1382 = vector.broadcast %broadcast_in_dim3A_1381 : vector<512x1xi32> to vector<512x768xi32>
    %eq3A_1383 = arith.cmpi eq, %select_n3A_1378, %eq3A_1382 : vector<512x768xi32>
    %jit3A_1384 = arith.constant 1048576 : i32
    %broadcast_in_dim3A_1385 = vector.broadcast %jit3A_1384 : i32 to vector<512x768xi32>
    %select_n3A_1386 = arith.select %eq3A_1383, %broadcast_in_dim3A_1385, %select_n3A_1378 : vector<512x768xi1>, vector<512x768xi32>
    %reduce_min3A_1387 = arith.constant dense<2147483647> : vector<512xi32>
    %reduce_min3A_1388 = vector.multi_reduction <minsi>, %select_n3A_1386, %reduce_min3A_1387 [1] : vector<512x768xi32> to vector<512xi32>
    %broadcast_in_dim3A_1389 = vector.shape_cast %reduce_min3A_1388 : vector<512xi32> to vector<512x1xi32>
    %eq3A_1390 = vector.broadcast %broadcast_in_dim3A_1389 : vector<512x1xi32> to vector<512x768xi32>
    %eq3A_1391 = arith.cmpi eq, %select_n3A_1386, %eq3A_1390 : vector<512x768xi32>
    %jit3A_1392 = arith.constant 1048576 : i32
    %broadcast_in_dim3A_1393 = vector.broadcast %jit3A_1392 : i32 to vector<512x768xi32>
    %select_n3A_1394 = arith.select %eq3A_1391, %broadcast_in_dim3A_1393, %select_n3A_1386 : vector<512x768xi1>, vector<512x768xi32>
    %reduce_min3A_1395 = arith.constant dense<2147483647> : vector<512xi32>
    %reduce_min3A_1396 = vector.multi_reduction <minsi>, %select_n3A_1394, %reduce_min3A_1395 [1] : vector<512x768xi32> to vector<512xi32>
    %broadcast_in_dim3A_1397 = vector.shape_cast %reduce_min3A_1396 : vector<512xi32> to vector<512x1xi32>
    %eq3A_1398 = vector.broadcast %broadcast_in_dim3A_1397 : vector<512x1xi32> to vector<512x768xi32>
    %eq3A_1399 = arith.cmpi eq, %select_n3A_1394, %eq3A_1398 : vector<512x768xi32>
    %jit3A_1400 = arith.constant 1048576 : i32
    %broadcast_in_dim3A_1401 = vector.broadcast %jit3A_1400 : i32 to vector<512x768xi32>
    %select_n3A_1402 = arith.select %eq3A_1399, %broadcast_in_dim3A_1401, %select_n3A_1394 : vector<512x768xi1>, vector<512x768xi32>
    %reduce_min3A_1403 = arith.constant dense<2147483647> : vector<512xi32>
    %reduce_min3A_1404 = vector.multi_reduction <minsi>, %select_n3A_1402, %reduce_min3A_1403 [1] : vector<512x768xi32> to vector<512xi32>
    %broadcast_in_dim3A_1405 = vector.shape_cast %reduce_min3A_1404 : vector<512xi32> to vector<512x1xi32>
    %eq3A_1406 = vector.broadcast %broadcast_in_dim3A_1405 : vector<512x1xi32> to vector<512x768xi32>
    %eq3A_1407 = arith.cmpi eq, %select_n3A_1402, %eq3A_1406 : vector<512x768xi32>
    %jit3A_1408 = arith.constant 1048576 : i32
    %broadcast_in_dim3A_1409 = vector.broadcast %jit3A_1408 : i32 to vector<512x768xi32>
    %select_n3A_1410 = arith.select %eq3A_1407, %broadcast_in_dim3A_1409, %select_n3A_1402 : vector<512x768xi1>, vector<512x768xi32>
    %reduce_min3A_1411 = arith.constant dense<2147483647> : vector<512xi32>
    %reduce_min3A_1412 = vector.multi_reduction <minsi>, %select_n3A_1410, %reduce_min3A_1411 [1] : vector<512x768xi32> to vector<512xi32>
    %broadcast_in_dim3A_1413 = vector.shape_cast %reduce_min3A_1412 : vector<512xi32> to vector<512x1xi32>
    %eq3A_1414 = vector.broadcast %broadcast_in_dim3A_1413 : vector<512x1xi32> to vector<512x768xi32>
    %eq3A_1415 = arith.cmpi eq, %select_n3A_1410, %eq3A_1414 : vector<512x768xi32>
    %jit3A_1416 = arith.constant 1048576 : i32
    %broadcast_in_dim3A_1417 = vector.broadcast %jit3A_1416 : i32 to vector<512x768xi32>
    %select_n3A_1418 = arith.select %eq3A_1415, %broadcast_in_dim3A_1417, %select_n3A_1410 : vector<512x768xi1>, vector<512x768xi32>
    %reduce_min3A_1419 = arith.constant dense<2147483647> : vector<512xi32>
    %reduce_min3A_1420 = vector.multi_reduction <minsi>, %select_n3A_1418, %reduce_min3A_1419 [1] : vector<512x768xi32> to vector<512xi32>
    %broadcast_in_dim3A_1421 = vector.shape_cast %reduce_min3A_1420 : vector<512xi32> to vector<512x1xi32>
    %eq3A_1422 = vector.broadcast %broadcast_in_dim3A_1421 : vector<512x1xi32> to vector<512x768xi32>
    %eq3A_1423 = arith.cmpi eq, %select_n3A_1418, %eq3A_1422 : vector<512x768xi32>
    %jit3A_1424 = arith.constant 1048576 : i32
    %broadcast_in_dim3A_1425 = vector.broadcast %jit3A_1424 : i32 to vector<512x768xi32>
    %select_n3A_1426 = arith.select %eq3A_1423, %broadcast_in_dim3A_1425, %select_n3A_1418 : vector<512x768xi1>, vector<512x768xi32>
    %reduce_min3A_1427 = arith.constant dense<2147483647> : vector<512xi32>
    %reduce_min3A_1428 = vector.multi_reduction <minsi>, %select_n3A_1426, %reduce_min3A_1427 [1] : vector<512x768xi32> to vector<512xi32>
    %broadcast_in_dim3A_1429 = vector.shape_cast %reduce_min3A_1428 : vector<512xi32> to vector<512x1xi32>
    %eq3A_1430 = vector.broadcast %broadcast_in_dim3A_1429 : vector<512x1xi32> to vector<512x768xi32>
    %eq3A_1431 = arith.cmpi eq, %select_n3A_1426, %eq3A_1430 : vector<512x768xi32>
    %jit3A_1432 = arith.constant 1048576 : i32
    %broadcast_in_dim3A_1433 = vector.broadcast %jit3A_1432 : i32 to vector<512x768xi32>
    %select_n3A_1434 = arith.select %eq3A_1431, %broadcast_in_dim3A_1433, %select_n3A_1426 : vector<512x768xi1>, vector<512x768xi32>
    %reduce_min3A_1435 = arith.constant dense<2147483647> : vector<512xi32>
    %reduce_min3A_1436 = vector.multi_reduction <minsi>, %select_n3A_1434, %reduce_min3A_1435 [1] : vector<512x768xi32> to vector<512xi32>
    %broadcast_in_dim3A_1437 = vector.shape_cast %reduce_min3A_1436 : vector<512xi32> to vector<512x1xi32>
    %eq3A_1438 = vector.broadcast %broadcast_in_dim3A_1437 : vector<512x1xi32> to vector<512x768xi32>
    %eq3A_1439 = arith.cmpi eq, %select_n3A_1434, %eq3A_1438 : vector<512x768xi32>
    %jit3A_1440 = arith.constant 1048576 : i32
    %broadcast_in_dim3A_1441 = vector.broadcast %jit3A_1440 : i32 to vector<512x768xi32>
    %select_n3A_1442 = arith.select %eq3A_1439, %broadcast_in_dim3A_1441, %select_n3A_1434 : vector<512x768xi1>, vector<512x768xi32>
    %reduce_min3A_1443 = arith.constant dense<2147483647> : vector<512xi32>
    %reduce_min3A_1444 = vector.multi_reduction <minsi>, %select_n3A_1442, %reduce_min3A_1443 [1] : vector<512x768xi32> to vector<512xi32>
    %broadcast_in_dim3A_1445 = vector.shape_cast %reduce_min3A_1444 : vector<512xi32> to vector<512x1xi32>
    %eq3A_1446 = vector.broadcast %broadcast_in_dim3A_1445 : vector<512x1xi32> to vector<512x768xi32>
    %eq3A_1447 = arith.cmpi eq, %select_n3A_1442, %eq3A_1446 : vector<512x768xi32>
    %jit3A_1448 = arith.constant 1048576 : i32
    %broadcast_in_dim3A_1449 = vector.broadcast %jit3A_1448 : i32 to vector<512x768xi32>
    %select_n3A_1450 = arith.select %eq3A_1447, %broadcast_in_dim3A_1449, %select_n3A_1442 : vector<512x768xi1>, vector<512x768xi32>
    %reduce_min3A_1451 = arith.constant dense<2147483647> : vector<512xi32>
    %reduce_min3A_1452 = vector.multi_reduction <minsi>, %select_n3A_1450, %reduce_min3A_1451 [1] : vector<512x768xi32> to vector<512xi32>
    %broadcast_in_dim3A_1453 = vector.shape_cast %reduce_min3A_1452 : vector<512xi32> to vector<512x1xi32>
    %eq3A_1454 = vector.broadcast %broadcast_in_dim3A_1453 : vector<512x1xi32> to vector<512x768xi32>
    %eq3A_1455 = arith.cmpi eq, %select_n3A_1450, %eq3A_1454 : vector<512x768xi32>
    %jit3A_1456 = arith.constant 1048576 : i32
    %broadcast_in_dim3A_1457 = vector.broadcast %jit3A_1456 : i32 to vector<512x768xi32>
    %select_n3A_1458 = arith.select %eq3A_1455, %broadcast_in_dim3A_1457, %select_n3A_1450 : vector<512x768xi1>, vector<512x768xi32>
    %reduce_min3A_1459 = arith.constant dense<2147483647> : vector<512xi32>
    %reduce_min3A_1460 = vector.multi_reduction <minsi>, %select_n3A_1458, %reduce_min3A_1459 [1] : vector<512x768xi32> to vector<512xi32>
    %broadcast_in_dim3A_1461 = vector.shape_cast %reduce_min3A_1460 : vector<512xi32> to vector<512x1xi32>
    %eq3A_1462 = vector.broadcast %broadcast_in_dim3A_1461 : vector<512x1xi32> to vector<512x768xi32>
    %eq3A_1463 = arith.cmpi eq, %select_n3A_1458, %eq3A_1462 : vector<512x768xi32>
    %jit3A_1464 = arith.constant 1048576 : i32
    %broadcast_in_dim3A_1465 = vector.broadcast %jit3A_1464 : i32 to vector<512x768xi32>
    %select_n3A_1466 = arith.select %eq3A_1463, %broadcast_in_dim3A_1465, %select_n3A_1458 : vector<512x768xi1>, vector<512x768xi32>
    %reduce_min3A_1467 = arith.constant dense<2147483647> : vector<512xi32>
    %reduce_min3A_1468 = vector.multi_reduction <minsi>, %select_n3A_1466, %reduce_min3A_1467 [1] : vector<512x768xi32> to vector<512xi32>
    %broadcast_in_dim3A_1469 = vector.shape_cast %reduce_min3A_1468 : vector<512xi32> to vector<512x1xi32>
    %eq3A_1470 = vector.broadcast %broadcast_in_dim3A_1469 : vector<512x1xi32> to vector<512x768xi32>
    %eq3A_1471 = arith.cmpi eq, %select_n3A_1466, %eq3A_1470 : vector<512x768xi32>
    %jit3A_1472 = arith.constant 1048576 : i32
    %broadcast_in_dim3A_1473 = vector.broadcast %jit3A_1472 : i32 to vector<512x768xi32>
    %select_n3A_1474 = arith.select %eq3A_1471, %broadcast_in_dim3A_1473, %select_n3A_1466 : vector<512x768xi1>, vector<512x768xi32>
    %reduce_min3A_1475 = arith.constant dense<2147483647> : vector<512xi32>
    %reduce_min3A_1476 = vector.multi_reduction <minsi>, %select_n3A_1474, %reduce_min3A_1475 [1] : vector<512x768xi32> to vector<512xi32>
    %broadcast_in_dim3A_1477 = vector.shape_cast %reduce_min3A_1476 : vector<512xi32> to vector<512x1xi32>
    %eq3A_1478 = vector.broadcast %broadcast_in_dim3A_1477 : vector<512x1xi32> to vector<512x768xi32>
    %eq3A_1479 = arith.cmpi eq, %select_n3A_1474, %eq3A_1478 : vector<512x768xi32>
    %jit3A_1480 = arith.constant 1048576 : i32
    %broadcast_in_dim3A_1481 = vector.broadcast %jit3A_1480 : i32 to vector<512x768xi32>
    %select_n3A_1482 = arith.select %eq3A_1479, %broadcast_in_dim3A_1481, %select_n3A_1474 : vector<512x768xi1>, vector<512x768xi32>
    %reduce_min3A_1483 = arith.constant dense<2147483647> : vector<512xi32>
    %reduce_min3A_1484 = vector.multi_reduction <minsi>, %select_n3A_1482, %reduce_min3A_1483 [1] : vector<512x768xi32> to vector<512xi32>
    %broadcast_in_dim3A_1485 = vector.shape_cast %reduce_min3A_1484 : vector<512xi32> to vector<512x1xi32>
    %eq3A_1486 = vector.broadcast %broadcast_in_dim3A_1485 : vector<512x1xi32> to vector<512x768xi32>
    %eq3A_1487 = arith.cmpi eq, %select_n3A_1482, %eq3A_1486 : vector<512x768xi32>
    %jit3A_1488 = arith.constant 1048576 : i32
    %broadcast_in_dim3A_1489 = vector.broadcast %jit3A_1488 : i32 to vector<512x768xi32>
    %select_n3A_1490 = arith.select %eq3A_1487, %broadcast_in_dim3A_1489, %select_n3A_1482 : vector<512x768xi1>, vector<512x768xi32>
    %reduce_min3A_1491 = arith.constant dense<2147483647> : vector<512xi32>
    %reduce_min3A_1492 = vector.multi_reduction <minsi>, %select_n3A_1490, %reduce_min3A_1491 [1] : vector<512x768xi32> to vector<512xi32>
    %broadcast_in_dim3A_1493 = vector.shape_cast %reduce_min3A_1492 : vector<512xi32> to vector<512x1xi32>
    %eq3A_1494 = vector.broadcast %broadcast_in_dim3A_1493 : vector<512x1xi32> to vector<512x768xi32>
    %eq3A_1495 = arith.cmpi eq, %select_n3A_1490, %eq3A_1494 : vector<512x768xi32>
    %jit3A_1496 = arith.constant 1048576 : i32
    %broadcast_in_dim3A_1497 = vector.broadcast %jit3A_1496 : i32 to vector<512x768xi32>
    %select_n3A_1498 = arith.select %eq3A_1495, %broadcast_in_dim3A_1497, %select_n3A_1490 : vector<512x768xi1>, vector<512x768xi32>
    %reduce_min3A_1499 = arith.constant dense<2147483647> : vector<512xi32>
    %reduce_min3A_1500 = vector.multi_reduction <minsi>, %select_n3A_1498, %reduce_min3A_1499 [1] : vector<512x768xi32> to vector<512xi32>
    %broadcast_in_dim3A_1501 = vector.shape_cast %reduce_min3A_1500 : vector<512xi32> to vector<512x1xi32>
    %concatenate3A_1502 = tpu.concatenate %broadcast_in_dim3A_1350, %broadcast_in_dim3A_1357, %broadcast_in_dim3A_1365, %broadcast_in_dim3A_1373, %broadcast_in_dim3A_1381, %broadcast_in_dim3A_1389, %broadcast_in_dim3A_1397, %broadcast_in_dim3A_1405, %broadcast_in_dim3A_1413, %broadcast_in_dim3A_1421, %broadcast_in_dim3A_1429, %broadcast_in_dim3A_1437, %broadcast_in_dim3A_1445, %broadcast_in_dim3A_1453, %broadcast_in_dim3A_1461, %broadcast_in_dim3A_1469, %broadcast_in_dim3A_1477, %broadcast_in_dim3A_1485, %broadcast_in_dim3A_1493, %broadcast_in_dim3A_1501 in 1 : vector<512x1xi32>, vector<512x1xi32>, vector<512x1xi32>, vector<512x1xi32>, vector<512x1xi32>, vector<512x1xi32>, vector<512x1xi32>, vector<512x1xi32>, vector<512x1xi32>, vector<512x1xi32>, vector<512x1xi32>, vector<512x1xi32>, vector<512x1xi32>, vector<512x1xi32>, vector<512x1xi32>, vector<512x1xi32>, vector<512x1xi32>, vector<512x1xi32>, vector<512x1xi32>, vector<512x1xi32> -> vector<512x20xi32>
    %ge3A_1503 = arith.constant 4096 : i32
    %ge3A_1504 = vector.broadcast %ge3A_1503 : i32 to vector<512x20xi32>
    %ge3A_1505 = arith.cmpi sge, %concatenate3A_1502, %ge3A_1504 : vector<512x20xi32>
    %jit3A_1506 = arith.constant 0 : i32
    %broadcast_in_dim3A_1507 = vector.broadcast %jit3A_1506 : i32 to vector<512x20xi32>
    %select_n3A_1508 = arith.select %ge3A_1505, %broadcast_in_dim3A_1507, %concatenate3A_1502 : vector<512x20xi1>, vector<512x20xi32>
    %mul3A_1509 = arith.constant 4096 : i32
    %mul3A_1510 = arith.muli %arg0, %mul3A_1509 : i32
    %add3A_1511 = vector.broadcast %mul3A_1510 : i32 to vector<512x20xi32>
    %add3A_1512 = arith.addi %select_n3A_1508, %add3A_1511 : vector<512x20xi32>
    %swap3A_1513 = arith.constant 0 : index
    %swap3A_1514 = arith.constant 0 : index
    %swap3A_1515 = arith.constant 0 : index
    %swap3A_1516 = vector.load %arg9[%swap3A_1513, %swap3A_1514, %swap3A_1515] : memref<1x512x20xi32, #tpu.memory_space<vmem>>, vector<1x512x20xi32>
    %swap3A_1517 = vector.shape_cast %swap3A_1516 : vector<1x512x20xi32> to vector<512x20xi32>
    %swap3A_1518 = vector.shape_cast %add3A_1512 : vector<512x20xi32> to vector<1x512x20xi32>
    tpu.vector_store %arg9[%swap3A_1513, %swap3A_1514, %swap3A_1515], %swap3A_1518 {strides = array<i32>} : memref<1x512x20xi32, #tpu.memory_space<vmem>>, vector<1x512x20xi32>,
    return
  }
  func.func @transform_0(%arg0: i32, %arg1: i32) -> (i32, i32, i32) {
    %c0_i32 = arith.constant 0 : i32
    %c0_i32_0 = arith.constant 0 : i32
    return %arg0, %arg1, %c0_i32 : i32, i32, i32
  }
  func.func @transform_1(%arg0: i32, %arg1: i32) -> (i32, i32, i32) {
    %c0_i32 = arith.constant 0 : i32
    %c0_i32_0 = arith.constant 0 : i32
    %c0_i32_1 = arith.constant 0 : i32
    return %arg0, %c0_i32, %c0_i32_0 : i32, i32, i32
  }
  func.func @transform_2(%arg0: i32, %arg1: i32) -> (i32, i32) {
    %c0_i32 = arith.constant 0 : i32
    %c0_i32_0 = arith.constant 0 : i32
    %c0_i32_1 = arith.constant 0 : i32
    return %c0_i32, %c0_i32_0 : i32, i32
  }
  func.func @transform_3(%arg0: i32, %arg1: i32) -> (i32, i32) {
    %c0_i32 = arith.constant 0 : i32
    %c0_i32_0 = arith.constant 0 : i32
    %c0_i32_1 = arith.constant 0 : i32
    return %c0_i32, %c0_i32_0 : i32, i32
  }
  func.func @transform_4(%arg0: i32, %arg1: i32) -> (i32, i32) {
    %c0_i32 = arith.constant 0 : i32
    %c0_i32_0 = arith.constant 0 : i32
    %c0_i32_1 = arith.constant 0 : i32
    return %c0_i32, %c0_i32_0 : i32, i32
  }
  func.func @transform_5(%arg0: i32, %arg1: i32) -> (i32, i32, i32) {
    %c0_i32 = arith.constant 0 : i32
    %c0_i32_0 = arith.constant 0 : i32
    return %arg0, %arg1, %c0_i32 : i32, i32, i32
  }
  func.func @transform_6(%arg0: i32, %arg1: i32) -> (i32, i32, i32) {
    %c0_i32 = arith.constant 0 : i32
    %c0_i32_0 = arith.constant 0 : i32
    return %arg0, %arg1, %c0_i32 : i32, i32, i32
  }
  func.func @transform_7(%arg0: i32, %arg1: i32) -> (i32, i32, i32) {
    %c0_i32 = arith.constant 0 : i32
    %c0_i32_0 = arith.constant 0 : i32
    return %arg0, %arg1, %c0_i32 : i32, i32, i32
  }
}

module attributes {stable_mosaic.version = 14 : i64} {
  func.func @_stage3_body(%arg0: i32, %arg1: i32, %arg2: memref<1x256x128xf32, #tpu.memory_space<vmem>>, %arg3: memref<5120x128xf32, #tpu.memory_space<vmem>>, %arg4: memref<128x128xf32, #tpu.memory_space<vmem>>, %arg5: memref<1x128xf32, #tpu.memory_space<vmem>>, %arg6: memref<1x256x128xf32, #tpu.memory_space<vmem>>) attributes {dimension_semantics = [#tpu.dimension_semantics<arbitrary>, #tpu.dimension_semantics<arbitrary>], iteration_bounds = array<i64: 2, 16>, scalar_prefetch = 0 : i64, scratch_operands = 0 : i64, tpu.core_type = #tpu.core_type<tc>, window_params = [{transform_indices = @transform_0, window_bounds = array<i64: 1, 256, 128>}, {transform_indices = @transform_1, window_bounds = array<i64: 5120, 128>}, {pipeline_mode = #tpu.pipeline_mode<synchronous>, transform_indices = @transform_2, window_bounds = array<i64: 128, 128>}, {pipeline_mode = #tpu.pipeline_mode<synchronous>, transform_indices = @transform_3, window_bounds = array<i64: 1, 128>}, {transform_indices = @transform_4, window_bounds = array<i64: 1, 256, 128>}]} {
    %get3A = arith.constant 0 : index
    %get3A_0 = arith.constant 0 : index
    %get3A_1 = arith.constant 0 : index
    %get3A_2 = vector.load %arg2[%get3A, %get3A_0, %get3A_1] : memref<1x256x128xf32, #tpu.memory_space<vmem>>, vector<1x256x128xf32>
    %get3A_3 = vector.shape_cast %get3A_2 : vector<1x256x128xf32> to vector<256x128xf32>
    %get3A_4 = arith.constant 0 : index
    %get3A_5 = arith.constant 0 : index
    %get3A_6 = vector.load %arg3[%get3A_4, %get3A_5] : memref<5120x128xf32, #tpu.memory_space<vmem>>, vector<5120x128xf32>
    %reshape3A = vector.shape_cast %get3A_6 : vector<5120x128xf32> to vector<256x20x128xf32>
    %broadcast_in_dim3A = vector.shape_cast %get3A_3 : vector<256x128xf32> to vector<256x1x128xf32>
    %add3A = vector.broadcast %broadcast_in_dim3A : vector<256x1x128xf32> to vector<256x20x128xf32>
    %add3A_7 = arith.addf %reshape3A, %add3A : vector<256x20x128xf32>
    %max3A = arith.constant 0.000000e+00 : f32
    %max3A_8 = vector.broadcast %max3A : f32 to vector<256x20x128xf32>
    %max3A_9 = arith.maximumf %add3A_7, %max3A_8 : vector<256x20x128xf32>
    %reshape3A_10 = vector.shape_cast %max3A_9 : vector<256x20x128xf32> to vector<5120x128xf32>
    %get3A_11 = arith.constant 0 : index
    %get3A_12 = arith.constant 0 : index
    %get3A_13 = vector.load %arg4[%get3A_11, %get3A_12] : memref<128x128xf32, #tpu.memory_space<vmem>>, vector<128x128xf32>
    %dot_general3A = arith.constant dense<0.000000e+00> : vector<5120x128xf32>
    %dot_general3A_14 = tpu.matmul %reshape3A_10, %get3A_13, %dot_general3A {dimension_numbers = #tpu.dot_dimension_numbers<[1], [0], [0], [1], [0, 0, 1, 1], [], []>, transpose_lhs_hint = false} : vector<5120x128xf32>, vector<128x128xf32>, vector<5120x128xf32> -> vector<5120x128xf32>
    %reshape3A_15 = vector.shape_cast %dot_general3A_14 : vector<5120x128xf32> to vector<256x20x128xf32>
    %reduce_max3A = arith.constant dense<0xFF800000> : vector<256x128xf32>
    %reduce_max3A_16 = vector.multi_reduction <maximumf>, %reshape3A_15, %reduce_max3A [1] : vector<256x20x128xf32> to vector<256x128xf32>
    %get3A_17 = arith.constant 0 : index
    %get3A_18 = arith.constant 0 : index
    %get3A_19 = vector.load %arg5[%get3A_17, %get3A_18] : memref<1x128xf32, #tpu.memory_space<vmem>>, vector<1x128xf32>
    %add3A_20 = vector.broadcast %get3A_19 : vector<1x128xf32> to vector<256x128xf32>
    %add3A_21 = arith.addf %reduce_max3A_16, %add3A_20 : vector<256x128xf32>
    %swap3A = arith.constant 0 : index
    %swap3A_22 = arith.constant 0 : index
    %swap3A_23 = arith.constant 0 : index
    %swap3A_24 = vector.load %arg6[%swap3A, %swap3A_22, %swap3A_23] : memref<1x256x128xf32, #tpu.memory_space<vmem>>, vector<1x256x128xf32>
    %swap3A_25 = vector.shape_cast %swap3A_24 : vector<1x256x128xf32> to vector<256x128xf32>
    %swap3A_26 = vector.shape_cast %add3A_21 : vector<256x128xf32> to vector<1x256x128xf32>
    tpu.vector_store %arg6[%swap3A, %swap3A_22, %swap3A_23], %swap3A_26 {strides = array<i32>} : memref<1x256x128xf32, #tpu.memory_space<vmem>>, vector<1x256x128xf32>,
    return
  }
  func.func @transform_0(%arg0: i32, %arg1: i32) -> (i32, i32, i32) {
    %c0_i32 = arith.constant 0 : i32
    %c0_i32_0 = arith.constant 0 : i32
    return %arg0, %arg1, %c0_i32 : i32, i32, i32
  }
  func.func @transform_1(%arg0: i32, %arg1: i32) -> (i32, i32) {
    %mul3A = arith.constant 16 : i32
    %mul3A_0 = arith.muli %arg0, %mul3A : i32
    %add3A = arith.addi %mul3A_0, %arg1 : i32
    %c0_i32 = arith.constant 0 : i32
    %c0_i32_1 = arith.constant 0 : i32
    return %add3A, %c0_i32 : i32, i32
  }
  func.func @transform_2(%arg0: i32, %arg1: i32) -> (i32, i32) {
    %c0_i32 = arith.constant 0 : i32
    %c0_i32_0 = arith.constant 0 : i32
    %c0_i32_1 = arith.constant 0 : i32
    return %c0_i32, %c0_i32_0 : i32, i32
  }
  func.func @transform_3(%arg0: i32, %arg1: i32) -> (i32, i32) {
    %c0_i32 = arith.constant 0 : i32
    %c0_i32_0 = arith.constant 0 : i32
    %c0_i32_1 = arith.constant 0 : i32
    return %c0_i32, %c0_i32_0 : i32, i32
  }
  func.func @transform_4(%arg0: i32, %arg1: i32) -> (i32, i32, i32) {
    %c0_i32 = arith.constant 0 : i32
    %c0_i32_0 = arith.constant 0 : i32
    return %arg0, %arg1, %c0_i32 : i32, i32, i32
  }
}

</mosaic_0001>

<sc_bundles>
// kernel: kernel.11.cloned.1.call-start
scs
__scs_entry_jumppad:
0x0: {  	(pc) =	sbr.rel $0x88, $3  }
0x1: {  	(tag) =	ssettag $0x0;
	lr =	simm.s32 $0x1  }
0x2: {  	[smem:$0x3F9C] =	sst lr;
	_ =	strace $0xD0000000  }
0x3: {  	_ = 	snop  }
0x4: {  	_ = 	snop  }
0x5: {  	_ = 	snop  }
0x6: {  	_ = 	snop  }
0x7: {  	_ = 	snop  }
__scs_overlays_trampoline_lowered:
0x8: {  	[smem:$0x3FAB] =	sst s0  }
0x9: {  	[smem:$0x3FAC] =	sst s1  }
0xa: {  	[smem:$0x3FAD] =	sst s2  }
0xb: {  	[smem:$0x3FAE] =	sst s3  }
0xc: {  	[smem:$0x3FAF] =	sst s4  }
0xd: {  	[smem:$0x3FB0] =	sst s5  }
0xe: {  	[smem:$0x3FB1] =	sst s6  }
0xf: {  	[smem:$0x3FB2] =	sst s7  }
0x10: {  	[smem:$0x3FB3] =	sst s8  }
0x11: {  	[smem:$0x3FB4] =	sst s9;
	s0 =	simm.s32 @!p0 $0x0  }
0x12: {  	s1 =	sld [smem:$0x3F9A];
	s0 =	simm.s32 @p0 $0x1  }
0x13: {  	[smem:$0x3FB5] =	sst s0;
	s0 =	simm.s32 @!p1 $0x0  }
0x14: {  	s2 =	sld [smem:$0x3F99];
	s0 =	simm.s32 @p1 $0x1  }
0x15: {  	[smem:$0x3FB6] =	sst s0;
	s0 =	simm.s32 @!p2 $0x0  }
0x16: {  	s3 =	sld [smem:$0x3FDB];
	s0 =	simm.s32 @p2 $0x1  }
0x17: {  	s4 =	simm.s32 $0x1BF5;
	[smem:$0x3FB8] =	sst s0  }
0x18: {  	s0 =	sld [smem:$0x3F9B];
	_ =	swait.ge [sflag:s4], $0x0  }
0x19: {  	s7 =	sld [smem:$0x3F9C]  }
0x1a: {  	s8 =	sadd.s32 $0xFFFFE003, lr  }
0x1b: {  	s9 =	sadd.s32 $0xFFFFFEF7, lr;
	s5 =	simm.s32 $0xFFFFFFFF;
	p2 =	slt.u32 s8, $0xFFFFF086  }
0x1c: {  	p1 =	slt.u32 s9, $0xF7A;
	s5 =	simm.s32 @!p2 $0x0  }
0x1d: {  	s5 =	simm.s32 @p1 $0x1;
	p0 =	seq.s32 s7, s2  }
0x1e: {  	s7 =	smul.u32 @!p0 $0xF7A, s2;
	p2 =	seq.s32 @!p0 s5, $0x0  }
0x1f: {  	s9 =	smul.u32 $0xF7A, s1;
	s8 =	simm.s32 @!p0 $0x1BF5;
	p2 =	por !p2, p0  }
0x20: {  	[sflag:s8] =	ssyncset.s32 @!p0 $0xFFFFF086;
	s6 =	sadd.s32 @!p0 s3, s7;
	s7 =	simm.s32 @!p0 $0x108  }
0x21: {  	s3 =	sadd.s32 s3, s9;
	s6 =	sadd.s32 @!p0 $0x88, s6;
	s7 =	simm.s32 @p2 $0x1082  }
0x22: {  	[simem:s7], [sflag:s8] =	dma.local @!p0 [hbm:s6], $0xF7A  }
0x23: {  	s9 =	sor.u32 $0xD0000000, s2;
	s6 =	simm.s32 $0x108;
	_ =	swait.ge @!p0 [sflag:s8], $0x0  }
0x24: {  	s3 =	sadd.s32 $0x88, s3;
	s6 =	simm.s32 @!p1 $0x1082;
	[sflag:s4] =	ssyncset.s32 $0xFFFFF086  }
0x25: {  	[simem:s6], [sflag:s4] =	dma.local [hbm:s3], $0xF7A  }
0x26: {  	[smem:$0x3F9C] =	sst s1;
	(tag) =	ssettag s2;
	_ =	strace s9  }
0x27: {  	s1 =	sld [smem:$0x3FAC]  }
0x28: {  	s2 =	sld [smem:$0x3FAD]  }
0x29: {  	s4 =	sld [smem:$0x3FAF]  }
0x2a: {  	p0 =	seq.s32 s5, $0x0;
	s5 =	sld [smem:$0x3FB0]  }
0x2b: {  	s6 =	sld [smem:$0x3FB1]  }
0x2c: {  	s7 =	sld [smem:$0x3FB2]  }
0x2d: {  	s3 =	simm.s32 $0x108;
	s8 =	sld [smem:$0x3FB3]  }
0x2e: {  	s3 =	simm.s32 @!p0 $0x1082;
	s9 =	sld [smem:$0x3FB4]  }
0x2f: {  	lr =	sadd.s32 s0, s3;
	s0 =	sld [smem:$0x3FAB]  }
0x30: {  	s3 =	sld [smem:$0x3FAE]  }
0x31: {  	[smem:$0x3FB7] =	sst s10  }
0x32: {  	s10 =	sld [smem:$0x3FB5];
	_ =	sdelay $0x3  }
0x33: {  	p0 =	seq.s32 s10, $0x1;
	s10 =	sld [smem:$0x3FB7];
	_ =	sdelay $0x3  }
0x34: {  	[smem:$0x3FB7] =	sst s10  }
0x35: {  	s10 =	sld [smem:$0x3FB6];
	_ =	sdelay $0x3  }
0x36: {  	p1 =	seq.s32 s10, $0x1;
	s10 =	sld [smem:$0x3FB7];
	_ =	sdelay $0x3  }
0x37: {  	[smem:$0x3FB7] =	sst s10  }
0x38: {  	s10 =	sld [smem:$0x3FB8]  }
0x39: {  	_ = 	snop;
	(pc) =	sbr.ind lr, $3  }
0x3a: {  	_ = 	snop  }
0x3b: {  	_ = 	snop  }
0x3c: {  	p2 =	seq.s32 s10, $0x1;
	s10 =	sld [smem:$0x3FB7]  }
0x3d: {  	_ =	shalt  }
0x3e: {  	_ =	shalt  }
0x3f: {  	_ =	shalt  }
0x40: {  	_ =	shalt  }
0x41: {  	_ =	shalt  }
0x42: {  	_ =	shalt  }
0x43: {  	_ =	shalt  }
0x44: {  	_ =	shalt  }
0x45: {  	_ =	shalt  }
0x46: {  	_ =	shalt  }
0x47: {  	_ =	shalt  }
0x48: {  	_ =	shalt  }
0x49: {  	_ =	shalt  }
0x4a: {  	_ =	shalt  }
0x4b: {  	_ =	shalt  }
0x4c: {  	_ =	shalt  }
0x4d: {  	_ =	shalt  }
0x4e: {  	_ =	shalt  }
0x4f: {  	_ =	shalt  }
0x50: {  	_ =	shalt  }
0x51: {  	_ =	shalt  }
0x52: {  	_ =	shalt  }
0x53: {  	_ =	shalt  }
0x54: {  	_ =	shalt  }
0x55: {  	_ =	shalt  }
0x56: {  	_ =	shalt  }
0x57: {  	_ =	shalt  }
0x58: {  	_ =	shalt  }
0x59: {  	_ =	shalt  }
0x5a: {  	_ =	shalt  }
0x5b: {  	_ =	shalt  }
0x5c: {  	_ =	shalt  }
0x5d: {  	_ =	shalt  }
0x5e: {  	_ =	shalt  }
0x5f: {  	_ =	shalt  }
0x60: {  	_ =	shalt  }
0x61: {  	_ =	shalt  }
0x62: {  	_ =	shalt  }
0x63: {  	_ =	shalt  }
0x64: {  	_ =	shalt  }
0x65: {  	_ =	shalt  }
0x66: {  	_ =	shalt  }
0x67: {  	_ =	shalt  }
0x68: {  	_ =	shalt  }
0x69: {  	_ =	shalt  }
0x6a: {  	_ =	shalt  }
0x6b: {  	_ =	shalt  }
0x6c: {  	_ =	shalt  }
0x6d: {  	_ =	shalt  }
0x6e: {  	_ =	shalt  }
0x6f: {  	_ =	shalt  }
0x70: {  	_ =	shalt  }
0x71: {  	_ =	shalt  }
0x72: {  	_ =	shalt  }
0x73: {  	_ =	shalt  }
0x74: {  	_ =	shalt  }
0x75: {  	_ =	shalt  }
0x76: {  	_ =	shalt  }
0x77: {  	_ =	shalt  }
0x78: {  	_ =	shalt  }
0x79: {  	_ =	shalt  }
0x7a: {  	_ =	shalt  }
0x7b: {  	_ =	shalt  }
0x7c: {  	_ =	shalt  }
0x7d: {  	_ =	shalt  }
0x7e: {  	_ =	shalt  }
0x7f: {  	_ =	shalt  }
0x80: {  	_ =	shalt  }
0x81: {  	_ =	shalt  }
0x82: {  	_ =	shalt  }
0x83: {  	_ =	shalt  }
0x84: {  	_ =	shalt  }
0x85: {  	_ =	shalt  }
0x86: {  	_ =	shalt  }
0x87: {  	_ =	shalt  }
.Lfunc_end0:
.L_simem_size_0:
called_computation.1_lowered:
.L_overlay_start_0:
0x88: {  	s2 =	sld [smem:$0x3FD9]  }
0x89: {  	s3 =	sld [smem:$0x3FFE];
	_ =	sdelay $0x1  }
0x8a: {  	s1 =	srdreg.scid  }
0x8b: {  	s0 =	sand.u32 $0x1, s1  }
0x8c: {  	s16 =	sshll.u32 s0, $0xA;
	s2 =	sadd.s32 s3, s2  }
0x8d: {  	s2 =	sadd.s32 s2, s16  }
0x8e: {  	[smem:$0x3FC3] =	sst s2  }
0x8f: {  	_ = 	snop  }
0x90: {  	(tm) =	ssettm $0x1  }
0x91: {  	s17 =	sld [smem:$0x3FFB];
	_ =	sdelay $0x3  }
0x92: {  	_ =	strace s17  }
0x93: {  	s2 =	sld [smem:$0x3FFC];
	_ =	sdelay $0x3  }
0x94: {  	_ =	strace s2  }
0x95: {  	s2 =	sld [smem:$0x3FFD];
	_ =	sdelay $0x3  }
0x96: {  	_ =	strace s2  }
0x97: {  	_ =	strace $0x8FFFFFFF  }
0x98: {  	s18 =	sld [smem:$0x3FDB];
	_ =	sdelay $0x1  }
0x99: {  	s19 =	simm.s32 $_scs_section_size  }
0x9a: {  	s4 =	simm.s32 $_size__tile_overlayer_lowered;
	s5 =	simm.s32 $_tile_overlayer_lowered  }
0x9b: {  	s22 =	simm.s32 $0x1BFF;
	s21 =	sshll.u32 s5, $0x1;
	s2 =	sadd.s32 s19, s18  }
0x9c: {  	s6 =	simm.s32 $0x0;
	s20 =	sshll.u32 s4, $0x1;
	s4 =	sadd.s32 s21, s2  }
0x9d: {  	[timem:s6], [sflag:s22] =	dma.local [hbm:s4], s20  }
0x9e: {  	_ =	swait.ge [sflag:s22], s20  }
0x9f: {  	s3 =	ssub.s32 $0x0, s20;
	[sflag:s22] =	ssyncset.done $0x0  }
0xa0: {  	[sflag:s22] =	ssyncadd.s32 s3;
	_ =	sdelay $0x1  }
0xa1: {  	s23 =	simm.s32 $0x1B8B  }
0xa2: {  	_ =	swait.ge [sflag:s23], $0x1  }
0xa3: {  	[sflag:s23] =	ssyncset.done $0x0  }
0xa4: {  	s25 =	simm.s32 $0x1B8E;
	s24 =	sld [smem:$0x3FFE];
	[sflag:s23] =	ssyncadd.s32 $0xFFFFFFFF  }
0xa5: {  	s26 =	simm.s32 $execute0_lowered;
	[smem:$0x3FD2] =	sst s25  }
0xa6: {  	s4 =	sshll.u32 s26, $0x1;
	_ =	strace $0x80000046;
	[dreg:$0x1] =	wrdreg $0xFFFFFFFF  }
0xa7: {  	s28 =	simm.s32 $_size_execute0_lowered;
	s2 =	sadd.s32 s2, s4;
	[dreg:$0x0] =	wrdreg $0x0  }
0xa8: {  	s4 =	sshll.u32 s28, $0x1;
	[dreg:$0x2] =	wrdreg s2  }
0xa9: {  	[dreg:$0x3] =	wrdreg s4  }
0xaa: {  	[dreg:$0x4] =	wrdreg $0xC0  }
0xab: {  	_ =	task [dreg:s6], $0x5FFFF  }
0xac: {  	[dreg:$0x1] =	wrdreg $0xFFFFFFFF  }
0xad: {  	[dreg:$0x0] =	wrdreg $0x60  }
0xae: {  	[dreg:$0x2] =	wrdreg s24  }
0xaf: {  	[dreg:$0x3] =	wrdreg $0xA  }
0xb0: {  	_ =	task.clear_ibuf [dreg:s6], $0x4FFFF;
	_ =	strace $0x90000046  }
0xb1: {  	s29 =	simm.s32 $0xA;
	_ =	strace $0x80000048  }
0xb2: {  	_ =	swait.ge [sflag:s29], $0x1  }
0xb3: {  	[sflag:s29] =	ssyncadd.s32 $0xFFFFFFFF  }
0xb4: {  	_ =	strace $0x90000048  }
0xb5: {  	_ =	sfence  }
0xb6: {  	s30 =	sld [smem:$0x0];
	_ =	sdelay $0x2  }
0xb7: {  	s31 =	sshll.u32 s1, $0xD;
	s1 =	sshrl.u32 s1, $0x2  }
0xb8: {  	s3 =	sand.u32 $0x4000, s31;
	s1 =	sadd.s32 s1, s30  }
0xb9: {  	s0 =	sor.u32 s3, s0;
	s1 =	sshll.u32 s1, $0x11  }
0xba: {  	s0 =	sor.u32 s1, s0  }
0xbb: {  	s0 =	sadd.s32 $0x8F2B, s0  }
0xbc: {  	[sflag:s0] =	ssyncadd.remote.s32 $0x1  }
0xbd: {  	_ =	sfence.sel $0xFFFF  }
0xbe: {  	[dreg:$0x0] =	wrdreg $0xFFFFFFFF;
	(pc) =	sbr.abs _section_cstart, $3  }
0xbf: {  	[dreg:$0x1] =	wrdreg $0xFFFFFFFF  }
0xc0: {  	_ =	task.clear_ibuf [dreg:s6], $0x2FFFF;
	_ =	strace $0x9FFFFFFF  }
0xc1: {  	(tm) =	ssettm $0x7FFFFFFF  }
tec
execute0_lowered:
.L_overlay_start_1:
0x0: {  	(tag) =	ssettag $0x1  }
0x1: {  	s4 =	rddreg [dreg:$0x0]  }
0x2: {  	s0 =	rddreg [dreg:$0x1]  }
0x3: {  	s3 =	srdreg.scid;
	s1 =	stileid.u32;
	s2 =	simm.s32 $0x0  }
0x4: {  	s13 =	simm.s32 $0x5400;
	s14 =	simm.s32 $0x1;
	s15 =	simm.s32 $0x2  }
0x5: {  	s16 =	simm.s32 $0x1380;
	s17 =	simm.s32 $0x0;
	s9 =	smul.u32 $0x50, s1  }
0x6: {  	s7 =	sand.u32 $0x1, s3;
	s24 =	sshll.u32 s1, $0x1;
	s29 =	smul.u32 $0x28000, s1  }
0x7: {  	[smem:$0x7FF] =	sst s2;
	s3 =	sadd.s32 $0x2A00, s4;
	s11 =	smul.u32 $0x28, s7  }
0x8: {  	s12 =	sadd.s32 $0x27A00, s4;
	s5 =	sor.u32 s7, s24;
	s30 =	smul.u32 $0x14000, s7  }
0x9: {  	_ =	strace $0x80000047;
	s8 =	ssub.s32 $0x2, s7;
	s6 =	smul.u32 $0x280, s5  }
0xa: {  	s10 =	sshrl.u32 s8, $0x1;
	s25 =	smul.u32 $0x14000, s5;
	s31 =	sadd.s32 s29, s12  }
0xb: {  	s8 =	ssub.s32 s8, s10;
	s26 =	sadd.s32 s11, s9;
	s10 =	simm.s32 $0x3  }
0xc: {  	s11 =	simm.s32 $0x1400;
	s6 =	sadd.s32 s6, s4;
	s5 =	smax.u32 s8, $0x1  }
0xd: {  	s28 =	sadd.s32 s12, s25;
	s9 =	sshll.u32 s26, $0xB;
	s4 =	sadd.s32 $0x22A00, s6  }
0xe: {  	s6 =	sadd.s32 $0x13000, s28;
	s9 =	sadd.s32 s9, s12;
	s7 =	sadd.s32 $0x13800, s28  }
0xf: {  	s12 =	simm.s32 $0x80;
	s8 =	sadd.s32 $0x800, s9;
	s9 =	sadd.s32 s30, s31  }
.LBB2_1:
0x10: {  	[tilespmem:s2], [sflag:$0x3] =	stream.linear.gather [hbm4b:s4+s2], $0x1400, $0x38;
	[tilespmem:$0x9400] =	vst v63  }
0x11: {  	_ =	swait.ge [sflag:s10], $0x1400  }
0x12: {  	[sflag:s10] =	ssyncset.done $0x0  }
0x13: {  	[sflag:s10] =	ssyncadd.s32 $0xFFFFEC00  }
0x14: {  	[tilespmem:s11], [sflag:$0x1] =	stream.indirect.gather [hbm4b:s3+s12], $0x80, s2, s12, $0xb8;
	[tilespmem:$0x9400] =	vst v63  }
0x15: {  	_ = 	snop  }
0x16: {  	[tilespmem:s13], [sflag:$0x2] =	stream.indirect.gather [hbm4b:s3+s12], $0x80, s12, s12, $0xb8;
	[tilespmem:$0x9400] =	vst v63  }
0x17: {  	_ =	swait.ge [sflag:s14], $0x4000  }
0x18: {  	[sflag:s14] =	ssyncset.done $0x0  }
0x19: {  	s18 =	sadd.s32 $0x0, s9;
	[sflag:s14] =	ssyncadd.s32 $0xFFFFC000  }
0x1a: {  	[hbm4b:s18+s2] =	stream.linear.scatter [tilespmem:s11], [sflag:$0x3], $0x4000, $0x38;
	[tilespmem:$0x9400] =	vst v63  }
0x1b: {  	_ =	swait.ge [sflag:s10], $0x4000  }
0x1c: {  	[sflag:s10] =	ssyncset.done $0x0  }
0x1d: {  	s30 =	simm.s32 $0x100;
	[sflag:s10] =	ssyncadd.s32 $0xFFFFC000  }
0x1e: {  	[tilespmem:s11], [sflag:$0x1] =	stream.indirect.gather [hbm4b:s3+s12], $0x80, s30, s12, $0xb8;
	[tilespmem:$0x9400] =	vst v63  }
0x1f: {  	_ =	swait.ge [sflag:s15], $0x4000  }
0x20: {  	[sflag:s15] =	ssyncset.done $0x0  }
0x21: {  	s31 =	sadd.s32 $0x0, s8;
	[sflag:s15] =	ssyncadd.s32 $0xFFFFC000  }
0x22: {  	[hbm4b:s31+s2] =	stream.linear.scatter [tilespmem:s13], [sflag:$0x3], $0x4000, $0x38;
	[tilespmem:$0x9400] =	vst v63  }
0x23: {  	_ =	swait.ge [sflag:s10], $0x4000  }
0x24: {  	s19 =	simm.s32 $0x80;
	s18 =	simm.s32 $0x1000;
	[sflag:s10] =	ssyncset.done $0x0  }
.LBB2_2:
0x25: {  	p0 =	sne.s32 s18, $0x12000;
	[sflag:s10] =	ssyncadd.s32 $0xFFFFC000;
	s19 =	sadd.s32 $0x100, s19  }
0x26: {  	[tilespmem:s13], [sflag:$0x2] =	stream.indirect.gather [hbm4b:s3+s12], $0x80, s19, s12, $0xb8;
	[tilespmem:$0x9400] =	vst v63  }
0x27: {  	s20 =	smov.u32 s18;
	s18 =	sadd.s32 $0x1000, s18;
	_ =	swait.ge [sflag:s14], $0x4000  }
0x28: {  	[sflag:s14] =	ssyncset.done $0x0  }
0x29: {  	s21 =	sadd.s32 s20, s9;
	[sflag:s14] =	ssyncadd.s32 $0xFFFFC000  }
0x2a: {  	[hbm4b:s21+s2] =	stream.linear.scatter [tilespmem:s11], [sflag:$0x3], $0x4000, $0x38;
	[tilespmem:$0x9400] =	vst v63  }
0x2b: {  	_ =	swait.ge [sflag:s10], $0x4000  }
0x2c: {  	[sflag:s10] =	ssyncset.done $0x0  }
0x2d: {  	s21 =	sadd.s32 $0x80, s19;
	[sflag:s10] =	ssyncadd.s32 $0xFFFFC000  }
0x2e: {  	[tilespmem:s11], [sflag:$0x1] =	stream.indirect.gather [hbm4b:s3+s12], $0x80, s21, s12, $0xb8;
	[tilespmem:$0x9400] =	vst v63  }
0x2f: {  	_ =	swait.ge [sflag:s15], $0x4000  }
.Ltmp0:
0x30: {  	[sflag:s15] =	ssyncset.done $0x0;
	(pc) =	sbr.rel @p0 .LBB2_2-.Ltmp0, $4  }
0x31: {  	s20 =	sadd.s32 s20, s8;
	[sflag:s15] =	ssyncadd.s32 $0xFFFFC000  }
0x32: {  	[hbm4b:s20+s2] =	stream.linear.scatter [tilespmem:s13], [sflag:$0x3], $0x4000, $0x38;
	[tilespmem:$0x9400] =	vst v63  }
0x33: {  	_ =	swait.ge [sflag:s10], $0x4000  }
0x34: {  	[sflag:s10] =	ssyncset.done $0x0  }
0x35: {  	[sflag:s10] =	ssyncadd.s32 $0xFFFFC000  }
0x36: {  	[tilespmem:s13], [sflag:$0x2] =	stream.indirect.gather [hbm4b:s3+s12], $0x80, s16, s12, $0xb8;
	[tilespmem:$0x9400] =	vst v63  }
0x37: {  	_ =	swait.ge [sflag:s14], $0x4000  }
0x38: {  	[sflag:s14] =	ssyncset.done $0x0  }
0x39: {  	[sflag:s14] =	ssyncadd.s32 $0xFFFFC000  }
0x3a: {  	[hbm4b:s6+s2] =	stream.linear.scatter [tilespmem:s11], [sflag:$0x3], $0x4000, $0x38;
	[tilespmem:$0x9400] =	vst v63  }
0x3b: {  	_ =	swait.ge [sflag:s10], $0x4000  }
0x3c: {  	[sflag:s10] =	ssyncset.done $0x0  }
0x3d: {  	[sflag:s10] =	ssyncadd.s32 $0xFFFFC000  }
0x3e: {  	s17 =	sadd.s32 $0x1, s17;
	_ =	swait.ge [sflag:s15], $0x4000  }
0x3f: {  	p0 =	sne.s32 s17, s5;
	[sflag:s15] =	ssyncset.done $0x0  }
.Ltmp1:
0x40: {  	[sflag:s15] =	ssyncadd.s32 $0xFFFFC000;
	(pc) =	sbr.rel @p0 .LBB2_1-.Ltmp1, $4  }
0x41: {  	[hbm4b:s7+s2] =	stream.linear.scatter [tilespmem:s13], [sflag:$0x3], $0x4000, $0x38;
	[tilespmem:$0x9400] =	vst v63  }
0x42: {  	_ =	swait.ge [sflag:s10], $0x4000  }
0x43: {  	[sflag:s10] =	ssyncset.done $0x0  }
0x44: {  	[sflag:s10] =	ssyncadd.s32 $0xFFFFC000  }
0x45: {  	_ =	sfence.sel $0x180000  }
0x46: {  	[bflag:$0x0] =	sbarrier.arrive $0xFFFF  }
0x47: {  	p0 =	sne.s32 s1, $0x0;
	_ =	strace $0x90000047  }
0x48: {  	s0 =	sadd.s32 @!p0 $0x100000, s0;
	[bflag:$0x2] =	sbarrier.arrive $0xFFFF  }
0x49: {  	[sflag:s0] =	ssyncadd.tile.s32 @!p0 $0x1;
	_ =	shalt  }
.Lfunc_end2:
_tile_overlayer_lowered:
.L_overlay_start_2:
0x4a: {  	(tag) =	ssettag $0x2  }
0x4b: {  	s0 =	rddreg [dreg:$0x0];
	s2 =	stileid.u32  }
0x4c: {  	s1 =	rddreg [dreg:$0x1];
	p0 =	sne.s32 s2, $0x0  }
0x4d: {  	s3 =	rddreg [dreg:$0x2];
	[bflag:$0x3] =	sbarrier.arrive $0xFFFF;
	s2 =	simm.s32 @!p0 $0x1C03  }
0x4e: {  	[timem:s3], [sflag:s2] =	dma.local @!p0 [hbm:s0], s1  }
0x4f: {  	s0 =	simm.s32 @!p0 $0x3  }
0x50: {  	_ =	swait.ge @!p0 [sflag:s0], s1  }
0x51: {  	s1 =	ssub.s32 @!p0 $0x0, s1;
	[sflag:s0] =	ssyncset.done @!p0 $0x0  }
0x52: {  	[sflag:s0] =	ssyncadd.s32 @!p0 s1  }
0x53: {  	[bflag:$0x3] =	sbarrier.arrive $0xFFFF  }
0x54: {  	_ =	shalt  }

// kernel: kernel.8.cloned.1.call-start
scs
__scs_entry_jumppad:
0x0: {  	(pc) =	sbr.rel $0x88, $3  }
0x1: {  	(tag) =	ssettag $0x0;
	lr =	simm.s32 $0x1  }
0x2: {  	[smem:$0x3F9C] =	sst lr;
	_ =	strace $0xD0000000  }
0x3: {  	_ = 	snop  }
0x4: {  	_ = 	snop  }
0x5: {  	_ = 	snop  }
0x6: {  	_ = 	snop  }
0x7: {  	_ = 	snop  }
__scs_overlays_trampoline_lowered:
0x8: {  	[smem:$0x3FAB] =	sst s0  }
0x9: {  	[smem:$0x3FAC] =	sst s1  }
0xa: {  	[smem:$0x3FAD] =	sst s2  }
0xb: {  	[smem:$0x3FAE] =	sst s3  }
0xc: {  	[smem:$0x3FAF] =	sst s4  }
0xd: {  	[smem:$0x3FB0] =	sst s5  }
0xe: {  	[smem:$0x3FB1] =	sst s6  }
0xf: {  	[smem:$0x3FB2] =	sst s7  }
0x10: {  	[smem:$0x3FB3] =	sst s8  }
0x11: {  	[smem:$0x3FB4] =	sst s9;
	s0 =	simm.s32 @!p0 $0x0  }
0x12: {  	s1 =	sld [smem:$0x3F9A];
	s0 =	simm.s32 @p0 $0x1  }
0x13: {  	[smem:$0x3FB5] =	sst s0;
	s0 =	simm.s32 @!p1 $0x0  }
0x14: {  	s2 =	sld [smem:$0x3F99];
	s0 =	simm.s32 @p1 $0x1  }
0x15: {  	[smem:$0x3FB6] =	sst s0;
	s0 =	simm.s32 @!p2 $0x0  }
0x16: {  	s3 =	sld [smem:$0x3FDB];
	s0 =	simm.s32 @p2 $0x1  }
0x17: {  	s4 =	simm.s32 $0x1BF5;
	[smem:$0x3FB8] =	sst s0  }
0x18: {  	s0 =	sld [smem:$0x3F9B];
	_ =	swait.ge [sflag:s4], $0x0  }
0x19: {  	s7 =	sld [smem:$0x3F9C]  }
0x1a: {  	s8 =	sadd.s32 $0xFFFFE003, lr  }
0x1b: {  	s9 =	sadd.s32 $0xFFFFFEF7, lr;
	s5 =	simm.s32 $0xFFFFFFFF;
	p2 =	slt.u32 s8, $0xFFFFF086  }
0x1c: {  	p1 =	slt.u32 s9, $0xF7A;
	s5 =	simm.s32 @!p2 $0x0  }
0x1d: {  	s5 =	simm.s32 @p1 $0x1;
	p0 =	seq.s32 s7, s2  }
0x1e: {  	s7 =	smul.u32 @!p0 $0xF7A, s2;
	p2 =	seq.s32 @!p0 s5, $0x0  }
0x1f: {  	s9 =	smul.u32 $0xF7A, s1;
	s8 =	simm.s32 @!p0 $0x1BF5;
	p2 =	por !p2, p0  }
0x20: {  	[sflag:s8] =	ssyncset.s32 @!p0 $0xFFFFF086;
	s6 =	sadd.s32 @!p0 s3, s7;
	s7 =	simm.s32 @!p0 $0x108  }
0x21: {  	s3 =	sadd.s32 s3, s9;
	s6 =	sadd.s32 @!p0 $0x88, s6;
	s7 =	simm.s32 @p2 $0x1082  }
0x22: {  	[simem:s7], [sflag:s8] =	dma.local @!p0 [hbm:s6], $0xF7A  }
0x23: {  	s9 =	sor.u32 $0xD0000000, s2;
	s6 =	simm.s32 $0x108;
	_ =	swait.ge @!p0 [sflag:s8], $0x0  }
0x24: {  	s3 =	sadd.s32 $0x88, s3;
	s6 =	simm.s32 @!p1 $0x1082;
	[sflag:s4] =	ssyncset.s32 $0xFFFFF086  }
0x25: {  	[simem:s6], [sflag:s4] =	dma.local [hbm:s3], $0xF7A  }
0x26: {  	[smem:$0x3F9C] =	sst s1;
	(tag) =	ssettag s2;
	_ =	strace s9  }
0x27: {  	s1 =	sld [smem:$0x3FAC]  }
0x28: {  	s2 =	sld [smem:$0x3FAD]  }
0x29: {  	s4 =	sld [smem:$0x3FAF]  }
0x2a: {  	p0 =	seq.s32 s5, $0x0;
	s5 =	sld [smem:$0x3FB0]  }
0x2b: {  	s6 =	sld [smem:$0x3FB1]  }
0x2c: {  	s7 =	sld [smem:$0x3FB2]  }
0x2d: {  	s3 =	simm.s32 $0x108;
	s8 =	sld [smem:$0x3FB3]  }
0x2e: {  	s3 =	simm.s32 @!p0 $0x1082;
	s9 =	sld [smem:$0x3FB4]  }
0x2f: {  	lr =	sadd.s32 s0, s3;
	s0 =	sld [smem:$0x3FAB]  }
0x30: {  	s3 =	sld [smem:$0x3FAE]  }
0x31: {  	[smem:$0x3FB7] =	sst s10  }
0x32: {  	s10 =	sld [smem:$0x3FB5];
	_ =	sdelay $0x3  }
0x33: {  	p0 =	seq.s32 s10, $0x1;
	s10 =	sld [smem:$0x3FB7];
	_ =	sdelay $0x3  }
0x34: {  	[smem:$0x3FB7] =	sst s10  }
0x35: {  	s10 =	sld [smem:$0x3FB6];
	_ =	sdelay $0x3  }
0x36: {  	p1 =	seq.s32 s10, $0x1;
	s10 =	sld [smem:$0x3FB7];
	_ =	sdelay $0x3  }
0x37: {  	[smem:$0x3FB7] =	sst s10  }
0x38: {  	s10 =	sld [smem:$0x3FB8]  }
0x39: {  	_ = 	snop;
	(pc) =	sbr.ind lr, $3  }
0x3a: {  	_ = 	snop  }
0x3b: {  	_ = 	snop  }
0x3c: {  	p2 =	seq.s32 s10, $0x1;
	s10 =	sld [smem:$0x3FB7]  }
0x3d: {  	_ =	shalt  }
0x3e: {  	_ =	shalt  }
0x3f: {  	_ =	shalt  }
0x40: {  	_ =	shalt  }
0x41: {  	_ =	shalt  }
0x42: {  	_ =	shalt  }
0x43: {  	_ =	shalt  }
0x44: {  	_ =	shalt  }
0x45: {  	_ =	shalt  }
0x46: {  	_ =	shalt  }
0x47: {  	_ =	shalt  }
0x48: {  	_ =	shalt  }
0x49: {  	_ =	shalt  }
0x4a: {  	_ =	shalt  }
0x4b: {  	_ =	shalt  }
0x4c: {  	_ =	shalt  }
0x4d: {  	_ =	shalt  }
0x4e: {  	_ =	shalt  }
0x4f: {  	_ =	shalt  }
0x50: {  	_ =	shalt  }
0x51: {  	_ =	shalt  }
0x52: {  	_ =	shalt  }
0x53: {  	_ =	shalt  }
0x54: {  	_ =	shalt  }
0x55: {  	_ =	shalt  }
0x56: {  	_ =	shalt  }
0x57: {  	_ =	shalt  }
0x58: {  	_ =	shalt  }
0x59: {  	_ =	shalt  }
0x5a: {  	_ =	shalt  }
0x5b: {  	_ =	shalt  }
0x5c: {  	_ =	shalt  }
0x5d: {  	_ =	shalt  }
0x5e: {  	_ =	shalt  }
0x5f: {  	_ =	shalt  }
0x60: {  	_ =	shalt  }
0x61: {  	_ =	shalt  }
0x62: {  	_ =	shalt  }
0x63: {  	_ =	shalt  }
0x64: {  	_ =	shalt  }
0x65: {  	_ =	shalt  }
0x66: {  	_ =	shalt  }
0x67: {  	_ =	shalt  }
0x68: {  	_ =	shalt  }
0x69: {  	_ =	shalt  }
0x6a: {  	_ =	shalt  }
0x6b: {  	_ =	shalt  }
0x6c: {  	_ =	shalt  }
0x6d: {  	_ =	shalt  }
0x6e: {  	_ =	shalt  }
0x6f: {  	_ =	shalt  }
0x70: {  	_ =	shalt  }
0x71: {  	_ =	shalt  }
0x72: {  	_ =	shalt  }
0x73: {  	_ =	shalt  }
0x74: {  	_ =	shalt  }
0x75: {  	_ =	shalt  }
0x76: {  	_ =	shalt  }
0x77: {  	_ =	shalt  }
0x78: {  	_ =	shalt  }
0x79: {  	_ =	shalt  }
0x7a: {  	_ =	shalt  }
0x7b: {  	_ =	shalt  }
0x7c: {  	_ =	shalt  }
0x7d: {  	_ =	shalt  }
0x7e: {  	_ =	shalt  }
0x7f: {  	_ =	shalt  }
0x80: {  	_ =	shalt  }
0x81: {  	_ =	shalt  }
0x82: {  	_ =	shalt  }
0x83: {  	_ =	shalt  }
0x84: {  	_ =	shalt  }
0x85: {  	_ =	shalt  }
0x86: {  	_ =	shalt  }
0x87: {  	_ =	shalt  }
.Lfunc_end0:
.L_simem_size_0:
called_computation_lowered:
.L_overlay_start_0:
0x88: {  	s2 =	sld [smem:$0x3FD9]  }
0x89: {  	s3 =	sld [smem:$0x3FFE];
	_ =	sdelay $0x1  }
0x8a: {  	s1 =	srdreg.scid  }
0x8b: {  	s0 =	sand.u32 $0x1, s1  }
0x8c: {  	s17 =	sshll.u32 s0, $0xA;
	s2 =	sadd.s32 s3, s2  }
0x8d: {  	s2 =	sadd.s32 s2, s17  }
0x8e: {  	[smem:$0x3FC3] =	sst s2  }
0x8f: {  	_ = 	snop  }
0x90: {  	(tm) =	ssettm $0x1  }
0x91: {  	s18 =	sld [smem:$0x3FFB];
	_ =	sdelay $0x3  }
0x92: {  	_ =	strace s18  }
0x93: {  	s2 =	sld [smem:$0x3FFC];
	_ =	sdelay $0x3  }
0x94: {  	_ =	strace s2  }
0x95: {  	s2 =	sld [smem:$0x3FFD];
	_ =	sdelay $0x3  }
0x96: {  	_ =	strace s2  }
0x97: {  	_ =	strace $0x8FFFFFFF  }
0x98: {  	s19 =	sld [smem:$0x3FDB];
	_ =	sdelay $0x1  }
0x99: {  	s20 =	simm.s32 $_scs_section_size  }
0x9a: {  	s4 =	simm.s32 $_size__tile_overlayer_lowered;
	s5 =	simm.s32 $_tile_overlayer_lowered  }
0x9b: {  	s6 =	simm.s32 $0x1BFF;
	s21 =	sshll.u32 s5, $0x1;
	s3 =	sadd.s32 s20, s19  }
0x9c: {  	s22 =	simm.s32 $0x0;
	s4 =	sshll.u32 s4, $0x1;
	s5 =	sadd.s32 s21, s3  }
0x9d: {  	[timem:s22], [sflag:s6] =	dma.local [hbm:s5], s4  }
0x9e: {  	_ =	swait.ge [sflag:s6], s4  }
0x9f: {  	s4 =	ssub.s32 $0x0, s4;
	[sflag:s6] =	ssyncset.done $0x0  }
0xa0: {  	[sflag:s6] =	ssyncadd.s32 s4;
	_ =	sdelay $0x1  }
0xa1: {  	s23 =	simm.s32 $0x1B8B  }
0xa2: {  	_ =	swait.ge [sflag:s23], $0x1  }
0xa3: {  	[sflag:s23] =	ssyncset.done $0x0  }
0xa4: {  	[sflag:s23] =	ssyncadd.s32 $0xFFFFFFFF  }
0xa5: {  	s4 =	sld [smem:$0x0]  }
0xa6: {  	s5 =	sand.u32 $0xFFFFFFFE, s1  }
0xa7: {  	p0 =	sne.s32 s1, s5  }
0xa8: {  	s5 =	sshll.u32 @p0 s5, $0xE  }
0xa9: {  	s5 =	sadd.s32 @p0 $0x11B8D, s5;
	s6 =	sshll.u32 @p0 s4, $0x11  }
0xaa: {  	s5 =	sor.u32 @p0 s6, s5  }
0xab: {  	[sflag:s5] =	ssyncadd.remote.s32 @p0 $0x1;
	_ =	sdelay $0x1  }
0xac: {  	s5 =	simm.s32 @p0 $0x1B8D  }
0xad: {  	_ =	swait.eq @p0 [sflag:s5], $0x1  }
0xae: {  	[sflag:s5] =	ssyncadd.s32 @p0 $0xFFFFFFFF  }
0xaf: {  	s6 =	sshll.u32 @!p0 s1, $0xE  }
0xb0: {  	s6 =	sor.u32 @!p0 $0x4000, s6;
	s5 =	simm.s32 @!p0 $0x1B8D  }
0xb1: {  	s4 =	sshll.u32 @!p0 s4, $0x11;
	s6 =	sadd.s32 @!p0 $0x11B8D, s6;
	_ =	swait.eq @!p0 [sflag:s5], $0x1  }
0xb2: {  	s4 =	sor.u32 @!p0 s4, s6;
	[sflag:s5] =	ssyncadd.s32 @!p0 $0xFFFFFFFF  }
0xb3: {  	s25 =	simm.s32 $0x1B8E;
	s24 =	sld [smem:$0x3FFE];
	[sflag:s4] =	ssyncadd.remote.s32 @!p0 $0x1  }
0xb4: {  	s26 =	simm.s32 $execute0_lowered;
	[smem:$0x3FD2] =	sst s25  }
0xb5: {  	s5 =	sshll.u32 s26, $0x1;
	_ =	strace $0x80000049;
	[dreg:$0x1] =	wrdreg $0xFFFFFFFF  }
0xb6: {  	s28 =	simm.s32 $_size_execute0_lowered;
	s3 =	sadd.s32 s3, s5;
	[dreg:$0x0] =	wrdreg $0x0  }
0xb7: {  	s5 =	sshll.u32 s28, $0x1;
	[dreg:$0x2] =	wrdreg s3  }
0xb8: {  	[dreg:$0x3] =	wrdreg s5  }
0xb9: {  	[dreg:$0x4] =	wrdreg $0xC0  }
0xba: {  	_ =	task [dreg:s22], $0x5FFFF  }
0xbb: {  	[dreg:$0x1] =	wrdreg $0xFFFFFFFF  }
0xbc: {  	[dreg:$0x0] =	wrdreg $0x60  }
0xbd: {  	[dreg:$0x2] =	wrdreg s24  }
0xbe: {  	[dreg:$0x3] =	wrdreg $0x9  }
0xbf: {  	_ =	task.clear_ibuf [dreg:s22], $0x4FFFF;
	_ =	strace $0x90000049  }
0xc0: {  	s29 =	simm.s32 $0x9;
	_ =	strace $0x8000004B  }
0xc1: {  	_ =	swait.ge [sflag:s29], $0x1  }
0xc2: {  	[sflag:s29] =	ssyncadd.s32 $0xFFFFFFFF  }
0xc3: {  	_ =	strace $0x9000004B  }
0xc4: {  	_ =	sfence  }
0xc5: {  	s30 =	sld [smem:$0x0];
	_ =	sdelay $0x2  }
0xc6: {  	s31 =	sshll.u32 s1, $0xD;
	s1 =	sshrl.u32 s1, $0x2  }
0xc7: {  	s4 =	sand.u32 $0x4000, s31;
	s1 =	sadd.s32 s1, s30  }
0xc8: {  	s0 =	sor.u32 s4, s0;
	s1 =	sshll.u32 s1, $0x11  }
0xc9: {  	s0 =	sor.u32 s1, s0  }
0xca: {  	s0 =	sadd.s32 $0x8F2B, s0  }
0xcb: {  	[sflag:s0] =	ssyncadd.remote.s32 $0x1  }
0xcc: {  	_ =	sfence.sel $0xFFFF  }
0xcd: {  	[dreg:$0x0] =	wrdreg $0xFFFFFFFF;
	(pc) =	sbr.abs _section_cstart, $3  }
0xce: {  	[dreg:$0x1] =	wrdreg $0xFFFFFFFF  }
0xcf: {  	_ =	task.clear_ibuf [dreg:s22], $0x2FFFF;
	_ =	strace $0x9FFFFFFF  }
0xd0: {  	(tm) =	ssettm $0x7FFFFFFF  }
0xd1: {  	_ =	shalt  }
tec
execute0_lowered:
.L_overlay_start_1:
0x0: {  	(tag) =	ssettag $0x1  }
0x1: {  	s4 =	rddreg [dreg:$0x0]  }
0x2: {  	s0 =	rddreg [dreg:$0x1]  }
0x3: {  	s3 =	srdreg.scid;
	s1 =	stileid.u32;
	s2 =	simm.s32 $0x0  }
0x4: {  	s13 =	simm.s32 $0x5400;
	s14 =	simm.s32 $0x1;
	s15 =	simm.s32 $0x2  }
0x5: {  	s16 =	simm.s32 $0x1380;
	s17 =	simm.s32 $0x0;
	s9 =	smul.u32 $0x50, s1  }
0x6: {  	s7 =	sand.u32 $0x1, s3;
	s24 =	sshll.u32 s1, $0x1;
	s29 =	smul.u32 $0x28000, s1  }
0x7: {  	[smem:$0x7FF] =	sst s2;
	s3 =	sadd.s32 $0x2A7A00, s4;
	s11 =	smul.u32 $0x28, s7  }
0x8: {  	s12 =	sadd.s32 $0x2CCA00, s4;
	s5 =	sor.u32 s7, s24;
	s30 =	smul.u32 $0x14000, s7  }
0x9: {  	_ =	strace $0x8000004A;
	s8 =	ssub.s32 $0x2, s7;
	s6 =	smul.u32 $0x280, s5  }
0xa: {  	s10 =	sshrl.u32 s8, $0x1;
	s25 =	smul.u32 $0x14000, s5;
	s31 =	sadd.s32 s29, s12  }
0xb: {  	s8 =	ssub.s32 s8, s10;
	s26 =	sadd.s32 s11, s9;
	s10 =	simm.s32 $0x3  }
0xc: {  	s11 =	simm.s32 $0x1400;
	s6 =	sadd.s32 s6, s4;
	s5 =	smax.u32 s8, $0x1  }
0xd: {  	s28 =	sadd.s32 s12, s25;
	s9 =	sshll.u32 s26, $0xB;
	s4 =	sadd.s32 $0x2C7A00, s6  }
0xe: {  	s6 =	sadd.s32 $0x13000, s28;
	s9 =	sadd.s32 s9, s12;
	s7 =	sadd.s32 $0x13800, s28  }
0xf: {  	s12 =	simm.s32 $0x80;
	s8 =	sadd.s32 $0x800, s9;
	s9 =	sadd.s32 s30, s31  }
.LBB2_1:
0x10: {  	[tilespmem:s2], [sflag:$0x3] =	stream.linear.gather [hbm4b:s4+s2], $0x1400, $0x38;
	[tilespmem:$0x9400] =	vst v63  }
0x11: {  	_ =	swait.ge [sflag:s10], $0x1400  }
0x12: {  	[sflag:s10] =	ssyncset.done $0x0  }
0x13: {  	[sflag:s10] =	ssyncadd.s32 $0xFFFFEC00  }
0x14: {  	[tilespmem:s11], [sflag:$0x1] =	stream.indirect.gather [hbm4b:s3+s12], $0x80, s2, s12, $0xb8;
	[tilespmem:$0x9400] =	vst v63  }
0x15: {  	_ = 	snop  }
0x16: {  	[tilespmem:s13], [sflag:$0x2] =	stream.indirect.gather [hbm4b:s3+s12], $0x80, s12, s12, $0xb8;
	[tilespmem:$0x9400] =	vst v63  }
0x17: {  	_ =	swait.ge [sflag:s14], $0x4000  }
0x18: {  	[sflag:s14] =	ssyncset.done $0x0  }
0x19: {  	s18 =	sadd.s32 $0x0, s9;
	[sflag:s14] =	ssyncadd.s32 $0xFFFFC000  }
0x1a: {  	[hbm4b:s18+s2] =	stream.linear.scatter [tilespmem:s11], [sflag:$0x3], $0x4000, $0x38;
	[tilespmem:$0x9400] =	vst v63  }
0x1b: {  	_ =	swait.ge [sflag:s10], $0x4000  }
0x1c: {  	[sflag:s10] =	ssyncset.done $0x0  }
0x1d: {  	s30 =	simm.s32 $0x100;
	[sflag:s10] =	ssyncadd.s32 $0xFFFFC000  }
0x1e: {  	[tilespmem:s11], [sflag:$0x1] =	stream.indirect.gather [hbm4b:s3+s12], $0x80, s30, s12, $0xb8;
	[tilespmem:$0x9400] =	vst v63  }
0x1f: {  	_ =	swait.ge [sflag:s15], $0x4000  }
0x20: {  	[sflag:s15] =	ssyncset.done $0x0  }
0x21: {  	s31 =	sadd.s32 $0x0, s8;
	[sflag:s15] =	ssyncadd.s32 $0xFFFFC000  }
0x22: {  	[hbm4b:s31+s2] =	stream.linear.scatter [tilespmem:s13], [sflag:$0x3], $0x4000, $0x38;
	[tilespmem:$0x9400] =	vst v63  }
0x23: {  	_ =	swait.ge [sflag:s10], $0x4000  }
0x24: {  	s19 =	simm.s32 $0x80;
	s18 =	simm.s32 $0x1000;
	[sflag:s10] =	ssyncset.done $0x0  }
.LBB2_2:
0x25: {  	p0 =	sne.s32 s18, $0x12000;
	[sflag:s10] =	ssyncadd.s32 $0xFFFFC000;
	s19 =	sadd.s32 $0x100, s19  }
0x26: {  	[tilespmem:s13], [sflag:$0x2] =	stream.indirect.gather [hbm4b:s3+s12], $0x80, s19, s12, $0xb8;
	[tilespmem:$0x9400] =	vst v63  }
0x27: {  	s20 =	smov.u32 s18;
	s18 =	sadd.s32 $0x1000, s18;
	_ =	swait.ge [sflag:s14], $0x4000  }
0x28: {  	[sflag:s14] =	ssyncset.done $0x0  }
0x29: {  	s21 =	sadd.s32 s20, s9;
	[sflag:s14] =	ssyncadd.s32 $0xFFFFC000  }
0x2a: {  	[hbm4b:s21+s2] =	stream.linear.scatter [tilespmem:s11], [sflag:$0x3], $0x4000, $0x38;
	[tilespmem:$0x9400] =	vst v63  }
0x2b: {  	_ =	swait.ge [sflag:s10], $0x4000  }
0x2c: {  	[sflag:s10] =	ssyncset.done $0x0  }
0x2d: {  	s21 =	sadd.s32 $0x80, s19;
	[sflag:s10] =	ssyncadd.s32 $0xFFFFC000  }
0x2e: {  	[tilespmem:s11], [sflag:$0x1] =	stream.indirect.gather [hbm4b:s3+s12], $0x80, s21, s12, $0xb8;
	[tilespmem:$0x9400] =	vst v63  }
0x2f: {  	_ =	swait.ge [sflag:s15], $0x4000  }
.Ltmp0:
0x30: {  	[sflag:s15] =	ssyncset.done $0x0;
	(pc) =	sbr.rel @p0 .LBB2_2-.Ltmp0, $4  }
0x31: {  	s20 =	sadd.s32 s20, s8;
	[sflag:s15] =	ssyncadd.s32 $0xFFFFC000  }
0x32: {  	[hbm4b:s20+s2] =	stream.linear.scatter [tilespmem:s13], [sflag:$0x3], $0x4000, $0x38;
	[tilespmem:$0x9400] =	vst v63  }
0x33: {  	_ =	swait.ge [sflag:s10], $0x4000  }
0x34: {  	[sflag:s10] =	ssyncset.done $0x0  }
0x35: {  	[sflag:s10] =	ssyncadd.s32 $0xFFFFC000  }
0x36: {  	[tilespmem:s13], [sflag:$0x2] =	stream.indirect.gather [hbm4b:s3+s12], $0x80, s16, s12, $0xb8;
	[tilespmem:$0x9400] =	vst v63  }
0x37: {  	_ =	swait.ge [sflag:s14], $0x4000  }
0x38: {  	[sflag:s14] =	ssyncset.done $0x0  }
0x39: {  	[sflag:s14] =	ssyncadd.s32 $0xFFFFC000  }
0x3a: {  	[hbm4b:s6+s2] =	stream.linear.scatter [tilespmem:s11], [sflag:$0x3], $0x4000, $0x38;
	[tilespmem:$0x9400] =	vst v63  }
0x3b: {  	_ =	swait.ge [sflag:s10], $0x4000  }
0x3c: {  	[sflag:s10] =	ssyncset.done $0x0  }
0x3d: {  	[sflag:s10] =	ssyncadd.s32 $0xFFFFC000  }
0x3e: {  	s17 =	sadd.s32 $0x1, s17;
	_ =	swait.ge [sflag:s15], $0x4000  }
0x3f: {  	p0 =	sne.s32 s17, s5;
	[sflag:s15] =	ssyncset.done $0x0  }
.Ltmp1:
0x40: {  	[sflag:s15] =	ssyncadd.s32 $0xFFFFC000;
	(pc) =	sbr.rel @p0 .LBB2_1-.Ltmp1, $4  }
0x41: {  	[hbm4b:s7+s2] =	stream.linear.scatter [tilespmem:s13], [sflag:$0x3], $0x4000, $0x38;
	[tilespmem:$0x9400] =	vst v63  }
0x42: {  	_ =	swait.ge [sflag:s10], $0x4000  }
0x43: {  	[sflag:s10] =	ssyncset.done $0x0  }
0x44: {  	[sflag:s10] =	ssyncadd.s32 $0xFFFFC000  }
0x45: {  	_ =	sfence.sel $0x180000  }
0x46: {  	[bflag:$0x0] =	sbarrier.arrive $0xFFFF  }
0x47: {  	p0 =	sne.s32 s1, $0x0;
	_ =	strace $0x9000004A  }
0x48: {  	s0 =	sadd.s32 @!p0 $0x100000, s0;
	[bflag:$0x2] =	sbarrier.arrive $0xFFFF  }
0x49: {  	[sflag:s0] =	ssyncadd.tile.s32 @!p0 $0x1;
	_ =	shalt  }
.Lfunc_end2:
_tile_overlayer_lowered:
.L_overlay_start_2:
0x4a: {  	(tag) =	ssettag $0x2  }
0x4b: {  	s0 =	rddreg [dreg:$0x0];
	s2 =	stileid.u32  }
0x4c: {  	s1 =	rddreg [dreg:$0x1];
	p0 =	sne.s32 s2, $0x0  }
0x4d: {  	s3 =	rddreg [dreg:$0x2];
	[bflag:$0x3] =	sbarrier.arrive $0xFFFF;
	s2 =	simm.s32 @!p0 $0x1C03  }
0x4e: {  	[timem:s3], [sflag:s2] =	dma.local @!p0 [hbm:s0], s1  }
0x4f: {  	s0 =	simm.s32 @!p0 $0x3  }
0x50: {  	_ =	swait.ge @!p0 [sflag:s0], s1  }
0x51: {  	s1 =	ssub.s32 @!p0 $0x0, s1;
	[sflag:s0] =	ssyncset.done @!p0 $0x0  }
0x52: {  	[sflag:s0] =	ssyncadd.s32 @!p0 s1  }
0x53: {  	[bflag:$0x3] =	sbarrier.arrive $0xFFFF  }
0x54: {  	_ =	shalt  }

</sc_bundles>
